<compile_context>
chip_gen: v7x
topology: tpu7x:2x2x1
jax: 0.10.2.dev20260603
libtpu: 0.0.44.dev20260713+nightly
codegen_flags: <defaults>
</compile_context>

<pallas_src>
import functools

import jax
import jax.numpy as jnp
from jax import lax
from jax.experimental import pallas as pl
from jax.experimental.pallas import tpu as pltpu
from jax.experimental.pallas import tpu_sc as plsc

N = 10000
E = 320000
F_IN = 128
H = 256
G = 64
EPS = 1e-5

NACC = 10112
STRIPE = NACC // 16
EPAD = 327680
CH_DEG = EPAD // (32 * 128)
NG = 5
GC_ES = 16
GC_FS = 32

_MESH = dict(core_axis_name="c", subcore_axis_name="s")


@functools.partial(
    pl.kernel,
    out_type=jax.ShapeDtypeStruct((2, NACC, 128), jnp.float32),
    mesh=plsc.VectorSubcoreMesh(**_MESH),
    scratch_types=[
        pltpu.VMEM((GC_ES, 128), jnp.int32),
        pltpu.VMEM((128, 128), jnp.float32),
        pltpu.VMEM_SHARED((NACC, 128), jnp.float32),
    ],
)
def _deg_sc(cols_hbm, zeros_hbm, ones_hbm, out_hbm, colv, onesv, dacc):
    c = lax.axis_index("c")
    s = lax.axis_index("s")
    wid = s * 2 + c

    pltpu.sync_copy(zeros_hbm, dacc.at[pl.ds(s * STRIPE, STRIPE)])
    pltpu.sync_copy(ones_hbm, onesv)
    plsc.subcore_barrier()

    def group(g, carry):
        pltpu.sync_copy(cols_hbm.at[wid, g], colv)

        def body(j, carry2):
            pltpu.sync_copy(onesv, dacc.at[colv.at[j]], add=True)
            return carry2

        lax.fori_loop(0, GC_ES, body, 0)
        return carry

    lax.fori_loop(0, NG, group, 0)
    plsc.subcore_barrier()
    pltpu.sync_copy(dacc.at[pl.ds(s * STRIPE, STRIPE)],
                    out_hbm.at[c, pl.ds(s * STRIPE, STRIPE)])


def _make_spmm(feature_split):
    gc = GC_FS if feature_split else GC_ES

    @functools.partial(
        pl.kernel,
        out_type=jax.ShapeDtypeStruct((2, NACC, 128), jnp.float32),
        mesh=plsc.VectorSubcoreMesh(**_MESH),
        scratch_types=[
            pltpu.VMEM((gc, 128), jnp.int32),
            pltpu.VMEM((gc, 128), jnp.int32),
            pltpu.VMEM((128, 128), jnp.float32),
            pltpu.VMEM((128, 128), jnp.float32),
            pltpu.VMEM_SHARED((NACC, 128), jnp.float32),
            pltpu.SemaphoreType.DMA,
            pltpu.SemaphoreType.DMA,
            pltpu.SemaphoreType.DMA,
            pltpu.SemaphoreType.DMA,
        ],
    )
    def spmm(hs_hbm, rows_hbm, cols_hbm, zeros_hbm, out_hbm, rowv, colv,
             bufa, bufb, acc, gsema, gsemb, ssema, ssemb):
        c = lax.axis_index("c")
        s = lax.axis_index("s")

        pltpu.sync_copy(zeros_hbm, acc.at[pl.ds(s * STRIPE, STRIPE)])
        plsc.subcore_barrier()

        def group(g, carry):
            if feature_split:
                pltpu.sync_copy(rows_hbm.at[c, s, g], rowv)
                pltpu.sync_copy(cols_hbm.at[s, g], colv)
            else:
                wid = s * 2 + c
                pltpu.sync_copy(rows_hbm.at[wid, g], rowv)
                pltpu.sync_copy(cols_hbm.at[wid, g], colv)

            pltpu.async_copy(hs_hbm.at[rowv.at[0]], bufa, gsema)
            pltpu.async_copy(hs_hbm.at[rowv.at[1]], bufb, gsemb)

            def pair(p, carry2):
                j0 = 2 * p
                pltpu.make_async_copy(hs_hbm.at[rowv.at[j0]], bufa, gsema).wait()
                pltpu.async_copy(bufa, acc.at[colv.at[j0]], ssema, add=True)
                pltpu.make_async_copy(hs_hbm.at[rowv.at[j0 + 1]], bufb, gsemb).wait()
                pltpu.async_copy(bufb, acc.at[colv.at[j0 + 1]], ssemb, add=True)
                pltpu.make_async_copy(bufa, acc.at[colv.at[j0]], ssema).wait()
                pltpu.async_copy(hs_hbm.at[rowv.at[j0 + 2]], bufa, gsema)
                pltpu.make_async_copy(bufb, acc.at[colv.at[j0 + 1]], ssemb).wait()
                pltpu.async_copy(hs_hbm.at[rowv.at[j0 + 3]], bufb, gsemb)
                return carry2

            lax.fori_loop(0, gc // 2 - 1, pair, 0)
            pltpu.make_async_copy(hs_hbm.at[rowv.at[gc - 2]], bufa, gsema).wait()
            pltpu.async_copy(bufa, acc.at[colv.at[gc - 2]], ssema, add=True)
            pltpu.make_async_copy(hs_hbm.at[rowv.at[gc - 1]], bufb, gsemb).wait()
            pltpu.async_copy(bufb, acc.at[colv.at[gc - 1]], ssemb, add=True)
            pltpu.make_async_copy(bufa, acc.at[colv.at[gc - 2]], ssema).wait()
            pltpu.make_async_copy(bufb, acc.at[colv.at[gc - 1]], ssemb).wait()
            return carry

        lax.fori_loop(0, NG, group, 0)
        plsc.subcore_barrier()
        pltpu.sync_copy(acc.at[pl.ds(s * STRIPE, STRIPE)],
                        out_hbm.at[c, pl.ds(s * STRIPE, STRIPE)])

    return spmm


_spmm_es = _make_spmm(False)
_spmm_fs = _make_spmm(True)


def _dinv_body(deg_ref, out_ref):
    out_ref[...] = lax.rsqrt(deg_ref[0] + deg_ref[1] + 1.0)


def _dinv_tc(degparts):
    return pl.pallas_call(
        _dinv_body,
        out_shape=jax.ShapeDtypeStruct((79, 128), jnp.float32),
    )(degparts)


def _hsx_body(x_ref, dinv_ref, o_ref):
    o_ref[...] = x_ref[...] * dinv_ref[...]


def _hsx_tc(x, dinv_n):
    nb = 1000
    return pl.pallas_call(
        _hsx_body,
        grid=(N // nb,),
        in_specs=[
            pl.BlockSpec((nb, F_IN), lambda i: (i, 0)),
            pl.BlockSpec((nb, 1), lambda i: (i, 0)),
        ],
        out_specs=pl.BlockSpec((nb, F_IN), lambda i: (i, 0)),
        out_shape=jax.ShapeDtypeStruct((N, F_IN), jnp.float32),
    )(x, dinv_n)


def _make_layer(first, out_hs):
    def body(acc_ref, hsp_ref, dinv_ref, w_ref, b_ref, g_ref, be_ref,
             rm_ref, rv_ref, o_ref):
        dinv = dinv_ref[...]
        if first:
            comb = acc_ref[0] + acc_ref[1] + hsp_ref[...]
        else:
            comb = (jnp.concatenate([acc_ref[0], acc_ref[1]], axis=1)
                    + jnp.concatenate([hsp_ref[0], hsp_ref[1]], axis=1))
        conv = dinv * comb
        y = jnp.dot(conv, w_ref[...], preferred_element_type=jnp.float32)
        t = ((y + b_ref[...] - rm_ref[...])
             * lax.rsqrt(rv_ref[...] + EPS) * g_ref[...] + be_ref[...])
        h = jnp.maximum(t, 0.0)
        if out_hs:
            hs = h * dinv
            o_ref[0] = hs[:, :128]
            o_ref[1] = hs[:, 128:]
        else:
            o_ref[...] = h

    nb = 1000
    fin = F_IN if first else H
    if first:
        hsp_spec = pl.BlockSpec((nb, F_IN), lambda i: (i, 0))
    else:
        hsp_spec = pl.BlockSpec((2, nb, 128), lambda i: (0, i, 0))
    if out_hs:
        out_spec = pl.BlockSpec((2, nb, 128), lambda i: (0, i, 0))
        out_shape = jax.ShapeDtypeStruct((2, N, 128), jnp.float32)
    else:
        out_spec = pl.BlockSpec((nb, H), lambda i: (i, 0))
        out_shape = jax.ShapeDtypeStruct((N, H), jnp.float32)

    def run(acc, hsp, dinv_n, w, b, g, be, rm, rv):
        return pl.pallas_call(
            body,
            grid=(N // nb,),
            in_specs=[
                pl.BlockSpec((2, nb, 128), lambda i: (0, i, 0)),
                hsp_spec,
                pl.BlockSpec((nb, 1), lambda i: (i, 0)),
                pl.BlockSpec((fin, H), lambda i: (0, 0)),
                pl.BlockSpec((1, H), lambda i: (0, 0)),
                pl.BlockSpec((1, H), lambda i: (0, 0)),
                pl.BlockSpec((1, H), lambda i: (0, 0)),
                pl.BlockSpec((1, H), lambda i: (0, 0)),
                pl.BlockSpec((1, H), lambda i: (0, 0)),
            ],
            out_specs=out_spec,
            out_shape=out_shape,
        )(acc, hsp, dinv_n, w, b, g, be, rm, rv)

    return run


_layer1 = _make_layer(True, True)
_layer2 = _make_layer(False, True)
_layer3 = _make_layer(False, False)


def _pool_body(h_ref, bf_ref, w1_ref, b1_ref, w2_ref, b2_ref, out_ref,
               pacc, cacc):
    i = pl.program_id(0)

    @pl.when(i == 0)
    def _():
        pacc[...] = jnp.zeros_like(pacc)
        cacc[...] = jnp.zeros_like(cacc)

    gids = lax.broadcasted_iota(jnp.int32, (1, G), 1).astype(jnp.float32)
    onehot = jnp.where(bf_ref[...] == gids, 1.0, 0.0)
    pacc[...] += lax.dot_general(onehot, h_ref[...], (((0,), (0,)), ((), ())),
                                 preferred_element_type=jnp.float32)
    ones = jnp.ones((onehot.shape[0], 128), jnp.float32)
    cacc[...] += lax.dot_general(onehot, ones, (((0,), (0,)), ((), ())),
                                 preferred_element_type=jnp.float32)

    @pl.when(i == pl.num_programs(0) - 1)
    def _():
        cnt = jnp.maximum(cacc[:, :1], 1.0)
        pooled = pacc[...] / cnt
        z = jnp.maximum(jnp.dot(pooled, w1_ref[...],
                                preferred_element_type=jnp.float32)
                        + b1_ref[...], 0.0)
        logit = jnp.sum(z * w2_ref[...], axis=1, keepdims=True) + b2_ref[...]
        out_ref[...] = logit


def _pool_tc(h3, batchf, mW1, mb1, mW2r, mb2):
    nb = 1000
    return pl.pallas_call(
        _pool_body,
        grid=(N // nb,),
        in_specs=[
            pl.BlockSpec((nb, H), lambda i: (i, 0)),
            pl.BlockSpec((nb, 1), lambda i: (i, 0)),
            pl.BlockSpec((H, H), lambda i: (0, 0)),
            pl.BlockSpec((1, H), lambda i: (0, 0)),
            pl.BlockSpec((1, H), lambda i: (0, 0)),
            pl.BlockSpec((1, 1), lambda i: (0, 0)),
        ],
        out_specs=pl.BlockSpec((G, 1), lambda i: (0, 0)),
        out_shape=jax.ShapeDtypeStruct((G, 1), jnp.float32),
        scratch_shapes=[
            pltpu.VMEM((G, H), jnp.float32),
            pltpu.VMEM((G, 128), jnp.float32),
        ],
    )(h3, batchf, mW1, mb1, mW2r, mb2)


def kernel(x, edge_index, batch, W1, b1, g1, be1, rm1, rv1, W2, b2, g2, be2,
           rm2, rv2, W3, b3, g3, be3, rm3, rv3, mW1, mb1, mW2, mb2):
    ei = edge_index.astype(jnp.int32)
    pad = EPAD - E
    rowp = jnp.concatenate([ei[0], jnp.zeros((pad,), jnp.int32)])
    colp = jnp.concatenate([ei[1], jnp.full((pad,), N, jnp.int32)])

    cols_es = colp.reshape(32, NG, GC_ES, 128)
    rows_es = (rowp.reshape(32, NG, GC_ES, 128)
               + (jnp.arange(32, dtype=jnp.int32)[:, None, None, None] % 2) * N)
    rows_fs = jnp.stack([rowp, rowp + N]).reshape(2, 16, NG, GC_FS, 128)
    cols_fs = colp.reshape(16, NG, GC_FS, 128)

    zeros = jnp.zeros((STRIPE, 128), jnp.float32)
    ones128 = jnp.ones((128, 128), jnp.float32)

    degparts = _deg_sc(cols_es, zeros, ones128)
    deg2d = degparts[:, :, 0].reshape(2, 79, 128)
    dinv = _dinv_tc(deg2d).reshape(NACC)[:N, None]

    hsx = _hsx_tc(x, dinv)

    b1r, g1r, be1r, rm1r, rv1r = (v.reshape(1, H) for v in (b1, g1, be1, rm1, rv1))
    b2r, g2r, be2r, rm2r, rv2r = (v.reshape(1, H) for v in (b2, g2, be2, rm2, rv2))
    b3r, g3r, be3r, rm3r, rv3r = (v.reshape(1, H) for v in (b3, g3, be3, rm3, rv3))

    hsx2 = jnp.concatenate([hsx, hsx], axis=0)
    acc1 = _spmm_es(hsx2, rows_es, cols_es, zeros)
    hs1 = _layer1(acc1, hsx, dinv, W1, b1r, g1r, be1r, rm1r, rv1r)

    acc2 = _spmm_fs(hs1.reshape(2 * N, 128), rows_fs, cols_fs, zeros)
    hs2 = _layer2(acc2, hs1, dinv, W2, b2r, g2r, be2r, rm2r, rv2r)

    acc3 = _spmm_fs(hs2.reshape(2 * N, 128), rows_fs, cols_fs, zeros)
    h3 = _layer3(acc3, hs2, dinv, W3, b3r, g3r, be3r, rm3r, rv3r)

    batchf = batch.astype(jnp.float32).reshape(N, 1)
    logit = _pool_tc(h3, batchf, mW1, mb1.reshape(1, H),
                     mW2.reshape(1, H), mb2.reshape(1, 1))
    return logit[:, 0]

# --- scband reference (transcript-rebuilt; emitter-appended) ---
"""Pipeline reference for scband-gnn3-layer-binary-31164282700640 (READ-ONLY COPY).

The authoritative reference and input builder live on the scoring server;
editing this copy changes nothing except your own understanding.
"""

import jax, jax.numpy as jnp
import numpy as np

N = 10000
E = 320000
F_IN = 128
H = 256
G = 64
EPS = 1e-5


def setup_inputs(seed: int = 0) -> dict:
    key = jax.random.key(seed)
    ks = jax.random.split(key, 32)
    x = jax.random.normal(ks[0], (N, F_IN), dtype=jnp.float32)
    edge_index = jax.random.randint(ks[1], (2, E), 0, N)
    batch = jnp.sort(jax.random.randint(ks[2], (N,), 0, G))
    s = 0.05
    inp = {
        'x': x,
        'edge_index': edge_index,
        'batch': batch,
        'W1': jax.random.normal(ks[3], (F_IN, H), dtype=jnp.float32) * s,
        'b1': jnp.zeros((H,), dtype=jnp.float32),
        'g1': jnp.ones((H,), dtype=jnp.float32) + jax.random.normal(ks[4], (H,), dtype=jnp.float32) * 0.05,
        'be1': jax.random.normal(ks[5], (H,), dtype=jnp.float32) * 0.05,
        'rm1': jnp.zeros((H,), dtype=jnp.float32),
        'rv1': jnp.ones((H,), dtype=jnp.float32),
        'W2': jax.random.normal(ks[6], (H, H), dtype=jnp.float32) * s,
        'b2': jnp.zeros((H,), dtype=jnp.float32),
        'g2': jnp.ones((H,), dtype=jnp.float32) + jax.random.normal(ks[7], (H,), dtype=jnp.float32) * 0.05,
        'be2': jax.random.normal(ks[8], (H,), dtype=jnp.float32) * 0.05,
        'rm2': jnp.zeros((H,), dtype=jnp.float32),
        'rv2': jnp.ones((H,), dtype=jnp.float32),
        'W3': jax.random.normal(ks[9], (H, H), dtype=jnp.float32) * s,
        'b3': jnp.zeros((H,), dtype=jnp.float32),
        'g3': jnp.ones((H,), dtype=jnp.float32) + jax.random.normal(ks[10], (H,), dtype=jnp.float32) * 0.05,
        'be3': jax.random.normal(ks[11], (H,), dtype=jnp.float32) * 0.05,
        'rm3': jnp.zeros((H,), dtype=jnp.float32),
        'rv3': jnp.ones((H,), dtype=jnp.float32),
        'mW1': jax.random.normal(ks[12], (H, H), dtype=jnp.float32) * s,
        'mb1': jnp.zeros((H,), dtype=jnp.float32),
        'mW2': jax.random.normal(ks[13], (H, 1), dtype=jnp.float32) * s,
        'mb2': jnp.zeros((1,), dtype=jnp.float32),
    }
    return inp


def _gcn_conv(x, ei, ew, W, b):
    row, col = ei[0], ei[1]
    deg = jax.ops.segment_sum(ew, col, num_segments=N)
    dinv = jnp.where(deg > 0, 1.0 / jnp.sqrt(deg), 0.0)
    norm = dinv[row] * ew * dinv[col]
    h = x @ W
    out = jax.ops.segment_sum(norm[:, None] * h[row], col, num_segments=N)
    return out + b


def _bn(x, g, b, rm, rv):
    return (x - rm) / jnp.sqrt(rv + EPS) * g + b


def reference(x, edge_index, batch, W1, b1, g1, be1, rm1, rv1, W2, b2, g2, be2, rm2, rv2, W3, b3, g3, be3, rm3, rv3, mW1, mb1, mW2, mb2):
    loops = jnp.arange(N, dtype=edge_index.dtype)
    ei = jnp.concatenate([edge_index, jnp.stack([loops, loops])], axis=1)
    ew = jnp.ones((ei.shape[1],), dtype=jnp.float32)
    h = jax.nn.relu(_bn(_gcn_conv(x, ei, ew, W1, b1), g1, be1, rm1, rv1))
    h = jax.nn.relu(_bn(_gcn_conv(h, ei, ew, W2, b2), g2, be2, rm2, rv2))
    h = jax.nn.relu(_bn(_gcn_conv(h, ei, ew, W3, b3), g3, be3, rm3, rv3))
    s = jax.ops.segment_sum(h, batch, num_segments=G)
    cnt = jax.ops.segment_sum(jnp.ones((N,), dtype=jnp.float32), batch, num_segments=G)
    pooled = s / jnp.maximum(cnt, 1.0)[:, None]
    z = jax.nn.relu(pooled @ mW1 + mb1)
    logit = (z @ mW2 + mb2).squeeze(-1)
    return logit

if __name__ == "__main__":
    import jax
    _d = setup_inputs()
    print(jax.jit(kernel)(*tuple(_d.values())))

</pallas_src>

<mosaic_0001>
#map = affine_map<(d0, d1) -> (0, 0)>
#map1 = affine_map<(d0, d1) -> (0, 0, 0, 0, 0)>
#map2 = affine_map<(d0, d1) -> (0, 0, 0, 0)>
#map3 = affine_map<(d0, d1) -> (0, 0, 0)>
module attributes {stable_mosaic.version = 14 : i64} {
  func.func @spmm(%arg0: i32, %arg1: i32, %arg2: memref<20000x128xf32, #tpu.memory_space<hbm>>, %arg3: memref<2x16x5x32x128xi32, #tpu.memory_space<hbm>>, %arg4: memref<16x5x32x128xi32, #tpu.memory_space<hbm>>, %arg5: memref<632x128xf32, #tpu.memory_space<hbm>>, %arg6: memref<2x10112x128xf32, #tpu.memory_space<hbm>>, %arg7: memref<32x128xi32, #tpu.memory_space<vmem>>, %arg8: memref<32x128xi32, #tpu.memory_space<vmem>>, %arg9: memref<128x128xf32, #tpu.memory_space<vmem>>, %arg10: memref<128x128xf32, #tpu.memory_space<vmem>>, %arg11: memref<10112x128xf32, #tpu.memory_space<vmem_shared>>, %arg12: memref<!tpu.dma_semaphore, #tpu.memory_space<semaphore_mem>>, %arg13: memref<!tpu.dma_semaphore, #tpu.memory_space<semaphore_mem>>, %arg14: memref<!tpu.dma_semaphore, #tpu.memory_space<semaphore_mem>>, %arg15: memref<!tpu.dma_semaphore, #tpu.memory_space<semaphore_mem>>) attributes {dimension_semantics = [#tpu.dimension_semantics<core_parallel>, #tpu.dimension_semantics<subcore_parallel>], iteration_bounds = array<i64: 2, 16>, scalar_prefetch = 0 : i64, scratch_operands = 9 : i64, tpu.core_type = #tpu.core_type<sc_vector_subcore>, window_params = [{transform_indices = #map}, {transform_indices = #map1}, {transform_indices = #map2}, {transform_indices = #map}, {transform_indices = #map3}]} {
    %mul3A = arith.constant 632 : i32
    %mul3A_0 = arith.muli %arg1, %mul3A : i32
    "tpu.region"() ({
      %run_scoped3A = tpu.sem_alloc : memref<!tpu.dma_semaphore, #tpu.memory_space<semaphore_mem>>
      %dma_start3A = arith.constant 0 : i32
      %dma_start3A_11 = tpu.memref_slice %arg11[%mul3A_0, %dma_start3A] : memref<10112x128xf32, #tpu.memory_space<vmem_shared>> -> memref<632x128xf32, #tpu.memory_space<vmem_shared>>
      tpu.enqueue_dma source(%arg5 : memref<632x128xf32, #tpu.memory_space<hbm>>) target(%dma_start3A_11 : memref<632x128xf32, #tpu.memory_space<vmem_shared>>) target_semaphore(%run_scoped3A : memref<!tpu.dma_semaphore, #tpu.memory_space<semaphore_mem>>)
      %dma_wait3A = arith.constant 0 : i32
      %dma_wait3A_12 = tpu.memref_slice %arg11[%mul3A_0, %dma_wait3A] : memref<10112x128xf32, #tpu.memory_space<vmem_shared>> -> memref<632x128xf32, #tpu.memory_space<vmem_shared>>
      tpu.wait_dma2 semaphore(%run_scoped3A : memref<!tpu.dma_semaphore, #tpu.memory_space<semaphore_mem>>) src(%arg5 : memref<632x128xf32, #tpu.memory_space<hbm>>) dst(%dma_wait3A_12 : memref<632x128xf32, #tpu.memory_space<vmem_shared>>)
      tpu.yield
    }) : () -> ()
    %barrier3A = arith.constant 0 : index
    tpu.barrier barrier_id(%barrier3A)
    %scan3A = arith.constant 0 : i32
    %scan3A_1 = arith.constant 0 : i32
    %scan3A_2 = arith.constant 5 : i32
    %scan3A_3 = arith.addi %scan3A_1, %scan3A_2 : i32
    %scan3A_4 = arith.constant 1 : i32
    scf.for %scan3A_11 = %scan3A_1 to %scan3A_3 step %scan3A_4  : i32 {
      "tpu.region"() ({
        %run_scoped3A = tpu.sem_alloc : memref<!tpu.dma_semaphore, #tpu.memory_space<semaphore_mem>>
        %dma_start3A_72 = arith.constant 0 : i32
        %dma_start3A_73 = arith.constant 0 : i32
        %dma_start3A_74 = tpu.memref_slice %arg3[%arg0, %arg1, %scan3A_11, %dma_start3A_72, %dma_start3A_73] : memref<2x16x5x32x128xi32, #tpu.memory_space<hbm>> -> memref<1x1x1x32x128xi32, #tpu.memory_space<hbm>>
        %dma_start3A_75 = tpu.memref_squeeze %dma_start3A_74 : memref<1x1x1x32x128xi32, #tpu.memory_space<hbm>> -> memref<32x128xi32, #tpu.memory_space<hbm>>
        %dma_start3A_76 = arith.constant 0 : i32
        %dma_start3A_77 = arith.constant 0 : i32
        %dma_start3A_78 = tpu.memref_slice %arg3[%arg0, %arg1, %scan3A_11, %dma_start3A_76, %dma_start3A_77] : memref<2x16x5x32x128xi32, #tpu.memory_space<hbm>> -> memref<1x1x1x32x128xi32, #tpu.memory_space<hbm>>
        %dma_start3A_79 = tpu.memref_squeeze %dma_start3A_78 : memref<1x1x1x32x128xi32, #tpu.memory_space<hbm>> -> memref<32x128xi32, #tpu.memory_space<hbm>>
        tpu.enqueue_dma source(%dma_start3A_79 : memref<32x128xi32, #tpu.memory_space<hbm>>) target(%arg7 : memref<32x128xi32, #tpu.memory_space<vmem>>) target_semaphore(%run_scoped3A : memref<!tpu.dma_semaphore, #tpu.memory_space<semaphore_mem>>)
        %dma_wait3A_80 = arith.constant 0 : i32
        %dma_wait3A_81 = arith.constant 0 : i32
        %dma_wait3A_82 = tpu.memref_slice %arg3[%arg0, %arg1, %scan3A_11, %dma_wait3A_80, %dma_wait3A_81] : memref<2x16x5x32x128xi32, #tpu.memory_space<hbm>> -> memref<1x1x1x32x128xi32, #tpu.memory_space<hbm>>
        %dma_wait3A_83 = tpu.memref_squeeze %dma_wait3A_82 : memref<1x1x1x32x128xi32, #tpu.memory_space<hbm>> -> memref<32x128xi32, #tpu.memory_space<hbm>>
        %dma_wait3A_84 = arith.constant 0 : i32
        %dma_wait3A_85 = arith.constant 0 : i32
        %dma_wait3A_86 = tpu.memref_slice %arg3[%arg0, %arg1, %scan3A_11, %dma_wait3A_84, %dma_wait3A_85] : memref<2x16x5x32x128xi32, #tpu.memory_space<hbm>> -> memref<1x1x1x32x128xi32, #tpu.memory_space<hbm>>
        %dma_wait3A_87 = tpu.memref_squeeze %dma_wait3A_86 : memref<1x1x1x32x128xi32, #tpu.memory_space<hbm>> -> memref<32x128xi32, #tpu.memory_space<hbm>>
        tpu.wait_dma2 semaphore(%run_scoped3A : memref<!tpu.dma_semaphore, #tpu.memory_space<semaphore_mem>>) src(%dma_wait3A_87 : memref<32x128xi32, #tpu.memory_space<hbm>>) dst(%arg7 : memref<32x128xi32, #tpu.memory_space<vmem>>)
        tpu.yield
      }) : () -> ()
      "tpu.region"() ({
        %run_scoped3A = tpu.sem_alloc : memref<!tpu.dma_semaphore, #tpu.memory_space<semaphore_mem>>
        %dma_start3A_72 = arith.constant 0 : i32
        %dma_start3A_73 = arith.constant 0 : i32
        %dma_start3A_74 = tpu.memref_slice %arg4[%arg1, %scan3A_11, %dma_start3A_72, %dma_start3A_73] : memref<16x5x32x128xi32, #tpu.memory_space<hbm>> -> memref<1x1x32x128xi32, #tpu.memory_space<hbm>>
        %dma_start3A_75 = tpu.memref_squeeze %dma_start3A_74 : memref<1x1x32x128xi32, #tpu.memory_space<hbm>> -> memref<32x128xi32, #tpu.memory_space<hbm>>
        %dma_start3A_76 = arith.constant 0 : i32
        %dma_start3A_77 = arith.constant 0 : i32
        %dma_start3A_78 = tpu.memref_slice %arg4[%arg1, %scan3A_11, %dma_start3A_76, %dma_start3A_77] : memref<16x5x32x128xi32, #tpu.memory_space<hbm>> -> memref<1x1x32x128xi32, #tpu.memory_space<hbm>>
        %dma_start3A_79 = tpu.memref_squeeze %dma_start3A_78 : memref<1x1x32x128xi32, #tpu.memory_space<hbm>> -> memref<32x128xi32, #tpu.memory_space<hbm>>
        tpu.enqueue_dma source(%dma_start3A_79 : memref<32x128xi32, #tpu.memory_space<hbm>>) target(%arg8 : memref<32x128xi32, #tpu.memory_space<vmem>>) target_semaphore(%run_scoped3A : memref<!tpu.dma_semaphore, #tpu.memory_space<semaphore_mem>>)
        %dma_wait3A_80 = arith.constant 0 : i32
        %dma_wait3A_81 = arith.constant 0 : i32
        %dma_wait3A_82 = tpu.memref_slice %arg4[%arg1, %scan3A_11, %dma_wait3A_80, %dma_wait3A_81] : memref<16x5x32x128xi32, #tpu.memory_space<hbm>> -> memref<1x1x32x128xi32, #tpu.memory_space<hbm>>
        %dma_wait3A_83 = tpu.memref_squeeze %dma_wait3A_82 : memref<1x1x32x128xi32, #tpu.memory_space<hbm>> -> memref<32x128xi32, #tpu.memory_space<hbm>>
        %dma_wait3A_84 = arith.constant 0 : i32
        %dma_wait3A_85 = arith.constant 0 : i32
        %dma_wait3A_86 = tpu.memref_slice %arg4[%arg1, %scan3A_11, %dma_wait3A_84, %dma_wait3A_85] : memref<16x5x32x128xi32, #tpu.memory_space<hbm>> -> memref<1x1x32x128xi32, #tpu.memory_space<hbm>>
        %dma_wait3A_87 = tpu.memref_squeeze %dma_wait3A_86 : memref<1x1x32x128xi32, #tpu.memory_space<hbm>> -> memref<32x128xi32, #tpu.memory_space<hbm>>
        tpu.wait_dma2 semaphore(%run_scoped3A : memref<!tpu.dma_semaphore, #tpu.memory_space<semaphore_mem>>) src(%dma_wait3A_87 : memref<32x128xi32, #tpu.memory_space<hbm>>) dst(%arg8 : memref<32x128xi32, #tpu.memory_space<vmem>>)
        tpu.yield
      }) : () -> ()
      %dma_start3A = arith.constant 0 : i32
      %dma_start3A_12 = arith.constant 0 : i32
      %dma_start3A_13 = tpu.memref_slice %arg7[%dma_start3A, %dma_start3A_12] : memref<32x128xi32, #tpu.memory_space<vmem>> -> memref<1x128xi32, #tpu.memory_space<vmem>>
      %dma_start3A_14 = tpu.memref_squeeze %dma_start3A_13 : memref<1x128xi32, #tpu.memory_space<vmem>> -> memref<128xi32, #tpu.memory_space<vmem>>
      %dma_start3A_15 = arith.constant 0 : i32
      %dma_start3A_16 = arith.constant 0 : i32
      %dma_start3A_17 = tpu.memref_slice %arg2[%dma_start3A_15, %dma_start3A_16] : memref<20000x128xf32, #tpu.memory_space<hbm>> -> memref<20000x128xf32, #tpu.memory_space<hbm>>
      tpu.enqueue_indirect_dma source(%dma_start3A_17 : memref<20000x128xf32, #tpu.memory_space<hbm>>) target(%arg9 : memref<128x128xf32, #tpu.memory_space<vmem>>) offsets(%dma_start3A_14 : memref<128xi32, #tpu.memory_space<vmem>>) semaphore(%arg12 : memref<!tpu.dma_semaphore, #tpu.memory_space<semaphore_mem>>)
      %dma_start3A_18 = arith.constant 1 : i32
      %dma_start3A_19 = arith.constant 0 : i32
      %dma_start3A_20 = tpu.memref_slice %arg7[%dma_start3A_18, %dma_start3A_19] : memref<32x128xi32, #tpu.memory_space<vmem>> -> memref<1x128xi32, #tpu.memory_space<vmem>>
      %dma_start3A_21 = tpu.memref_squeeze %dma_start3A_20 : memref<1x128xi32, #tpu.memory_space<vmem>> -> memref<128xi32, #tpu.memory_space<vmem>>
      %dma_start3A_22 = arith.constant 0 : i32
      %dma_start3A_23 = arith.constant 0 : i32
      %dma_start3A_24 = tpu.memref_slice %arg2[%dma_start3A_22, %dma_start3A_23] : memref<20000x128xf32, #tpu.memory_space<hbm>> -> memref<20000x128xf32, #tpu.memory_space<hbm>>
      tpu.enqueue_indirect_dma source(%dma_start3A_24 : memref<20000x128xf32, #tpu.memory_space<hbm>>) target(%arg10 : memref<128x128xf32, #tpu.memory_space<vmem>>) offsets(%dma_start3A_21 : memref<128xi32, #tpu.memory_space<vmem>>) semaphore(%arg13 : memref<!tpu.dma_semaphore, #tpu.memory_space<semaphore_mem>>)
      %scan3A_25 = arith.constant 0 : i32
      %scan3A_26 = arith.constant 0 : i32
      %scan3A_27 = arith.constant 15 : i32
      %scan3A_28 = arith.addi %scan3A_26, %scan3A_27 : i32
      %scan3A_29 = arith.constant 1 : i32
      scf.for %scan3A_72 = %scan3A_26 to %scan3A_28 step %scan3A_29  : i32 {
        %mul3A_73 = arith.constant 2 : i32
        %mul3A_74 = arith.muli %mul3A_73, %scan3A_72 : i32
        %dma_wait3A_75 = arith.constant 0 : i32
        %dma_wait3A_76 = tpu.memref_slice %arg7[%mul3A_74, %dma_wait3A_75] : memref<32x128xi32, #tpu.memory_space<vmem>> -> memref<1x128xi32, #tpu.memory_space<vmem>>
        %dma_wait3A_77 = tpu.memref_squeeze %dma_wait3A_76 : memref<1x128xi32, #tpu.memory_space<vmem>> -> memref<128xi32, #tpu.memory_space<vmem>>
        %dma_wait3A_78 = arith.constant 0 : i32
        %dma_wait3A_79 = arith.constant 0 : i32
        %dma_wait3A_80 = tpu.memref_slice %arg2[%dma_wait3A_78, %dma_wait3A_79] : memref<20000x128xf32, #tpu.memory_space<hbm>> -> memref<20000x128xf32, #tpu.memory_space<hbm>>
        tpu.wait_indirect_dma semaphore(%arg12 : memref<!tpu.dma_semaphore, #tpu.memory_space<semaphore_mem>>) src(%dma_wait3A_80 : memref<20000x128xf32, #tpu.memory_space<hbm>>) dst(%arg9 : memref<128x128xf32, #tpu.memory_space<vmem>>)
        %dma_start3A_81 = arith.constant 0 : i32
        %dma_start3A_82 = tpu.memref_slice %arg8[%mul3A_74, %dma_start3A_81] : memref<32x128xi32, #tpu.memory_space<vmem>> -> memref<1x128xi32, #tpu.memory_space<vmem>>
        %dma_start3A_83 = tpu.memref_squeeze %dma_start3A_82 : memref<1x128xi32, #tpu.memory_space<vmem>> -> memref<128xi32, #tpu.memory_space<vmem>>
        %dma_start3A_84 = arith.constant 0 : i32
        %dma_start3A_85 = arith.constant 0 : i32
        %dma_start3A_86 = tpu.memref_slice %arg11[%dma_start3A_84, %dma_start3A_85] : memref<10112x128xf32, #tpu.memory_space<vmem_shared>> -> memref<10112x128xf32, #tpu.memory_space<vmem_shared>>
        tpu.enqueue_indirect_dma source(%arg9 : memref<128x128xf32, #tpu.memory_space<vmem>>) target(%dma_start3A_86 : memref<10112x128xf32, #tpu.memory_space<vmem_shared>>) offsets(%dma_start3A_83 : memref<128xi32, #tpu.memory_space<vmem>>) semaphore(%arg14 : memref<!tpu.dma_semaphore, #tpu.memory_space<semaphore_mem>>) {add = true}
        %add3A = arith.constant 1 : i32
        %add3A_87 = arith.addi %mul3A_74, %add3A : i32
        %dma_wait3A_88 = arith.constant 0 : i32
        %dma_wait3A_89 = tpu.memref_slice %arg7[%add3A_87, %dma_wait3A_88] : memref<32x128xi32, #tpu.memory_space<vmem>> -> memref<1x128xi32, #tpu.memory_space<vmem>>
        %dma_wait3A_90 = tpu.memref_squeeze %dma_wait3A_89 : memref<1x128xi32, #tpu.memory_space<vmem>> -> memref<128xi32, #tpu.memory_space<vmem>>
        %dma_wait3A_91 = arith.constant 0 : i32
        %dma_wait3A_92 = arith.constant 0 : i32
        %dma_wait3A_93 = tpu.memref_slice %arg2[%dma_wait3A_91, %dma_wait3A_92] : memref<20000x128xf32, #tpu.memory_space<hbm>> -> memref<20000x128xf32, #tpu.memory_space<hbm>>
        tpu.wait_indirect_dma semaphore(%arg13 : memref<!tpu.dma_semaphore, #tpu.memory_space<semaphore_mem>>) src(%dma_wait3A_93 : memref<20000x128xf32, #tpu.memory_space<hbm>>) dst(%arg10 : memref<128x128xf32, #tpu.memory_space<vmem>>)
        %add3A_94 = arith.constant 1 : i32
        %add3A_95 = arith.addi %mul3A_74, %add3A_94 : i32
        %dma_start3A_96 = arith.constant 0 : i32
        %dma_start3A_97 = tpu.memref_slice %arg8[%add3A_95, %dma_start3A_96] : memref<32x128xi32, #tpu.memory_space<vmem>> -> memref<1x128xi32, #tpu.memory_space<vmem>>
        %dma_start3A_98 = tpu.memref_squeeze %dma_start3A_97 : memref<1x128xi32, #tpu.memory_space<vmem>> -> memref<128xi32, #tpu.memory_space<vmem>>
        %dma_start3A_99 = arith.constant 0 : i32
        %dma_start3A_100 = arith.constant 0 : i32
        %dma_start3A_101 = tpu.memref_slice %arg11[%dma_start3A_99, %dma_start3A_100] : memref<10112x128xf32, #tpu.memory_space<vmem_shared>> -> memref<10112x128xf32, #tpu.memory_space<vmem_shared>>
        tpu.enqueue_indirect_dma source(%arg10 : memref<128x128xf32, #tpu.memory_space<vmem>>) target(%dma_start3A_101 : memref<10112x128xf32, #tpu.memory_space<vmem_shared>>) offsets(%dma_start3A_98 : memref<128xi32, #tpu.memory_space<vmem>>) semaphore(%arg15 : memref<!tpu.dma_semaphore, #tpu.memory_space<semaphore_mem>>) {add = true}
        %dma_wait3A_102 = arith.constant 0 : i32
        %dma_wait3A_103 = tpu.memref_slice %arg8[%mul3A_74, %dma_wait3A_102] : memref<32x128xi32, #tpu.memory_space<vmem>> -> memref<1x128xi32, #tpu.memory_space<vmem>>
        %dma_wait3A_104 = tpu.memref_squeeze %dma_wait3A_103 : memref<1x128xi32, #tpu.memory_space<vmem>> -> memref<128xi32, #tpu.memory_space<vmem>>
        %dma_wait3A_105 = arith.constant 0 : i32
        %dma_wait3A_106 = arith.constant 0 : i32
        %dma_wait3A_107 = tpu.memref_slice %arg11[%dma_wait3A_105, %dma_wait3A_106] : memref<10112x128xf32, #tpu.memory_space<vmem_shared>> -> memref<10112x128xf32, #tpu.memory_space<vmem_shared>>
        tpu.wait_indirect_dma semaphore(%arg14 : memref<!tpu.dma_semaphore, #tpu.memory_space<semaphore_mem>>) src(%arg9 : memref<128x128xf32, #tpu.memory_space<vmem>>) dst(%dma_wait3A_107 : memref<10112x128xf32, #tpu.memory_space<vmem_shared>>)
        %add3A_108 = arith.constant 2 : i32
        %add3A_109 = arith.addi %mul3A_74, %add3A_108 : i32
        %dma_start3A_110 = arith.constant 0 : i32
        %dma_start3A_111 = tpu.memref_slice %arg7[%add3A_109, %dma_start3A_110] : memref<32x128xi32, #tpu.memory_space<vmem>> -> memref<1x128xi32, #tpu.memory_space<vmem>>
        %dma_start3A_112 = tpu.memref_squeeze %dma_start3A_111 : memref<1x128xi32, #tpu.memory_space<vmem>> -> memref<128xi32, #tpu.memory_space<vmem>>
        %dma_start3A_113 = arith.constant 0 : i32
        %dma_start3A_114 = arith.constant 0 : i32
        %dma_start3A_115 = tpu.memref_slice %arg2[%dma_start3A_113, %dma_start3A_114] : memref<20000x128xf32, #tpu.memory_space<hbm>> -> memref<20000x128xf32, #tpu.memory_space<hbm>>
        tpu.enqueue_indirect_dma source(%dma_start3A_115 : memref<20000x128xf32, #tpu.memory_space<hbm>>) target(%arg9 : memref<128x128xf32, #tpu.memory_space<vmem>>) offsets(%dma_start3A_112 : memref<128xi32, #tpu.memory_space<vmem>>) semaphore(%arg12 : memref<!tpu.dma_semaphore, #tpu.memory_space<semaphore_mem>>)
        %add3A_116 = arith.constant 1 : i32
        %add3A_117 = arith.addi %mul3A_74, %add3A_116 : i32
        %dma_wait3A_118 = arith.constant 0 : i32
        %dma_wait3A_119 = tpu.memref_slice %arg8[%add3A_117, %dma_wait3A_118] : memref<32x128xi32, #tpu.memory_space<vmem>> -> memref<1x128xi32, #tpu.memory_space<vmem>>
        %dma_wait3A_120 = tpu.memref_squeeze %dma_wait3A_119 : memref<1x128xi32, #tpu.memory_space<vmem>> -> memref<128xi32, #tpu.memory_space<vmem>>
        %dma_wait3A_121 = arith.constant 0 : i32
        %dma_wait3A_122 = arith.constant 0 : i32
        %dma_wait3A_123 = tpu.memref_slice %arg11[%dma_wait3A_121, %dma_wait3A_122] : memref<10112x128xf32, #tpu.memory_space<vmem_shared>> -> memref<10112x128xf32, #tpu.memory_space<vmem_shared>>
        tpu.wait_indirect_dma semaphore(%arg15 : memref<!tpu.dma_semaphore, #tpu.memory_space<semaphore_mem>>) src(%arg10 : memref<128x128xf32, #tpu.memory_space<vmem>>) dst(%dma_wait3A_123 : memref<10112x128xf32, #tpu.memory_space<vmem_shared>>)
        %add3A_124 = arith.constant 3 : i32
        %add3A_125 = arith.addi %mul3A_74, %add3A_124 : i32
        %dma_start3A_126 = arith.constant 0 : i32
        %dma_start3A_127 = tpu.memref_slice %arg7[%add3A_125, %dma_start3A_126] : memref<32x128xi32, #tpu.memory_space<vmem>> -> memref<1x128xi32, #tpu.memory_space<vmem>>
        %dma_start3A_128 = tpu.memref_squeeze %dma_start3A_127 : memref<1x128xi32, #tpu.memory_space<vmem>> -> memref<128xi32, #tpu.memory_space<vmem>>
        %dma_start3A_129 = arith.constant 0 : i32
        %dma_start3A_130 = arith.constant 0 : i32
        %dma_start3A_131 = tpu.memref_slice %arg2[%dma_start3A_129, %dma_start3A_130] : memref<20000x128xf32, #tpu.memory_space<hbm>> -> memref<20000x128xf32, #tpu.memory_space<hbm>>
        tpu.enqueue_indirect_dma source(%dma_start3A_131 : memref<20000x128xf32, #tpu.memory_space<hbm>>) target(%arg10 : memref<128x128xf32, #tpu.memory_space<vmem>>) offsets(%dma_start3A_128 : memref<128xi32, #tpu.memory_space<vmem>>) semaphore(%arg13 : memref<!tpu.dma_semaphore, #tpu.memory_space<semaphore_mem>>)
      }
      %scan3A_30 = arith.constant 15 : i32
      %dma_wait3A = arith.constant 30 : i32
      %dma_wait3A_31 = arith.constant 0 : i32
      %dma_wait3A_32 = tpu.memref_slice %arg7[%dma_wait3A, %dma_wait3A_31] : memref<32x128xi32, #tpu.memory_space<vmem>> -> memref<1x128xi32, #tpu.memory_space<vmem>>
      %dma_wait3A_33 = tpu.memref_squeeze %dma_wait3A_32 : memref<1x128xi32, #tpu.memory_space<vmem>> -> memref<128xi32, #tpu.memory_space<vmem>>
      %dma_wait3A_34 = arith.constant 0 : i32
      %dma_wait3A_35 = arith.constant 0 : i32
      %dma_wait3A_36 = tpu.memref_slice %arg2[%dma_wait3A_34, %dma_wait3A_35] : memref<20000x128xf32, #tpu.memory_space<hbm>> -> memref<20000x128xf32, #tpu.memory_space<hbm>>
      tpu.wait_indirect_dma semaphore(%arg12 : memref<!tpu.dma_semaphore, #tpu.memory_space<semaphore_mem>>) src(%dma_wait3A_36 : memref<20000x128xf32, #tpu.memory_space<hbm>>) dst(%arg9 : memref<128x128xf32, #tpu.memory_space<vmem>>)
      %dma_start3A_37 = arith.constant 30 : i32
      %dma_start3A_38 = arith.constant 0 : i32
      %dma_start3A_39 = tpu.memref_slice %arg8[%dma_start3A_37, %dma_start3A_38] : memref<32x128xi32, #tpu.memory_space<vmem>> -> memref<1x128xi32, #tpu.memory_space<vmem>>
      %dma_start3A_40 = tpu.memref_squeeze %dma_start3A_39 : memref<1x128xi32, #tpu.memory_space<vmem>> -> memref<128xi32, #tpu.memory_space<vmem>>
      %dma_start3A_41 = arith.constant 0 : i32
      %dma_start3A_42 = arith.constant 0 : i32
      %dma_start3A_43 = tpu.memref_slice %arg11[%dma_start3A_41, %dma_start3A_42] : memref<10112x128xf32, #tpu.memory_space<vmem_shared>> -> memref<10112x128xf32, #tpu.memory_space<vmem_shared>>
      tpu.enqueue_indirect_dma source(%arg9 : memref<128x128xf32, #tpu.memory_space<vmem>>) target(%dma_start3A_43 : memref<10112x128xf32, #tpu.memory_space<vmem_shared>>) offsets(%dma_start3A_40 : memref<128xi32, #tpu.memory_space<vmem>>) semaphore(%arg14 : memref<!tpu.dma_semaphore, #tpu.memory_space<semaphore_mem>>) {add = true}
      %dma_wait3A_44 = arith.constant 31 : i32
      %dma_wait3A_45 = arith.constant 0 : i32
      %dma_wait3A_46 = tpu.memref_slice %arg7[%dma_wait3A_44, %dma_wait3A_45] : memref<32x128xi32, #tpu.memory_space<vmem>> -> memref<1x128xi32, #tpu.memory_space<vmem>>
      %dma_wait3A_47 = tpu.memref_squeeze %dma_wait3A_46 : memref<1x128xi32, #tpu.memory_space<vmem>> -> memref<128xi32, #tpu.memory_space<vmem>>
      %dma_wait3A_48 = arith.constant 0 : i32
      %dma_wait3A_49 = arith.constant 0 : i32
      %dma_wait3A_50 = tpu.memref_slice %arg2[%dma_wait3A_48, %dma_wait3A_49] : memref<20000x128xf32, #tpu.memory_space<hbm>> -> memref<20000x128xf32, #tpu.memory_space<hbm>>
      tpu.wait_indirect_dma semaphore(%arg13 : memref<!tpu.dma_semaphore, #tpu.memory_space<semaphore_mem>>) src(%dma_wait3A_50 : memref<20000x128xf32, #tpu.memory_space<hbm>>) dst(%arg10 : memref<128x128xf32, #tpu.memory_space<vmem>>)
      %dma_start3A_51 = arith.constant 31 : i32
      %dma_start3A_52 = arith.constant 0 : i32
      %dma_start3A_53 = tpu.memref_slice %arg8[%dma_start3A_51, %dma_start3A_52] : memref<32x128xi32, #tpu.memory_space<vmem>> -> memref<1x128xi32, #tpu.memory_space<vmem>>
      %dma_start3A_54 = tpu.memref_squeeze %dma_start3A_53 : memref<1x128xi32, #tpu.memory_space<vmem>> -> memref<128xi32, #tpu.memory_space<vmem>>
      %dma_start3A_55 = arith.constant 0 : i32
      %dma_start3A_56 = arith.constant 0 : i32
      %dma_start3A_57 = tpu.memref_slice %arg11[%dma_start3A_55, %dma_start3A_56] : memref<10112x128xf32, #tpu.memory_space<vmem_shared>> -> memref<10112x128xf32, #tpu.memory_space<vmem_shared>>
      tpu.enqueue_indirect_dma source(%arg10 : memref<128x128xf32, #tpu.memory_space<vmem>>) target(%dma_start3A_57 : memref<10112x128xf32, #tpu.memory_space<vmem_shared>>) offsets(%dma_start3A_54 : memref<128xi32, #tpu.memory_space<vmem>>) semaphore(%arg15 : memref<!tpu.dma_semaphore, #tpu.memory_space<semaphore_mem>>) {add = true}
      %dma_wait3A_58 = arith.constant 30 : i32
      %dma_wait3A_59 = arith.constant 0 : i32
      %dma_wait3A_60 = tpu.memref_slice %arg8[%dma_wait3A_58, %dma_wait3A_59] : memref<32x128xi32, #tpu.memory_space<vmem>> -> memref<1x128xi32, #tpu.memory_space<vmem>>
      %dma_wait3A_61 = tpu.memref_squeeze %dma_wait3A_60 : memref<1x128xi32, #tpu.memory_space<vmem>> -> memref<128xi32, #tpu.memory_space<vmem>>
      %dma_wait3A_62 = arith.constant 0 : i32
      %dma_wait3A_63 = arith.constant 0 : i32
      %dma_wait3A_64 = tpu.memref_slice %arg11[%dma_wait3A_62, %dma_wait3A_63] : memref<10112x128xf32, #tpu.memory_space<vmem_shared>> -> memref<10112x128xf32, #tpu.memory_space<vmem_shared>>
      tpu.wait_indirect_dma semaphore(%arg14 : memref<!tpu.dma_semaphore, #tpu.memory_space<semaphore_mem>>) src(%arg9 : memref<128x128xf32, #tpu.memory_space<vmem>>) dst(%dma_wait3A_64 : memref<10112x128xf32, #tpu.memory_space<vmem_shared>>)
      %dma_wait3A_65 = arith.constant 31 : i32
      %dma_wait3A_66 = arith.constant 0 : i32
      %dma_wait3A_67 = tpu.memref_slice %arg8[%dma_wait3A_65, %dma_wait3A_66] : memref<32x128xi32, #tpu.memory_space<vmem>> -> memref<1x128xi32, #tpu.memory_space<vmem>>
      %dma_wait3A_68 = tpu.memref_squeeze %dma_wait3A_67 : memref<1x128xi32, #tpu.memory_space<vmem>> -> memref<128xi32, #tpu.memory_space<vmem>>
      %dma_wait3A_69 = arith.constant 0 : i32
      %dma_wait3A_70 = arith.constant 0 : i32
      %dma_wait3A_71 = tpu.memref_slice %arg11[%dma_wait3A_69, %dma_wait3A_70] : memref<10112x128xf32, #tpu.memory_space<vmem_shared>> -> memref<10112x128xf32, #tpu.memory_space<vmem_shared>>
      tpu.wait_indirect_dma semaphore(%arg15 : memref<!tpu.dma_semaphore, #tpu.memory_space<semaphore_mem>>) src(%arg10 : memref<128x128xf32, #tpu.memory_space<vmem>>) dst(%dma_wait3A_71 : memref<10112x128xf32, #tpu.memory_space<vmem_shared>>)
    }
    %scan3A_5 = arith.constant 5 : i32
    %barrier3A_6 = arith.constant 0 : index
    tpu.barrier barrier_id(%barrier3A_6)
    %mul3A_7 = arith.constant 632 : i32
    %mul3A_8 = arith.muli %arg1, %mul3A_7 : i32
    %mul3A_9 = arith.constant 632 : i32
    %mul3A_10 = arith.muli %arg1, %mul3A_9 : i32
    "tpu.region"() ({
      %run_scoped3A = tpu.sem_alloc : memref<!tpu.dma_semaphore, #tpu.memory_space<semaphore_mem>>
      %dma_start3A = arith.constant 0 : i32
      %dma_start3A_11 = tpu.memref_slice %arg6[%arg0, %mul3A_10, %dma_start3A] : memref<2x10112x128xf32, #tpu.memory_space<hbm>> -> memref<1x632x128xf32, #tpu.memory_space<hbm>>
      %dma_start3A_12 = tpu.memref_squeeze %dma_start3A_11 : memref<1x632x128xf32, #tpu.memory_space<hbm>> -> memref<632x128xf32, #tpu.memory_space<hbm>>
      %dma_start3A_13 = arith.constant 0 : i32
      %dma_start3A_14 = tpu.memref_slice %arg11[%mul3A_8, %dma_start3A_13] : memref<10112x128xf32, #tpu.memory_space<vmem_shared>> -> memref<632x128xf32, #tpu.memory_space<vmem_shared>>
      tpu.enqueue_dma source(%dma_start3A_14 : memref<632x128xf32, #tpu.memory_space<vmem_shared>>) target(%dma_start3A_12 : memref<632x128xf32, #tpu.memory_space<hbm>>) target_semaphore(%run_scoped3A : memref<!tpu.dma_semaphore, #tpu.memory_space<semaphore_mem>>)
      %dma_wait3A = arith.constant 0 : i32
      %dma_wait3A_15 = tpu.memref_slice %arg6[%arg0, %mul3A_10, %dma_wait3A] : memref<2x10112x128xf32, #tpu.memory_space<hbm>> -> memref<1x632x128xf32, #tpu.memory_space<hbm>>
      %dma_wait3A_16 = tpu.memref_squeeze %dma_wait3A_15 : memref<1x632x128xf32, #tpu.memory_space<hbm>> -> memref<632x128xf32, #tpu.memory_space<hbm>>
      %dma_wait3A_17 = arith.constant 0 : i32
      %dma_wait3A_18 = tpu.memref_slice %arg11[%mul3A_8, %dma_wait3A_17] : memref<10112x128xf32, #tpu.memory_space<vmem_shared>> -> memref<632x128xf32, #tpu.memory_space<vmem_shared>>
      tpu.wait_dma2 semaphore(%run_scoped3A : memref<!tpu.dma_semaphore, #tpu.memory_space<semaphore_mem>>) src(%dma_wait3A_18 : memref<632x128xf32, #tpu.memory_space<vmem_shared>>) dst(%dma_wait3A_16 : memref<632x128xf32, #tpu.memory_space<hbm>>)
      tpu.yield
    }) : () -> ()
    return
  }
}

#map = affine_map<(d0, d1) -> (0, 0, 0, 0)>
#map1 = affine_map<(d0, d1) -> (0, 0)>
#map2 = affine_map<(d0, d1) -> (0, 0, 0)>
module attributes {stable_mosaic.version = 14 : i64} {
  func.func @_deg_sc(%arg0: i32, %arg1: i32, %arg2: memref<32x5x16x128xi32, #tpu.memory_space<hbm>>, %arg3: memref<632x128xf32, #tpu.memory_space<hbm>>, %arg4: memref<128x128xf32, #tpu.memory_space<hbm>>, %arg5: memref<2x10112x128xf32, #tpu.memory_space<hbm>>, %arg6: memref<16x128xi32, #tpu.memory_space<vmem>>, %arg7: memref<128x128xf32, #tpu.memory_space<vmem>>, %arg8: memref<10112x128xf32, #tpu.memory_space<vmem_shared>>) attributes {dimension_semantics = [#tpu.dimension_semantics<core_parallel>, #tpu.dimension_semantics<subcore_parallel>], iteration_bounds = array<i64: 2, 16>, scalar_prefetch = 0 : i64, scratch_operands = 3 : i64, tpu.core_type = #tpu.core_type<sc_vector_subcore>, window_params = [{transform_indices = #map}, {transform_indices = #map1}, {transform_indices = #map1}, {transform_indices = #map2}]} {
    %mul3A = arith.constant 2 : i32
    %mul3A_0 = arith.muli %arg1, %mul3A : i32
    %add3A = arith.addi %mul3A_0, %arg0 : i32
    %mul3A_1 = arith.constant 632 : i32
    %mul3A_2 = arith.muli %arg1, %mul3A_1 : i32
    "tpu.region"() ({
      %run_scoped3A = tpu.sem_alloc : memref<!tpu.dma_semaphore, #tpu.memory_space<semaphore_mem>>
      %dma_start3A = arith.constant 0 : i32
      %dma_start3A_13 = tpu.memref_slice %arg8[%mul3A_2, %dma_start3A] : memref<10112x128xf32, #tpu.memory_space<vmem_shared>> -> memref<632x128xf32, #tpu.memory_space<vmem_shared>>
      tpu.enqueue_dma source(%arg3 : memref<632x128xf32, #tpu.memory_space<hbm>>) target(%dma_start3A_13 : memref<632x128xf32, #tpu.memory_space<vmem_shared>>) target_semaphore(%run_scoped3A : memref<!tpu.dma_semaphore, #tpu.memory_space<semaphore_mem>>)
      %dma_wait3A = arith.constant 0 : i32
      %dma_wait3A_14 = tpu.memref_slice %arg8[%mul3A_2, %dma_wait3A] : memref<10112x128xf32, #tpu.memory_space<vmem_shared>> -> memref<632x128xf32, #tpu.memory_space<vmem_shared>>
      tpu.wait_dma2 semaphore(%run_scoped3A : memref<!tpu.dma_semaphore, #tpu.memory_space<semaphore_mem>>) src(%arg3 : memref<632x128xf32, #tpu.memory_space<hbm>>) dst(%dma_wait3A_14 : memref<632x128xf32, #tpu.memory_space<vmem_shared>>)
      tpu.yield
    }) : () -> ()
    "tpu.region"() ({
      %run_scoped3A = tpu.sem_alloc : memref<!tpu.dma_semaphore, #tpu.memory_space<semaphore_mem>>
      tpu.enqueue_dma source(%arg4 : memref<128x128xf32, #tpu.memory_space<hbm>>) target(%arg7 : memref<128x128xf32, #tpu.memory_space<vmem>>) target_semaphore(%run_scoped3A : memref<!tpu.dma_semaphore, #tpu.memory_space<semaphore_mem>>)
      tpu.wait_dma2 semaphore(%run_scoped3A : memref<!tpu.dma_semaphore, #tpu.memory_space<semaphore_mem>>) src(%arg4 : memref<128x128xf32, #tpu.memory_space<hbm>>) dst(%arg7 : memref<128x128xf32, #tpu.memory_space<vmem>>)
      tpu.yield
    }) : () -> ()
    %barrier3A = arith.constant 0 : index
    tpu.barrier barrier_id(%barrier3A)
    %scan3A = arith.constant 0 : i32
    %scan3A_3 = arith.constant 0 : i32
    %scan3A_4 = arith.constant 5 : i32
    %scan3A_5 = arith.addi %scan3A_3, %scan3A_4 : i32
    %scan3A_6 = arith.constant 1 : i32
    scf.for %scan3A_13 = %scan3A_3 to %scan3A_5 step %scan3A_6  : i32 {
      "tpu.region"() ({
        %run_scoped3A = tpu.sem_alloc : memref<!tpu.dma_semaphore, #tpu.memory_space<semaphore_mem>>
        %dma_start3A = arith.constant 0 : i32
        %dma_start3A_20 = arith.constant 0 : i32
        %dma_start3A_21 = tpu.memref_slice %arg2[%add3A, %scan3A_13, %dma_start3A, %dma_start3A_20] : memref<32x5x16x128xi32, #tpu.memory_space<hbm>> -> memref<1x1x16x128xi32, #tpu.memory_space<hbm>>
        %dma_start3A_22 = tpu.memref_squeeze %dma_start3A_21 : memref<1x1x16x128xi32, #tpu.memory_space<hbm>> -> memref<16x128xi32, #tpu.memory_space<hbm>>
        %dma_start3A_23 = arith.constant 0 : i32
        %dma_start3A_24 = arith.constant 0 : i32
        %dma_start3A_25 = tpu.memref_slice %arg2[%add3A, %scan3A_13, %dma_start3A_23, %dma_start3A_24] : memref<32x5x16x128xi32, #tpu.memory_space<hbm>> -> memref<1x1x16x128xi32, #tpu.memory_space<hbm>>
        %dma_start3A_26 = tpu.memref_squeeze %dma_start3A_25 : memref<1x1x16x128xi32, #tpu.memory_space<hbm>> -> memref<16x128xi32, #tpu.memory_space<hbm>>
        tpu.enqueue_dma source(%dma_start3A_26 : memref<16x128xi32, #tpu.memory_space<hbm>>) target(%arg6 : memref<16x128xi32, #tpu.memory_space<vmem>>) target_semaphore(%run_scoped3A : memref<!tpu.dma_semaphore, #tpu.memory_space<semaphore_mem>>)
        %dma_wait3A = arith.constant 0 : i32
        %dma_wait3A_27 = arith.constant 0 : i32
        %dma_wait3A_28 = tpu.memref_slice %arg2[%add3A, %scan3A_13, %dma_wait3A, %dma_wait3A_27] : memref<32x5x16x128xi32, #tpu.memory_space<hbm>> -> memref<1x1x16x128xi32, #tpu.memory_space<hbm>>
        %dma_wait3A_29 = tpu.memref_squeeze %dma_wait3A_28 : memref<1x1x16x128xi32, #tpu.memory_space<hbm>> -> memref<16x128xi32, #tpu.memory_space<hbm>>
        %dma_wait3A_30 = arith.constant 0 : i32
        %dma_wait3A_31 = arith.constant 0 : i32
        %dma_wait3A_32 = tpu.memref_slice %arg2[%add3A, %scan3A_13, %dma_wait3A_30, %dma_wait3A_31] : memref<32x5x16x128xi32, #tpu.memory_space<hbm>> -> memref<1x1x16x128xi32, #tpu.memory_space<hbm>>
        %dma_wait3A_33 = tpu.memref_squeeze %dma_wait3A_32 : memref<1x1x16x128xi32, #tpu.memory_space<hbm>> -> memref<16x128xi32, #tpu.memory_space<hbm>>
        tpu.wait_dma2 semaphore(%run_scoped3A : memref<!tpu.dma_semaphore, #tpu.memory_space<semaphore_mem>>) src(%dma_wait3A_33 : memref<16x128xi32, #tpu.memory_space<hbm>>) dst(%arg6 : memref<16x128xi32, #tpu.memory_space<vmem>>)
        tpu.yield
      }) : () -> ()
      %scan3A_14 = arith.constant 0 : i32
      %scan3A_15 = arith.constant 0 : i32
      %scan3A_16 = arith.constant 16 : i32
      %scan3A_17 = arith.addi %scan3A_15, %scan3A_16 : i32
      %scan3A_18 = arith.constant 1 : i32
      scf.for %scan3A_20 = %scan3A_15 to %scan3A_17 step %scan3A_18  : i32 {
        "tpu.region"() ({
          %run_scoped3A = tpu.sem_alloc : memref<!tpu.dma_semaphore, #tpu.memory_space<semaphore_mem>>
          %dma_start3A = arith.constant 0 : i32
          %dma_start3A_21 = tpu.memref_slice %arg6[%scan3A_20, %dma_start3A] : memref<16x128xi32, #tpu.memory_space<vmem>> -> memref<1x128xi32, #tpu.memory_space<vmem>>
          %dma_start3A_22 = tpu.memref_squeeze %dma_start3A_21 : memref<1x128xi32, #tpu.memory_space<vmem>> -> memref<128xi32, #tpu.memory_space<vmem>>
          %dma_start3A_23 = arith.constant 0 : i32
          %dma_start3A_24 = arith.constant 0 : i32
          %dma_start3A_25 = tpu.memref_slice %arg8[%dma_start3A_23, %dma_start3A_24] : memref<10112x128xf32, #tpu.memory_space<vmem_shared>> -> memref<10112x128xf32, #tpu.memory_space<vmem_shared>>
          tpu.enqueue_indirect_dma source(%arg7 : memref<128x128xf32, #tpu.memory_space<vmem>>) target(%dma_start3A_25 : memref<10112x128xf32, #tpu.memory_space<vmem_shared>>) offsets(%dma_start3A_22 : memref<128xi32, #tpu.memory_space<vmem>>) semaphore(%run_scoped3A : memref<!tpu.dma_semaphore, #tpu.memory_space<semaphore_mem>>) {add = true}
          %dma_wait3A = arith.constant 0 : i32
          %dma_wait3A_26 = tpu.memref_slice %arg6[%scan3A_20, %dma_wait3A] : memref<16x128xi32, #tpu.memory_space<vmem>> -> memref<1x128xi32, #tpu.memory_space<vmem>>
          %dma_wait3A_27 = tpu.memref_squeeze %dma_wait3A_26 : memref<1x128xi32, #tpu.memory_space<vmem>> -> memref<128xi32, #tpu.memory_space<vmem>>
          %dma_wait3A_28 = arith.constant 0 : i32
          %dma_wait3A_29 = arith.constant 0 : i32
          %dma_wait3A_30 = tpu.memref_slice %arg8[%dma_wait3A_28, %dma_wait3A_29] : memref<10112x128xf32, #tpu.memory_space<vmem_shared>> -> memref<10112x128xf32, #tpu.memory_space<vmem_shared>>
          tpu.wait_indirect_dma semaphore(%run_scoped3A : memref<!tpu.dma_semaphore, #tpu.memory_space<semaphore_mem>>) src(%arg7 : memref<128x128xf32, #tpu.memory_space<vmem>>) dst(%dma_wait3A_30 : memref<10112x128xf32, #tpu.memory_space<vmem_shared>>)
          tpu.yield
        }) : () -> ()
      }
      %scan3A_19 = arith.constant 16 : i32
    }
    %scan3A_7 = arith.constant 5 : i32
    %barrier3A_8 = arith.constant 0 : index
    tpu.barrier barrier_id(%barrier3A_8)
    %mul3A_9 = arith.constant 632 : i32
    %mul3A_10 = arith.muli %arg1, %mul3A_9 : i32
    %mul3A_11 = arith.constant 632 : i32
    %mul3A_12 = arith.muli %arg1, %mul3A_11 : i32
    "tpu.region"() ({
      %run_scoped3A = tpu.sem_alloc : memref<!tpu.dma_semaphore, #tpu.memory_space<semaphore_mem>>
      %dma_start3A = arith.constant 0 : i32
      %dma_start3A_13 = tpu.memref_slice %arg5[%arg0, %mul3A_12, %dma_start3A] : memref<2x10112x128xf32, #tpu.memory_space<hbm>> -> memref<1x632x128xf32, #tpu.memory_space<hbm>>
      %dma_start3A_14 = tpu.memref_squeeze %dma_start3A_13 : memref<1x632x128xf32, #tpu.memory_space<hbm>> -> memref<632x128xf32, #tpu.memory_space<hbm>>
      %dma_start3A_15 = arith.constant 0 : i32
      %dma_start3A_16 = tpu.memref_slice %arg8[%mul3A_10, %dma_start3A_15] : memref<10112x128xf32, #tpu.memory_space<vmem_shared>> -> memref<632x128xf32, #tpu.memory_space<vmem_shared>>
      tpu.enqueue_dma source(%dma_start3A_16 : memref<632x128xf32, #tpu.memory_space<vmem_shared>>) target(%dma_start3A_14 : memref<632x128xf32, #tpu.memory_space<hbm>>) target_semaphore(%run_scoped3A : memref<!tpu.dma_semaphore, #tpu.memory_space<semaphore_mem>>)
      %dma_wait3A = arith.constant 0 : i32
      %dma_wait3A_17 = tpu.memref_slice %arg5[%arg0, %mul3A_12, %dma_wait3A] : memref<2x10112x128xf32, #tpu.memory_space<hbm>> -> memref<1x632x128xf32, #tpu.memory_space<hbm>>
      %dma_wait3A_18 = tpu.memref_squeeze %dma_wait3A_17 : memref<1x632x128xf32, #tpu.memory_space<hbm>> -> memref<632x128xf32, #tpu.memory_space<hbm>>
      %dma_wait3A_19 = arith.constant 0 : i32
      %dma_wait3A_20 = tpu.memref_slice %arg8[%mul3A_10, %dma_wait3A_19] : memref<10112x128xf32, #tpu.memory_space<vmem_shared>> -> memref<632x128xf32, #tpu.memory_space<vmem_shared>>
      tpu.wait_dma2 semaphore(%run_scoped3A : memref<!tpu.dma_semaphore, #tpu.memory_space<semaphore_mem>>) src(%dma_wait3A_20 : memref<632x128xf32, #tpu.memory_space<vmem_shared>>) dst(%dma_wait3A_18 : memref<632x128xf32, #tpu.memory_space<hbm>>)
      tpu.yield
    }) : () -> ()
    return
  }
}

#map = affine_map<(d0, d1) -> (0, 0)>
#map1 = affine_map<(d0, d1) -> (0, 0, 0, 0, 0)>
#map2 = affine_map<(d0, d1) -> (0, 0, 0, 0)>
#map3 = affine_map<(d0, d1) -> (0, 0, 0)>
module attributes {stable_mosaic.version = 14 : i64} {
  func.func @spmm(%arg0: i32, %arg1: i32, %arg2: memref<20000x128xf32, #tpu.memory_space<hbm>>, %arg3: memref<2x16x5x32x128xi32, #tpu.memory_space<hbm>>, %arg4: memref<16x5x32x128xi32, #tpu.memory_space<hbm>>, %arg5: memref<632x128xf32, #tpu.memory_space<hbm>>, %arg6: memref<2x10112x128xf32, #tpu.memory_space<hbm>>, %arg7: memref<32x128xi32, #tpu.memory_space<vmem>>, %arg8: memref<32x128xi32, #tpu.memory_space<vmem>>, %arg9: memref<128x128xf32, #tpu.memory_space<vmem>>, %arg10: memref<128x128xf32, #tpu.memory_space<vmem>>, %arg11: memref<10112x128xf32, #tpu.memory_space<vmem_shared>>, %arg12: memref<!tpu.dma_semaphore, #tpu.memory_space<semaphore_mem>>, %arg13: memref<!tpu.dma_semaphore, #tpu.memory_space<semaphore_mem>>, %arg14: memref<!tpu.dma_semaphore, #tpu.memory_space<semaphore_mem>>, %arg15: memref<!tpu.dma_semaphore, #tpu.memory_space<semaphore_mem>>) attributes {dimension_semantics = [#tpu.dimension_semantics<core_parallel>, #tpu.dimension_semantics<subcore_parallel>], iteration_bounds = array<i64: 2, 16>, scalar_prefetch = 0 : i64, scratch_operands = 9 : i64, tpu.core_type = #tpu.core_type<sc_vector_subcore>, window_params = [{transform_indices = #map}, {transform_indices = #map1}, {transform_indices = #map2}, {transform_indices = #map}, {transform_indices = #map3}]} {
    %mul3A = arith.constant 632 : i32
    %mul3A_0 = arith.muli %arg1, %mul3A : i32
    "tpu.region"() ({
      %run_scoped3A = tpu.sem_alloc : memref<!tpu.dma_semaphore, #tpu.memory_space<semaphore_mem>>
      %dma_start3A = arith.constant 0 : i32
      %dma_start3A_11 = tpu.memref_slice %arg11[%mul3A_0, %dma_start3A] : memref<10112x128xf32, #tpu.memory_space<vmem_shared>> -> memref<632x128xf32, #tpu.memory_space<vmem_shared>>
      tpu.enqueue_dma source(%arg5 : memref<632x128xf32, #tpu.memory_space<hbm>>) target(%dma_start3A_11 : memref<632x128xf32, #tpu.memory_space<vmem_shared>>) target_semaphore(%run_scoped3A : memref<!tpu.dma_semaphore, #tpu.memory_space<semaphore_mem>>)
      %dma_wait3A = arith.constant 0 : i32
      %dma_wait3A_12 = tpu.memref_slice %arg11[%mul3A_0, %dma_wait3A] : memref<10112x128xf32, #tpu.memory_space<vmem_shared>> -> memref<632x128xf32, #tpu.memory_space<vmem_shared>>
      tpu.wait_dma2 semaphore(%run_scoped3A : memref<!tpu.dma_semaphore, #tpu.memory_space<semaphore_mem>>) src(%arg5 : memref<632x128xf32, #tpu.memory_space<hbm>>) dst(%dma_wait3A_12 : memref<632x128xf32, #tpu.memory_space<vmem_shared>>)
      tpu.yield
    }) : () -> ()
    %barrier3A = arith.constant 0 : index
    tpu.barrier barrier_id(%barrier3A)
    %scan3A = arith.constant 0 : i32
    %scan3A_1 = arith.constant 0 : i32
    %scan3A_2 = arith.constant 5 : i32
    %scan3A_3 = arith.addi %scan3A_1, %scan3A_2 : i32
    %scan3A_4 = arith.constant 1 : i32
    scf.for %scan3A_11 = %scan3A_1 to %scan3A_3 step %scan3A_4  : i32 {
      "tpu.region"() ({
        %run_scoped3A = tpu.sem_alloc : memref<!tpu.dma_semaphore, #tpu.memory_space<semaphore_mem>>
        %dma_start3A_72 = arith.constant 0 : i32
        %dma_start3A_73 = arith.constant 0 : i32
        %dma_start3A_74 = tpu.memref_slice %arg3[%arg0, %arg1, %scan3A_11, %dma_start3A_72, %dma_start3A_73] : memref<2x16x5x32x128xi32, #tpu.memory_space<hbm>> -> memref<1x1x1x32x128xi32, #tpu.memory_space<hbm>>
        %dma_start3A_75 = tpu.memref_squeeze %dma_start3A_74 : memref<1x1x1x32x128xi32, #tpu.memory_space<hbm>> -> memref<32x128xi32, #tpu.memory_space<hbm>>
        %dma_start3A_76 = arith.constant 0 : i32
        %dma_start3A_77 = arith.constant 0 : i32
        %dma_start3A_78 = tpu.memref_slice %arg3[%arg0, %arg1, %scan3A_11, %dma_start3A_76, %dma_start3A_77] : memref<2x16x5x32x128xi32, #tpu.memory_space<hbm>> -> memref<1x1x1x32x128xi32, #tpu.memory_space<hbm>>
        %dma_start3A_79 = tpu.memref_squeeze %dma_start3A_78 : memref<1x1x1x32x128xi32, #tpu.memory_space<hbm>> -> memref<32x128xi32, #tpu.memory_space<hbm>>
        tpu.enqueue_dma source(%dma_start3A_79 : memref<32x128xi32, #tpu.memory_space<hbm>>) target(%arg7 : memref<32x128xi32, #tpu.memory_space<vmem>>) target_semaphore(%run_scoped3A : memref<!tpu.dma_semaphore, #tpu.memory_space<semaphore_mem>>)
        %dma_wait3A_80 = arith.constant 0 : i32
        %dma_wait3A_81 = arith.constant 0 : i32
        %dma_wait3A_82 = tpu.memref_slice %arg3[%arg0, %arg1, %scan3A_11, %dma_wait3A_80, %dma_wait3A_81] : memref<2x16x5x32x128xi32, #tpu.memory_space<hbm>> -> memref<1x1x1x32x128xi32, #tpu.memory_space<hbm>>
        %dma_wait3A_83 = tpu.memref_squeeze %dma_wait3A_82 : memref<1x1x1x32x128xi32, #tpu.memory_space<hbm>> -> memref<32x128xi32, #tpu.memory_space<hbm>>
        %dma_wait3A_84 = arith.constant 0 : i32
        %dma_wait3A_85 = arith.constant 0 : i32
        %dma_wait3A_86 = tpu.memref_slice %arg3[%arg0, %arg1, %scan3A_11, %dma_wait3A_84, %dma_wait3A_85] : memref<2x16x5x32x128xi32, #tpu.memory_space<hbm>> -> memref<1x1x1x32x128xi32, #tpu.memory_space<hbm>>
        %dma_wait3A_87 = tpu.memref_squeeze %dma_wait3A_86 : memref<1x1x1x32x128xi32, #tpu.memory_space<hbm>> -> memref<32x128xi32, #tpu.memory_space<hbm>>
        tpu.wait_dma2 semaphore(%run_scoped3A : memref<!tpu.dma_semaphore, #tpu.memory_space<semaphore_mem>>) src(%dma_wait3A_87 : memref<32x128xi32, #tpu.memory_space<hbm>>) dst(%arg7 : memref<32x128xi32, #tpu.memory_space<vmem>>)
        tpu.yield
      }) : () -> ()
      "tpu.region"() ({
        %run_scoped3A = tpu.sem_alloc : memref<!tpu.dma_semaphore, #tpu.memory_space<semaphore_mem>>
        %dma_start3A_72 = arith.constant 0 : i32
        %dma_start3A_73 = arith.constant 0 : i32
        %dma_start3A_74 = tpu.memref_slice %arg4[%arg1, %scan3A_11, %dma_start3A_72, %dma_start3A_73] : memref<16x5x32x128xi32, #tpu.memory_space<hbm>> -> memref<1x1x32x128xi32, #tpu.memory_space<hbm>>
        %dma_start3A_75 = tpu.memref_squeeze %dma_start3A_74 : memref<1x1x32x128xi32, #tpu.memory_space<hbm>> -> memref<32x128xi32, #tpu.memory_space<hbm>>
        %dma_start3A_76 = arith.constant 0 : i32
        %dma_start3A_77 = arith.constant 0 : i32
        %dma_start3A_78 = tpu.memref_slice %arg4[%arg1, %scan3A_11, %dma_start3A_76, %dma_start3A_77] : memref<16x5x32x128xi32, #tpu.memory_space<hbm>> -> memref<1x1x32x128xi32, #tpu.memory_space<hbm>>
        %dma_start3A_79 = tpu.memref_squeeze %dma_start3A_78 : memref<1x1x32x128xi32, #tpu.memory_space<hbm>> -> memref<32x128xi32, #tpu.memory_space<hbm>>
        tpu.enqueue_dma source(%dma_start3A_79 : memref<32x128xi32, #tpu.memory_space<hbm>>) target(%arg8 : memref<32x128xi32, #tpu.memory_space<vmem>>) target_semaphore(%run_scoped3A : memref<!tpu.dma_semaphore, #tpu.memory_space<semaphore_mem>>)
        %dma_wait3A_80 = arith.constant 0 : i32
        %dma_wait3A_81 = arith.constant 0 : i32
        %dma_wait3A_82 = tpu.memref_slice %arg4[%arg1, %scan3A_11, %dma_wait3A_80, %dma_wait3A_81] : memref<16x5x32x128xi32, #tpu.memory_space<hbm>> -> memref<1x1x32x128xi32, #tpu.memory_space<hbm>>
        %dma_wait3A_83 = tpu.memref_squeeze %dma_wait3A_82 : memref<1x1x32x128xi32, #tpu.memory_space<hbm>> -> memref<32x128xi32, #tpu.memory_space<hbm>>
        %dma_wait3A_84 = arith.constant 0 : i32
        %dma_wait3A_85 = arith.constant 0 : i32
        %dma_wait3A_86 = tpu.memref_slice %arg4[%arg1, %scan3A_11, %dma_wait3A_84, %dma_wait3A_85] : memref<16x5x32x128xi32, #tpu.memory_space<hbm>> -> memref<1x1x32x128xi32, #tpu.memory_space<hbm>>
        %dma_wait3A_87 = tpu.memref_squeeze %dma_wait3A_86 : memref<1x1x32x128xi32, #tpu.memory_space<hbm>> -> memref<32x128xi32, #tpu.memory_space<hbm>>
        tpu.wait_dma2 semaphore(%run_scoped3A : memref<!tpu.dma_semaphore, #tpu.memory_space<semaphore_mem>>) src(%dma_wait3A_87 : memref<32x128xi32, #tpu.memory_space<hbm>>) dst(%arg8 : memref<32x128xi32, #tpu.memory_space<vmem>>)
        tpu.yield
      }) : () -> ()
      %dma_start3A = arith.constant 0 : i32
      %dma_start3A_12 = arith.constant 0 : i32
      %dma_start3A_13 = tpu.memref_slice %arg7[%dma_start3A, %dma_start3A_12] : memref<32x128xi32, #tpu.memory_space<vmem>> -> memref<1x128xi32, #tpu.memory_space<vmem>>
      %dma_start3A_14 = tpu.memref_squeeze %dma_start3A_13 : memref<1x128xi32, #tpu.memory_space<vmem>> -> memref<128xi32, #tpu.memory_space<vmem>>
      %dma_start3A_15 = arith.constant 0 : i32
      %dma_start3A_16 = arith.constant 0 : i32
      %dma_start3A_17 = tpu.memref_slice %arg2[%dma_start3A_15, %dma_start3A_16] : memref<20000x128xf32, #tpu.memory_space<hbm>> -> memref<20000x128xf32, #tpu.memory_space<hbm>>
      tpu.enqueue_indirect_dma source(%dma_start3A_17 : memref<20000x128xf32, #tpu.memory_space<hbm>>) target(%arg9 : memref<128x128xf32, #tpu.memory_space<vmem>>) offsets(%dma_start3A_14 : memref<128xi32, #tpu.memory_space<vmem>>) semaphore(%arg12 : memref<!tpu.dma_semaphore, #tpu.memory_space<semaphore_mem>>)
      %dma_start3A_18 = arith.constant 1 : i32
      %dma_start3A_19 = arith.constant 0 : i32
      %dma_start3A_20 = tpu.memref_slice %arg7[%dma_start3A_18, %dma_start3A_19] : memref<32x128xi32, #tpu.memory_space<vmem>> -> memref<1x128xi32, #tpu.memory_space<vmem>>
      %dma_start3A_21 = tpu.memref_squeeze %dma_start3A_20 : memref<1x128xi32, #tpu.memory_space<vmem>> -> memref<128xi32, #tpu.memory_space<vmem>>
      %dma_start3A_22 = arith.constant 0 : i32
      %dma_start3A_23 = arith.constant 0 : i32
      %dma_start3A_24 = tpu.memref_slice %arg2[%dma_start3A_22, %dma_start3A_23] : memref<20000x128xf32, #tpu.memory_space<hbm>> -> memref<20000x128xf32, #tpu.memory_space<hbm>>
      tpu.enqueue_indirect_dma source(%dma_start3A_24 : memref<20000x128xf32, #tpu.memory_space<hbm>>) target(%arg10 : memref<128x128xf32, #tpu.memory_space<vmem>>) offsets(%dma_start3A_21 : memref<128xi32, #tpu.memory_space<vmem>>) semaphore(%arg13 : memref<!tpu.dma_semaphore, #tpu.memory_space<semaphore_mem>>)
      %scan3A_25 = arith.constant 0 : i32
      %scan3A_26 = arith.constant 0 : i32
      %scan3A_27 = arith.constant 15 : i32
      %scan3A_28 = arith.addi %scan3A_26, %scan3A_27 : i32
      %scan3A_29 = arith.constant 1 : i32
      scf.for %scan3A_72 = %scan3A_26 to %scan3A_28 step %scan3A_29  : i32 {
        %mul3A_73 = arith.constant 2 : i32
        %mul3A_74 = arith.muli %mul3A_73, %scan3A_72 : i32
        %dma_wait3A_75 = arith.constant 0 : i32
        %dma_wait3A_76 = tpu.memref_slice %arg7[%mul3A_74, %dma_wait3A_75] : memref<32x128xi32, #tpu.memory_space<vmem>> -> memref<1x128xi32, #tpu.memory_space<vmem>>
        %dma_wait3A_77 = tpu.memref_squeeze %dma_wait3A_76 : memref<1x128xi32, #tpu.memory_space<vmem>> -> memref<128xi32, #tpu.memory_space<vmem>>
        %dma_wait3A_78 = arith.constant 0 : i32
        %dma_wait3A_79 = arith.constant 0 : i32
        %dma_wait3A_80 = tpu.memref_slice %arg2[%dma_wait3A_78, %dma_wait3A_79] : memref<20000x128xf32, #tpu.memory_space<hbm>> -> memref<20000x128xf32, #tpu.memory_space<hbm>>
        tpu.wait_indirect_dma semaphore(%arg12 : memref<!tpu.dma_semaphore, #tpu.memory_space<semaphore_mem>>) src(%dma_wait3A_80 : memref<20000x128xf32, #tpu.memory_space<hbm>>) dst(%arg9 : memref<128x128xf32, #tpu.memory_space<vmem>>)
        %dma_start3A_81 = arith.constant 0 : i32
        %dma_start3A_82 = tpu.memref_slice %arg8[%mul3A_74, %dma_start3A_81] : memref<32x128xi32, #tpu.memory_space<vmem>> -> memref<1x128xi32, #tpu.memory_space<vmem>>
        %dma_start3A_83 = tpu.memref_squeeze %dma_start3A_82 : memref<1x128xi32, #tpu.memory_space<vmem>> -> memref<128xi32, #tpu.memory_space<vmem>>
        %dma_start3A_84 = arith.constant 0 : i32
        %dma_start3A_85 = arith.constant 0 : i32
        %dma_start3A_86 = tpu.memref_slice %arg11[%dma_start3A_84, %dma_start3A_85] : memref<10112x128xf32, #tpu.memory_space<vmem_shared>> -> memref<10112x128xf32, #tpu.memory_space<vmem_shared>>
        tpu.enqueue_indirect_dma source(%arg9 : memref<128x128xf32, #tpu.memory_space<vmem>>) target(%dma_start3A_86 : memref<10112x128xf32, #tpu.memory_space<vmem_shared>>) offsets(%dma_start3A_83 : memref<128xi32, #tpu.memory_space<vmem>>) semaphore(%arg14 : memref<!tpu.dma_semaphore, #tpu.memory_space<semaphore_mem>>) {add = true}
        %add3A = arith.constant 1 : i32
        %add3A_87 = arith.addi %mul3A_74, %add3A : i32
        %dma_wait3A_88 = arith.constant 0 : i32
        %dma_wait3A_89 = tpu.memref_slice %arg7[%add3A_87, %dma_wait3A_88] : memref<32x128xi32, #tpu.memory_space<vmem>> -> memref<1x128xi32, #tpu.memory_space<vmem>>
        %dma_wait3A_90 = tpu.memref_squeeze %dma_wait3A_89 : memref<1x128xi32, #tpu.memory_space<vmem>> -> memref<128xi32, #tpu.memory_space<vmem>>
        %dma_wait3A_91 = arith.constant 0 : i32
        %dma_wait3A_92 = arith.constant 0 : i32
        %dma_wait3A_93 = tpu.memref_slice %arg2[%dma_wait3A_91, %dma_wait3A_92] : memref<20000x128xf32, #tpu.memory_space<hbm>> -> memref<20000x128xf32, #tpu.memory_space<hbm>>
        tpu.wait_indirect_dma semaphore(%arg13 : memref<!tpu.dma_semaphore, #tpu.memory_space<semaphore_mem>>) src(%dma_wait3A_93 : memref<20000x128xf32, #tpu.memory_space<hbm>>) dst(%arg10 : memref<128x128xf32, #tpu.memory_space<vmem>>)
        %add3A_94 = arith.constant 1 : i32
        %add3A_95 = arith.addi %mul3A_74, %add3A_94 : i32
        %dma_start3A_96 = arith.constant 0 : i32
        %dma_start3A_97 = tpu.memref_slice %arg8[%add3A_95, %dma_start3A_96] : memref<32x128xi32, #tpu.memory_space<vmem>> -> memref<1x128xi32, #tpu.memory_space<vmem>>
        %dma_start3A_98 = tpu.memref_squeeze %dma_start3A_97 : memref<1x128xi32, #tpu.memory_space<vmem>> -> memref<128xi32, #tpu.memory_space<vmem>>
        %dma_start3A_99 = arith.constant 0 : i32
        %dma_start3A_100 = arith.constant 0 : i32
        %dma_start3A_101 = tpu.memref_slice %arg11[%dma_start3A_99, %dma_start3A_100] : memref<10112x128xf32, #tpu.memory_space<vmem_shared>> -> memref<10112x128xf32, #tpu.memory_space<vmem_shared>>
        tpu.enqueue_indirect_dma source(%arg10 : memref<128x128xf32, #tpu.memory_space<vmem>>) target(%dma_start3A_101 : memref<10112x128xf32, #tpu.memory_space<vmem_shared>>) offsets(%dma_start3A_98 : memref<128xi32, #tpu.memory_space<vmem>>) semaphore(%arg15 : memref<!tpu.dma_semaphore, #tpu.memory_space<semaphore_mem>>) {add = true}
        %dma_wait3A_102 = arith.constant 0 : i32
        %dma_wait3A_103 = tpu.memref_slice %arg8[%mul3A_74, %dma_wait3A_102] : memref<32x128xi32, #tpu.memory_space<vmem>> -> memref<1x128xi32, #tpu.memory_space<vmem>>
        %dma_wait3A_104 = tpu.memref_squeeze %dma_wait3A_103 : memref<1x128xi32, #tpu.memory_space<vmem>> -> memref<128xi32, #tpu.memory_space<vmem>>
        %dma_wait3A_105 = arith.constant 0 : i32
        %dma_wait3A_106 = arith.constant 0 : i32
        %dma_wait3A_107 = tpu.memref_slice %arg11[%dma_wait3A_105, %dma_wait3A_106] : memref<10112x128xf32, #tpu.memory_space<vmem_shared>> -> memref<10112x128xf32, #tpu.memory_space<vmem_shared>>
        tpu.wait_indirect_dma semaphore(%arg14 : memref<!tpu.dma_semaphore, #tpu.memory_space<semaphore_mem>>) src(%arg9 : memref<128x128xf32, #tpu.memory_space<vmem>>) dst(%dma_wait3A_107 : memref<10112x128xf32, #tpu.memory_space<vmem_shared>>)
        %add3A_108 = arith.constant 2 : i32
        %add3A_109 = arith.addi %mul3A_74, %add3A_108 : i32
        %dma_start3A_110 = arith.constant 0 : i32
        %dma_start3A_111 = tpu.memref_slice %arg7[%add3A_109, %dma_start3A_110] : memref<32x128xi32, #tpu.memory_space<vmem>> -> memref<1x128xi32, #tpu.memory_space<vmem>>
        %dma_start3A_112 = tpu.memref_squeeze %dma_start3A_111 : memref<1x128xi32, #tpu.memory_space<vmem>> -> memref<128xi32, #tpu.memory_space<vmem>>
        %dma_start3A_113 = arith.constant 0 : i32
        %dma_start3A_114 = arith.constant 0 : i32
        %dma_start3A_115 = tpu.memref_slice %arg2[%dma_start3A_113, %dma_start3A_114] : memref<20000x128xf32, #tpu.memory_space<hbm>> -> memref<20000x128xf32, #tpu.memory_space<hbm>>
        tpu.enqueue_indirect_dma source(%dma_start3A_115 : memref<20000x128xf32, #tpu.memory_space<hbm>>) target(%arg9 : memref<128x128xf32, #tpu.memory_space<vmem>>) offsets(%dma_start3A_112 : memref<128xi32, #tpu.memory_space<vmem>>) semaphore(%arg12 : memref<!tpu.dma_semaphore, #tpu.memory_space<semaphore_mem>>)
        %add3A_116 = arith.constant 1 : i32
        %add3A_117 = arith.addi %mul3A_74, %add3A_116 : i32
        %dma_wait3A_118 = arith.constant 0 : i32
        %dma_wait3A_119 = tpu.memref_slice %arg8[%add3A_117, %dma_wait3A_118] : memref<32x128xi32, #tpu.memory_space<vmem>> -> memref<1x128xi32, #tpu.memory_space<vmem>>
        %dma_wait3A_120 = tpu.memref_squeeze %dma_wait3A_119 : memref<1x128xi32, #tpu.memory_space<vmem>> -> memref<128xi32, #tpu.memory_space<vmem>>
        %dma_wait3A_121 = arith.constant 0 : i32
        %dma_wait3A_122 = arith.constant 0 : i32
        %dma_wait3A_123 = tpu.memref_slice %arg11[%dma_wait3A_121, %dma_wait3A_122] : memref<10112x128xf32, #tpu.memory_space<vmem_shared>> -> memref<10112x128xf32, #tpu.memory_space<vmem_shared>>
        tpu.wait_indirect_dma semaphore(%arg15 : memref<!tpu.dma_semaphore, #tpu.memory_space<semaphore_mem>>) src(%arg10 : memref<128x128xf32, #tpu.memory_space<vmem>>) dst(%dma_wait3A_123 : memref<10112x128xf32, #tpu.memory_space<vmem_shared>>)
        %add3A_124 = arith.constant 3 : i32
        %add3A_125 = arith.addi %mul3A_74, %add3A_124 : i32
        %dma_start3A_126 = arith.constant 0 : i32
        %dma_start3A_127 = tpu.memref_slice %arg7[%add3A_125, %dma_start3A_126] : memref<32x128xi32, #tpu.memory_space<vmem>> -> memref<1x128xi32, #tpu.memory_space<vmem>>
        %dma_start3A_128 = tpu.memref_squeeze %dma_start3A_127 : memref<1x128xi32, #tpu.memory_space<vmem>> -> memref<128xi32, #tpu.memory_space<vmem>>
        %dma_start3A_129 = arith.constant 0 : i32
        %dma_start3A_130 = arith.constant 0 : i32
        %dma_start3A_131 = tpu.memref_slice %arg2[%dma_start3A_129, %dma_start3A_130] : memref<20000x128xf32, #tpu.memory_space<hbm>> -> memref<20000x128xf32, #tpu.memory_space<hbm>>
        tpu.enqueue_indirect_dma source(%dma_start3A_131 : memref<20000x128xf32, #tpu.memory_space<hbm>>) target(%arg10 : memref<128x128xf32, #tpu.memory_space<vmem>>) offsets(%dma_start3A_128 : memref<128xi32, #tpu.memory_space<vmem>>) semaphore(%arg13 : memref<!tpu.dma_semaphore, #tpu.memory_space<semaphore_mem>>)
      }
      %scan3A_30 = arith.constant 15 : i32
      %dma_wait3A = arith.constant 30 : i32
      %dma_wait3A_31 = arith.constant 0 : i32
      %dma_wait3A_32 = tpu.memref_slice %arg7[%dma_wait3A, %dma_wait3A_31] : memref<32x128xi32, #tpu.memory_space<vmem>> -> memref<1x128xi32, #tpu.memory_space<vmem>>
      %dma_wait3A_33 = tpu.memref_squeeze %dma_wait3A_32 : memref<1x128xi32, #tpu.memory_space<vmem>> -> memref<128xi32, #tpu.memory_space<vmem>>
      %dma_wait3A_34 = arith.constant 0 : i32
      %dma_wait3A_35 = arith.constant 0 : i32
      %dma_wait3A_36 = tpu.memref_slice %arg2[%dma_wait3A_34, %dma_wait3A_35] : memref<20000x128xf32, #tpu.memory_space<hbm>> -> memref<20000x128xf32, #tpu.memory_space<hbm>>
      tpu.wait_indirect_dma semaphore(%arg12 : memref<!tpu.dma_semaphore, #tpu.memory_space<semaphore_mem>>) src(%dma_wait3A_36 : memref<20000x128xf32, #tpu.memory_space<hbm>>) dst(%arg9 : memref<128x128xf32, #tpu.memory_space<vmem>>)
      %dma_start3A_37 = arith.constant 30 : i32
      %dma_start3A_38 = arith.constant 0 : i32
      %dma_start3A_39 = tpu.memref_slice %arg8[%dma_start3A_37, %dma_start3A_38] : memref<32x128xi32, #tpu.memory_space<vmem>> -> memref<1x128xi32, #tpu.memory_space<vmem>>
      %dma_start3A_40 = tpu.memref_squeeze %dma_start3A_39 : memref<1x128xi32, #tpu.memory_space<vmem>> -> memref<128xi32, #tpu.memory_space<vmem>>
      %dma_start3A_41 = arith.constant 0 : i32
      %dma_start3A_42 = arith.constant 0 : i32
      %dma_start3A_43 = tpu.memref_slice %arg11[%dma_start3A_41, %dma_start3A_42] : memref<10112x128xf32, #tpu.memory_space<vmem_shared>> -> memref<10112x128xf32, #tpu.memory_space<vmem_shared>>
      tpu.enqueue_indirect_dma source(%arg9 : memref<128x128xf32, #tpu.memory_space<vmem>>) target(%dma_start3A_43 : memref<10112x128xf32, #tpu.memory_space<vmem_shared>>) offsets(%dma_start3A_40 : memref<128xi32, #tpu.memory_space<vmem>>) semaphore(%arg14 : memref<!tpu.dma_semaphore, #tpu.memory_space<semaphore_mem>>) {add = true}
      %dma_wait3A_44 = arith.constant 31 : i32
      %dma_wait3A_45 = arith.constant 0 : i32
      %dma_wait3A_46 = tpu.memref_slice %arg7[%dma_wait3A_44, %dma_wait3A_45] : memref<32x128xi32, #tpu.memory_space<vmem>> -> memref<1x128xi32, #tpu.memory_space<vmem>>
      %dma_wait3A_47 = tpu.memref_squeeze %dma_wait3A_46 : memref<1x128xi32, #tpu.memory_space<vmem>> -> memref<128xi32, #tpu.memory_space<vmem>>
      %dma_wait3A_48 = arith.constant 0 : i32
      %dma_wait3A_49 = arith.constant 0 : i32
      %dma_wait3A_50 = tpu.memref_slice %arg2[%dma_wait3A_48, %dma_wait3A_49] : memref<20000x128xf32, #tpu.memory_space<hbm>> -> memref<20000x128xf32, #tpu.memory_space<hbm>>
      tpu.wait_indirect_dma semaphore(%arg13 : memref<!tpu.dma_semaphore, #tpu.memory_space<semaphore_mem>>) src(%dma_wait3A_50 : memref<20000x128xf32, #tpu.memory_space<hbm>>) dst(%arg10 : memref<128x128xf32, #tpu.memory_space<vmem>>)
      %dma_start3A_51 = arith.constant 31 : i32
      %dma_start3A_52 = arith.constant 0 : i32
      %dma_start3A_53 = tpu.memref_slice %arg8[%dma_start3A_51, %dma_start3A_52] : memref<32x128xi32, #tpu.memory_space<vmem>> -> memref<1x128xi32, #tpu.memory_space<vmem>>
      %dma_start3A_54 = tpu.memref_squeeze %dma_start3A_53 : memref<1x128xi32, #tpu.memory_space<vmem>> -> memref<128xi32, #tpu.memory_space<vmem>>
      %dma_start3A_55 = arith.constant 0 : i32
      %dma_start3A_56 = arith.constant 0 : i32
      %dma_start3A_57 = tpu.memref_slice %arg11[%dma_start3A_55, %dma_start3A_56] : memref<10112x128xf32, #tpu.memory_space<vmem_shared>> -> memref<10112x128xf32, #tpu.memory_space<vmem_shared>>
      tpu.enqueue_indirect_dma source(%arg10 : memref<128x128xf32, #tpu.memory_space<vmem>>) target(%dma_start3A_57 : memref<10112x128xf32, #tpu.memory_space<vmem_shared>>) offsets(%dma_start3A_54 : memref<128xi32, #tpu.memory_space<vmem>>) semaphore(%arg15 : memref<!tpu.dma_semaphore, #tpu.memory_space<semaphore_mem>>) {add = true}
      %dma_wait3A_58 = arith.constant 30 : i32
      %dma_wait3A_59 = arith.constant 0 : i32
      %dma_wait3A_60 = tpu.memref_slice %arg8[%dma_wait3A_58, %dma_wait3A_59] : memref<32x128xi32, #tpu.memory_space<vmem>> -> memref<1x128xi32, #tpu.memory_space<vmem>>
      %dma_wait3A_61 = tpu.memref_squeeze %dma_wait3A_60 : memref<1x128xi32, #tpu.memory_space<vmem>> -> memref<128xi32, #tpu.memory_space<vmem>>
      %dma_wait3A_62 = arith.constant 0 : i32
      %dma_wait3A_63 = arith.constant 0 : i32
      %dma_wait3A_64 = tpu.memref_slice %arg11[%dma_wait3A_62, %dma_wait3A_63] : memref<10112x128xf32, #tpu.memory_space<vmem_shared>> -> memref<10112x128xf32, #tpu.memory_space<vmem_shared>>
      tpu.wait_indirect_dma semaphore(%arg14 : memref<!tpu.dma_semaphore, #tpu.memory_space<semaphore_mem>>) src(%arg9 : memref<128x128xf32, #tpu.memory_space<vmem>>) dst(%dma_wait3A_64 : memref<10112x128xf32, #tpu.memory_space<vmem_shared>>)
      %dma_wait3A_65 = arith.constant 31 : i32
      %dma_wait3A_66 = arith.constant 0 : i32
      %dma_wait3A_67 = tpu.memref_slice %arg8[%dma_wait3A_65, %dma_wait3A_66] : memref<32x128xi32, #tpu.memory_space<vmem>> -> memref<1x128xi32, #tpu.memory_space<vmem>>
      %dma_wait3A_68 = tpu.memref_squeeze %dma_wait3A_67 : memref<1x128xi32, #tpu.memory_space<vmem>> -> memref<128xi32, #tpu.memory_space<vmem>>
      %dma_wait3A_69 = arith.constant 0 : i32
      %dma_wait3A_70 = arith.constant 0 : i32
      %dma_wait3A_71 = tpu.memref_slice %arg11[%dma_wait3A_69, %dma_wait3A_70] : memref<10112x128xf32, #tpu.memory_space<vmem_shared>> -> memref<10112x128xf32, #tpu.memory_space<vmem_shared>>
      tpu.wait_indirect_dma semaphore(%arg15 : memref<!tpu.dma_semaphore, #tpu.memory_space<semaphore_mem>>) src(%arg10 : memref<128x128xf32, #tpu.memory_space<vmem>>) dst(%dma_wait3A_71 : memref<10112x128xf32, #tpu.memory_space<vmem_shared>>)
    }
    %scan3A_5 = arith.constant 5 : i32
    %barrier3A_6 = arith.constant 0 : index
    tpu.barrier barrier_id(%barrier3A_6)
    %mul3A_7 = arith.constant 632 : i32
    %mul3A_8 = arith.muli %arg1, %mul3A_7 : i32
    %mul3A_9 = arith.constant 632 : i32
    %mul3A_10 = arith.muli %arg1, %mul3A_9 : i32
    "tpu.region"() ({
      %run_scoped3A = tpu.sem_alloc : memref<!tpu.dma_semaphore, #tpu.memory_space<semaphore_mem>>
      %dma_start3A = arith.constant 0 : i32
      %dma_start3A_11 = tpu.memref_slice %arg6[%arg0, %mul3A_10, %dma_start3A] : memref<2x10112x128xf32, #tpu.memory_space<hbm>> -> memref<1x632x128xf32, #tpu.memory_space<hbm>>
      %dma_start3A_12 = tpu.memref_squeeze %dma_start3A_11 : memref<1x632x128xf32, #tpu.memory_space<hbm>> -> memref<632x128xf32, #tpu.memory_space<hbm>>
      %dma_start3A_13 = arith.constant 0 : i32
      %dma_start3A_14 = tpu.memref_slice %arg11[%mul3A_8, %dma_start3A_13] : memref<10112x128xf32, #tpu.memory_space<vmem_shared>> -> memref<632x128xf32, #tpu.memory_space<vmem_shared>>
      tpu.enqueue_dma source(%dma_start3A_14 : memref<632x128xf32, #tpu.memory_space<vmem_shared>>) target(%dma_start3A_12 : memref<632x128xf32, #tpu.memory_space<hbm>>) target_semaphore(%run_scoped3A : memref<!tpu.dma_semaphore, #tpu.memory_space<semaphore_mem>>)
      %dma_wait3A = arith.constant 0 : i32
      %dma_wait3A_15 = tpu.memref_slice %arg6[%arg0, %mul3A_10, %dma_wait3A] : memref<2x10112x128xf32, #tpu.memory_space<hbm>> -> memref<1x632x128xf32, #tpu.memory_space<hbm>>
      %dma_wait3A_16 = tpu.memref_squeeze %dma_wait3A_15 : memref<1x632x128xf32, #tpu.memory_space<hbm>> -> memref<632x128xf32, #tpu.memory_space<hbm>>
      %dma_wait3A_17 = arith.constant 0 : i32
      %dma_wait3A_18 = tpu.memref_slice %arg11[%mul3A_8, %dma_wait3A_17] : memref<10112x128xf32, #tpu.memory_space<vmem_shared>> -> memref<632x128xf32, #tpu.memory_space<vmem_shared>>
      tpu.wait_dma2 semaphore(%run_scoped3A : memref<!tpu.dma_semaphore, #tpu.memory_space<semaphore_mem>>) src(%dma_wait3A_18 : memref<632x128xf32, #tpu.memory_space<vmem_shared>>) dst(%dma_wait3A_16 : memref<632x128xf32, #tpu.memory_space<hbm>>)
      tpu.yield
    }) : () -> ()
    return
  }
}

#map = affine_map<(d0, d1) -> (0, 0)>
#map1 = affine_map<(d0, d1) -> (0, 0, 0, 0)>
#map2 = affine_map<(d0, d1) -> (0, 0, 0)>
module attributes {stable_mosaic.version = 14 : i64} {
  func.func @spmm(%arg0: i32, %arg1: i32, %arg2: memref<20000x128xf32, #tpu.memory_space<hbm>>, %arg3: memref<32x5x16x128xi32, #tpu.memory_space<hbm>>, %arg4: memref<32x5x16x128xi32, #tpu.memory_space<hbm>>, %arg5: memref<632x128xf32, #tpu.memory_space<hbm>>, %arg6: memref<2x10112x128xf32, #tpu.memory_space<hbm>>, %arg7: memref<16x128xi32, #tpu.memory_space<vmem>>, %arg8: memref<16x128xi32, #tpu.memory_space<vmem>>, %arg9: memref<128x128xf32, #tpu.memory_space<vmem>>, %arg10: memref<128x128xf32, #tpu.memory_space<vmem>>, %arg11: memref<10112x128xf32, #tpu.memory_space<vmem_shared>>, %arg12: memref<!tpu.dma_semaphore, #tpu.memory_space<semaphore_mem>>, %arg13: memref<!tpu.dma_semaphore, #tpu.memory_space<semaphore_mem>>, %arg14: memref<!tpu.dma_semaphore, #tpu.memory_space<semaphore_mem>>, %arg15: memref<!tpu.dma_semaphore, #tpu.memory_space<semaphore_mem>>) attributes {dimension_semantics = [#tpu.dimension_semantics<core_parallel>, #tpu.dimension_semantics<subcore_parallel>], iteration_bounds = array<i64: 2, 16>, scalar_prefetch = 0 : i64, scratch_operands = 9 : i64, tpu.core_type = #tpu.core_type<sc_vector_subcore>, window_params = [{transform_indices = #map}, {transform_indices = #map1}, {transform_indices = #map1}, {transform_indices = #map}, {transform_indices = #map2}]} {
    %mul3A = arith.constant 632 : i32
    %mul3A_0 = arith.muli %arg1, %mul3A : i32
    "tpu.region"() ({
      %run_scoped3A = tpu.sem_alloc : memref<!tpu.dma_semaphore, #tpu.memory_space<semaphore_mem>>
      %dma_start3A = arith.constant 0 : i32
      %dma_start3A_11 = tpu.memref_slice %arg11[%mul3A_0, %dma_start3A] : memref<10112x128xf32, #tpu.memory_space<vmem_shared>> -> memref<632x128xf32, #tpu.memory_space<vmem_shared>>
      tpu.enqueue_dma source(%arg5 : memref<632x128xf32, #tpu.memory_space<hbm>>) target(%dma_start3A_11 : memref<632x128xf32, #tpu.memory_space<vmem_shared>>) target_semaphore(%run_scoped3A : memref<!tpu.dma_semaphore, #tpu.memory_space<semaphore_mem>>)
      %dma_wait3A = arith.constant 0 : i32
      %dma_wait3A_12 = tpu.memref_slice %arg11[%mul3A_0, %dma_wait3A] : memref<10112x128xf32, #tpu.memory_space<vmem_shared>> -> memref<632x128xf32, #tpu.memory_space<vmem_shared>>
      tpu.wait_dma2 semaphore(%run_scoped3A : memref<!tpu.dma_semaphore, #tpu.memory_space<semaphore_mem>>) src(%arg5 : memref<632x128xf32, #tpu.memory_space<hbm>>) dst(%dma_wait3A_12 : memref<632x128xf32, #tpu.memory_space<vmem_shared>>)
      tpu.yield
    }) : () -> ()
    %barrier3A = arith.constant 0 : index
    tpu.barrier barrier_id(%barrier3A)
    %scan3A = arith.constant 0 : i32
    %scan3A_1 = arith.constant 0 : i32
    %scan3A_2 = arith.constant 5 : i32
    %scan3A_3 = arith.addi %scan3A_1, %scan3A_2 : i32
    %scan3A_4 = arith.constant 1 : i32
    scf.for %scan3A_11 = %scan3A_1 to %scan3A_3 step %scan3A_4  : i32 {
      %mul3A_12 = arith.constant 2 : i32
      %mul3A_13 = arith.muli %arg1, %mul3A_12 : i32
      %add3A = arith.addi %mul3A_13, %arg0 : i32
      "tpu.region"() ({
        %run_scoped3A = tpu.sem_alloc : memref<!tpu.dma_semaphore, #tpu.memory_space<semaphore_mem>>
        %dma_start3A_74 = arith.constant 0 : i32
        %dma_start3A_75 = arith.constant 0 : i32
        %dma_start3A_76 = tpu.memref_slice %arg3[%add3A, %scan3A_11, %dma_start3A_74, %dma_start3A_75] : memref<32x5x16x128xi32, #tpu.memory_space<hbm>> -> memref<1x1x16x128xi32, #tpu.memory_space<hbm>>
        %dma_start3A_77 = tpu.memref_squeeze %dma_start3A_76 : memref<1x1x16x128xi32, #tpu.memory_space<hbm>> -> memref<16x128xi32, #tpu.memory_space<hbm>>
        %dma_start3A_78 = arith.constant 0 : i32
        %dma_start3A_79 = arith.constant 0 : i32
        %dma_start3A_80 = tpu.memref_slice %arg3[%add3A, %scan3A_11, %dma_start3A_78, %dma_start3A_79] : memref<32x5x16x128xi32, #tpu.memory_space<hbm>> -> memref<1x1x16x128xi32, #tpu.memory_space<hbm>>
        %dma_start3A_81 = tpu.memref_squeeze %dma_start3A_80 : memref<1x1x16x128xi32, #tpu.memory_space<hbm>> -> memref<16x128xi32, #tpu.memory_space<hbm>>
        tpu.enqueue_dma source(%dma_start3A_81 : memref<16x128xi32, #tpu.memory_space<hbm>>) target(%arg7 : memref<16x128xi32, #tpu.memory_space<vmem>>) target_semaphore(%run_scoped3A : memref<!tpu.dma_semaphore, #tpu.memory_space<semaphore_mem>>)
        %dma_wait3A_82 = arith.constant 0 : i32
        %dma_wait3A_83 = arith.constant 0 : i32
        %dma_wait3A_84 = tpu.memref_slice %arg3[%add3A, %scan3A_11, %dma_wait3A_82, %dma_wait3A_83] : memref<32x5x16x128xi32, #tpu.memory_space<hbm>> -> memref<1x1x16x128xi32, #tpu.memory_space<hbm>>
        %dma_wait3A_85 = tpu.memref_squeeze %dma_wait3A_84 : memref<1x1x16x128xi32, #tpu.memory_space<hbm>> -> memref<16x128xi32, #tpu.memory_space<hbm>>
        %dma_wait3A_86 = arith.constant 0 : i32
        %dma_wait3A_87 = arith.constant 0 : i32
        %dma_wait3A_88 = tpu.memref_slice %arg3[%add3A, %scan3A_11, %dma_wait3A_86, %dma_wait3A_87] : memref<32x5x16x128xi32, #tpu.memory_space<hbm>> -> memref<1x1x16x128xi32, #tpu.memory_space<hbm>>
        %dma_wait3A_89 = tpu.memref_squeeze %dma_wait3A_88 : memref<1x1x16x128xi32, #tpu.memory_space<hbm>> -> memref<16x128xi32, #tpu.memory_space<hbm>>
        tpu.wait_dma2 semaphore(%run_scoped3A : memref<!tpu.dma_semaphore, #tpu.memory_space<semaphore_mem>>) src(%dma_wait3A_89 : memref<16x128xi32, #tpu.memory_space<hbm>>) dst(%arg7 : memref<16x128xi32, #tpu.memory_space<vmem>>)
        tpu.yield
      }) : () -> ()
      "tpu.region"() ({
        %run_scoped3A = tpu.sem_alloc : memref<!tpu.dma_semaphore, #tpu.memory_space<semaphore_mem>>
        %dma_start3A_74 = arith.constant 0 : i32
        %dma_start3A_75 = arith.constant 0 : i32
        %dma_start3A_76 = tpu.memref_slice %arg4[%add3A, %scan3A_11, %dma_start3A_74, %dma_start3A_75] : memref<32x5x16x128xi32, #tpu.memory_space<hbm>> -> memref<1x1x16x128xi32, #tpu.memory_space<hbm>>
        %dma_start3A_77 = tpu.memref_squeeze %dma_start3A_76 : memref<1x1x16x128xi32, #tpu.memory_space<hbm>> -> memref<16x128xi32, #tpu.memory_space<hbm>>
        %dma_start3A_78 = arith.constant 0 : i32
        %dma_start3A_79 = arith.constant 0 : i32
        %dma_start3A_80 = tpu.memref_slice %arg4[%add3A, %scan3A_11, %dma_start3A_78, %dma_start3A_79] : memref<32x5x16x128xi32, #tpu.memory_space<hbm>> -> memref<1x1x16x128xi32, #tpu.memory_space<hbm>>
        %dma_start3A_81 = tpu.memref_squeeze %dma_start3A_80 : memref<1x1x16x128xi32, #tpu.memory_space<hbm>> -> memref<16x128xi32, #tpu.memory_space<hbm>>
        tpu.enqueue_dma source(%dma_start3A_81 : memref<16x128xi32, #tpu.memory_space<hbm>>) target(%arg8 : memref<16x128xi32, #tpu.memory_space<vmem>>) target_semaphore(%run_scoped3A : memref<!tpu.dma_semaphore, #tpu.memory_space<semaphore_mem>>)
        %dma_wait3A_82 = arith.constant 0 : i32
        %dma_wait3A_83 = arith.constant 0 : i32
        %dma_wait3A_84 = tpu.memref_slice %arg4[%add3A, %scan3A_11, %dma_wait3A_82, %dma_wait3A_83] : memref<32x5x16x128xi32, #tpu.memory_space<hbm>> -> memref<1x1x16x128xi32, #tpu.memory_space<hbm>>
        %dma_wait3A_85 = tpu.memref_squeeze %dma_wait3A_84 : memref<1x1x16x128xi32, #tpu.memory_space<hbm>> -> memref<16x128xi32, #tpu.memory_space<hbm>>
        %dma_wait3A_86 = arith.constant 0 : i32
        %dma_wait3A_87 = arith.constant 0 : i32
        %dma_wait3A_88 = tpu.memref_slice %arg4[%add3A, %scan3A_11, %dma_wait3A_86, %dma_wait3A_87] : memref<32x5x16x128xi32, #tpu.memory_space<hbm>> -> memref<1x1x16x128xi32, #tpu.memory_space<hbm>>
        %dma_wait3A_89 = tpu.memref_squeeze %dma_wait3A_88 : memref<1x1x16x128xi32, #tpu.memory_space<hbm>> -> memref<16x128xi32, #tpu.memory_space<hbm>>
        tpu.wait_dma2 semaphore(%run_scoped3A : memref<!tpu.dma_semaphore, #tpu.memory_space<semaphore_mem>>) src(%dma_wait3A_89 : memref<16x128xi32, #tpu.memory_space<hbm>>) dst(%arg8 : memref<16x128xi32, #tpu.memory_space<vmem>>)
        tpu.yield
      }) : () -> ()
      %dma_start3A = arith.constant 0 : i32
      %dma_start3A_14 = arith.constant 0 : i32
      %dma_start3A_15 = tpu.memref_slice %arg7[%dma_start3A, %dma_start3A_14] : memref<16x128xi32, #tpu.memory_space<vmem>> -> memref<1x128xi32, #tpu.memory_space<vmem>>
      %dma_start3A_16 = tpu.memref_squeeze %dma_start3A_15 : memref<1x128xi32, #tpu.memory_space<vmem>> -> memref<128xi32, #tpu.memory_space<vmem>>
      %dma_start3A_17 = arith.constant 0 : i32
      %dma_start3A_18 = arith.constant 0 : i32
      %dma_start3A_19 = tpu.memref_slice %arg2[%dma_start3A_17, %dma_start3A_18] : memref<20000x128xf32, #tpu.memory_space<hbm>> -> memref<20000x128xf32, #tpu.memory_space<hbm>>
      tpu.enqueue_indirect_dma source(%dma_start3A_19 : memref<20000x128xf32, #tpu.memory_space<hbm>>) target(%arg9 : memref<128x128xf32, #tpu.memory_space<vmem>>) offsets(%dma_start3A_16 : memref<128xi32, #tpu.memory_space<vmem>>) semaphore(%arg12 : memref<!tpu.dma_semaphore, #tpu.memory_space<semaphore_mem>>)
      %dma_start3A_20 = arith.constant 1 : i32
      %dma_start3A_21 = arith.constant 0 : i32
      %dma_start3A_22 = tpu.memref_slice %arg7[%dma_start3A_20, %dma_start3A_21] : memref<16x128xi32, #tpu.memory_space<vmem>> -> memref<1x128xi32, #tpu.memory_space<vmem>>
      %dma_start3A_23 = tpu.memref_squeeze %dma_start3A_22 : memref<1x128xi32, #tpu.memory_space<vmem>> -> memref<128xi32, #tpu.memory_space<vmem>>
      %dma_start3A_24 = arith.constant 0 : i32
      %dma_start3A_25 = arith.constant 0 : i32
      %dma_start3A_26 = tpu.memref_slice %arg2[%dma_start3A_24, %dma_start3A_25] : memref<20000x128xf32, #tpu.memory_space<hbm>> -> memref<20000x128xf32, #tpu.memory_space<hbm>>
      tpu.enqueue_indirect_dma source(%dma_start3A_26 : memref<20000x128xf32, #tpu.memory_space<hbm>>) target(%arg10 : memref<128x128xf32, #tpu.memory_space<vmem>>) offsets(%dma_start3A_23 : memref<128xi32, #tpu.memory_space<vmem>>) semaphore(%arg13 : memref<!tpu.dma_semaphore, #tpu.memory_space<semaphore_mem>>)
      %scan3A_27 = arith.constant 0 : i32
      %scan3A_28 = arith.constant 0 : i32
      %scan3A_29 = arith.constant 7 : i32
      %scan3A_30 = arith.addi %scan3A_28, %scan3A_29 : i32
      %scan3A_31 = arith.constant 1 : i32
      scf.for %scan3A_74 = %scan3A_28 to %scan3A_30 step %scan3A_31  : i32 {
        %mul3A_75 = arith.constant 2 : i32
        %mul3A_76 = arith.muli %mul3A_75, %scan3A_74 : i32
        %dma_wait3A_77 = arith.constant 0 : i32
        %dma_wait3A_78 = tpu.memref_slice %arg7[%mul3A_76, %dma_wait3A_77] : memref<16x128xi32, #tpu.memory_space<vmem>> -> memref<1x128xi32, #tpu.memory_space<vmem>>
        %dma_wait3A_79 = tpu.memref_squeeze %dma_wait3A_78 : memref<1x128xi32, #tpu.memory_space<vmem>> -> memref<128xi32, #tpu.memory_space<vmem>>
        %dma_wait3A_80 = arith.constant 0 : i32
        %dma_wait3A_81 = arith.constant 0 : i32
        %dma_wait3A_82 = tpu.memref_slice %arg2[%dma_wait3A_80, %dma_wait3A_81] : memref<20000x128xf32, #tpu.memory_space<hbm>> -> memref<20000x128xf32, #tpu.memory_space<hbm>>
        tpu.wait_indirect_dma semaphore(%arg12 : memref<!tpu.dma_semaphore, #tpu.memory_space<semaphore_mem>>) src(%dma_wait3A_82 : memref<20000x128xf32, #tpu.memory_space<hbm>>) dst(%arg9 : memref<128x128xf32, #tpu.memory_space<vmem>>)
        %dma_start3A_83 = arith.constant 0 : i32
        %dma_start3A_84 = tpu.memref_slice %arg8[%mul3A_76, %dma_start3A_83] : memref<16x128xi32, #tpu.memory_space<vmem>> -> memref<1x128xi32, #tpu.memory_space<vmem>>
        %dma_start3A_85 = tpu.memref_squeeze %dma_start3A_84 : memref<1x128xi32, #tpu.memory_space<vmem>> -> memref<128xi32, #tpu.memory_space<vmem>>
        %dma_start3A_86 = arith.constant 0 : i32
        %dma_start3A_87 = arith.constant 0 : i32
        %dma_start3A_88 = tpu.memref_slice %arg11[%dma_start3A_86, %dma_start3A_87] : memref<10112x128xf32, #tpu.memory_space<vmem_shared>> -> memref<10112x128xf32, #tpu.memory_space<vmem_shared>>
        tpu.enqueue_indirect_dma source(%arg9 : memref<128x128xf32, #tpu.memory_space<vmem>>) target(%dma_start3A_88 : memref<10112x128xf32, #tpu.memory_space<vmem_shared>>) offsets(%dma_start3A_85 : memref<128xi32, #tpu.memory_space<vmem>>) semaphore(%arg14 : memref<!tpu.dma_semaphore, #tpu.memory_space<semaphore_mem>>) {add = true}
        %add3A_89 = arith.constant 1 : i32
        %add3A_90 = arith.addi %mul3A_76, %add3A_89 : i32
        %dma_wait3A_91 = arith.constant 0 : i32
        %dma_wait3A_92 = tpu.memref_slice %arg7[%add3A_90, %dma_wait3A_91] : memref<16x128xi32, #tpu.memory_space<vmem>> -> memref<1x128xi32, #tpu.memory_space<vmem>>
        %dma_wait3A_93 = tpu.memref_squeeze %dma_wait3A_92 : memref<1x128xi32, #tpu.memory_space<vmem>> -> memref<128xi32, #tpu.memory_space<vmem>>
        %dma_wait3A_94 = arith.constant 0 : i32
        %dma_wait3A_95 = arith.constant 0 : i32
        %dma_wait3A_96 = tpu.memref_slice %arg2[%dma_wait3A_94, %dma_wait3A_95] : memref<20000x128xf32, #tpu.memory_space<hbm>> -> memref<20000x128xf32, #tpu.memory_space<hbm>>
        tpu.wait_indirect_dma semaphore(%arg13 : memref<!tpu.dma_semaphore, #tpu.memory_space<semaphore_mem>>) src(%dma_wait3A_96 : memref<20000x128xf32, #tpu.memory_space<hbm>>) dst(%arg10 : memref<128x128xf32, #tpu.memory_space<vmem>>)
        %add3A_97 = arith.constant 1 : i32
        %add3A_98 = arith.addi %mul3A_76, %add3A_97 : i32
        %dma_start3A_99 = arith.constant 0 : i32
        %dma_start3A_100 = tpu.memref_slice %arg8[%add3A_98, %dma_start3A_99] : memref<16x128xi32, #tpu.memory_space<vmem>> -> memref<1x128xi32, #tpu.memory_space<vmem>>
        %dma_start3A_101 = tpu.memref_squeeze %dma_start3A_100 : memref<1x128xi32, #tpu.memory_space<vmem>> -> memref<128xi32, #tpu.memory_space<vmem>>
        %dma_start3A_102 = arith.constant 0 : i32
        %dma_start3A_103 = arith.constant 0 : i32
        %dma_start3A_104 = tpu.memref_slice %arg11[%dma_start3A_102, %dma_start3A_103] : memref<10112x128xf32, #tpu.memory_space<vmem_shared>> -> memref<10112x128xf32, #tpu.memory_space<vmem_shared>>
        tpu.enqueue_indirect_dma source(%arg10 : memref<128x128xf32, #tpu.memory_space<vmem>>) target(%dma_start3A_104 : memref<10112x128xf32, #tpu.memory_space<vmem_shared>>) offsets(%dma_start3A_101 : memref<128xi32, #tpu.memory_space<vmem>>) semaphore(%arg15 : memref<!tpu.dma_semaphore, #tpu.memory_space<semaphore_mem>>) {add = true}
        %dma_wait3A_105 = arith.constant 0 : i32
        %dma_wait3A_106 = tpu.memref_slice %arg8[%mul3A_76, %dma_wait3A_105] : memref<16x128xi32, #tpu.memory_space<vmem>> -> memref<1x128xi32, #tpu.memory_space<vmem>>
        %dma_wait3A_107 = tpu.memref_squeeze %dma_wait3A_106 : memref<1x128xi32, #tpu.memory_space<vmem>> -> memref<128xi32, #tpu.memory_space<vmem>>
        %dma_wait3A_108 = arith.constant 0 : i32
        %dma_wait3A_109 = arith.constant 0 : i32
        %dma_wait3A_110 = tpu.memref_slice %arg11[%dma_wait3A_108, %dma_wait3A_109] : memref<10112x128xf32, #tpu.memory_space<vmem_shared>> -> memref<10112x128xf32, #tpu.memory_space<vmem_shared>>
        tpu.wait_indirect_dma semaphore(%arg14 : memref<!tpu.dma_semaphore, #tpu.memory_space<semaphore_mem>>) src(%arg9 : memref<128x128xf32, #tpu.memory_space<vmem>>) dst(%dma_wait3A_110 : memref<10112x128xf32, #tpu.memory_space<vmem_shared>>)
        %add3A_111 = arith.constant 2 : i32
        %add3A_112 = arith.addi %mul3A_76, %add3A_111 : i32
        %dma_start3A_113 = arith.constant 0 : i32
        %dma_start3A_114 = tpu.memref_slice %arg7[%add3A_112, %dma_start3A_113] : memref<16x128xi32, #tpu.memory_space<vmem>> -> memref<1x128xi32, #tpu.memory_space<vmem>>
        %dma_start3A_115 = tpu.memref_squeeze %dma_start3A_114 : memref<1x128xi32, #tpu.memory_space<vmem>> -> memref<128xi32, #tpu.memory_space<vmem>>
        %dma_start3A_116 = arith.constant 0 : i32
        %dma_start3A_117 = arith.constant 0 : i32
        %dma_start3A_118 = tpu.memref_slice %arg2[%dma_start3A_116, %dma_start3A_117] : memref<20000x128xf32, #tpu.memory_space<hbm>> -> memref<20000x128xf32, #tpu.memory_space<hbm>>
        tpu.enqueue_indirect_dma source(%dma_start3A_118 : memref<20000x128xf32, #tpu.memory_space<hbm>>) target(%arg9 : memref<128x128xf32, #tpu.memory_space<vmem>>) offsets(%dma_start3A_115 : memref<128xi32, #tpu.memory_space<vmem>>) semaphore(%arg12 : memref<!tpu.dma_semaphore, #tpu.memory_space<semaphore_mem>>)
        %add3A_119 = arith.constant 1 : i32
        %add3A_120 = arith.addi %mul3A_76, %add3A_119 : i32
        %dma_wait3A_121 = arith.constant 0 : i32
        %dma_wait3A_122 = tpu.memref_slice %arg8[%add3A_120, %dma_wait3A_121] : memref<16x128xi32, #tpu.memory_space<vmem>> -> memref<1x128xi32, #tpu.memory_space<vmem>>
        %dma_wait3A_123 = tpu.memref_squeeze %dma_wait3A_122 : memref<1x128xi32, #tpu.memory_space<vmem>> -> memref<128xi32, #tpu.memory_space<vmem>>
        %dma_wait3A_124 = arith.constant 0 : i32
        %dma_wait3A_125 = arith.constant 0 : i32
        %dma_wait3A_126 = tpu.memref_slice %arg11[%dma_wait3A_124, %dma_wait3A_125] : memref<10112x128xf32, #tpu.memory_space<vmem_shared>> -> memref<10112x128xf32, #tpu.memory_space<vmem_shared>>
        tpu.wait_indirect_dma semaphore(%arg15 : memref<!tpu.dma_semaphore, #tpu.memory_space<semaphore_mem>>) src(%arg10 : memref<128x128xf32, #tpu.memory_space<vmem>>) dst(%dma_wait3A_126 : memref<10112x128xf32, #tpu.memory_space<vmem_shared>>)
        %add3A_127 = arith.constant 3 : i32
        %add3A_128 = arith.addi %mul3A_76, %add3A_127 : i32
        %dma_start3A_129 = arith.constant 0 : i32
        %dma_start3A_130 = tpu.memref_slice %arg7[%add3A_128, %dma_start3A_129] : memref<16x128xi32, #tpu.memory_space<vmem>> -> memref<1x128xi32, #tpu.memory_space<vmem>>
        %dma_start3A_131 = tpu.memref_squeeze %dma_start3A_130 : memref<1x128xi32, #tpu.memory_space<vmem>> -> memref<128xi32, #tpu.memory_space<vmem>>
        %dma_start3A_132 = arith.constant 0 : i32
        %dma_start3A_133 = arith.constant 0 : i32
        %dma_start3A_134 = tpu.memref_slice %arg2[%dma_start3A_132, %dma_start3A_133] : memref<20000x128xf32, #tpu.memory_space<hbm>> -> memref<20000x128xf32, #tpu.memory_space<hbm>>
        tpu.enqueue_indirect_dma source(%dma_start3A_134 : memref<20000x128xf32, #tpu.memory_space<hbm>>) target(%arg10 : memref<128x128xf32, #tpu.memory_space<vmem>>) offsets(%dma_start3A_131 : memref<128xi32, #tpu.memory_space<vmem>>) semaphore(%arg13 : memref<!tpu.dma_semaphore, #tpu.memory_space<semaphore_mem>>)
      }
      %scan3A_32 = arith.constant 7 : i32
      %dma_wait3A = arith.constant 14 : i32
      %dma_wait3A_33 = arith.constant 0 : i32
      %dma_wait3A_34 = tpu.memref_slice %arg7[%dma_wait3A, %dma_wait3A_33] : memref<16x128xi32, #tpu.memory_space<vmem>> -> memref<1x128xi32, #tpu.memory_space<vmem>>
      %dma_wait3A_35 = tpu.memref_squeeze %dma_wait3A_34 : memref<1x128xi32, #tpu.memory_space<vmem>> -> memref<128xi32, #tpu.memory_space<vmem>>
      %dma_wait3A_36 = arith.constant 0 : i32
      %dma_wait3A_37 = arith.constant 0 : i32
      %dma_wait3A_38 = tpu.memref_slice %arg2[%dma_wait3A_36, %dma_wait3A_37] : memref<20000x128xf32, #tpu.memory_space<hbm>> -> memref<20000x128xf32, #tpu.memory_space<hbm>>
      tpu.wait_indirect_dma semaphore(%arg12 : memref<!tpu.dma_semaphore, #tpu.memory_space<semaphore_mem>>) src(%dma_wait3A_38 : memref<20000x128xf32, #tpu.memory_space<hbm>>) dst(%arg9 : memref<128x128xf32, #tpu.memory_space<vmem>>)
      %dma_start3A_39 = arith.constant 14 : i32
      %dma_start3A_40 = arith.constant 0 : i32
      %dma_start3A_41 = tpu.memref_slice %arg8[%dma_start3A_39, %dma_start3A_40] : memref<16x128xi32, #tpu.memory_space<vmem>> -> memref<1x128xi32, #tpu.memory_space<vmem>>
      %dma_start3A_42 = tpu.memref_squeeze %dma_start3A_41 : memref<1x128xi32, #tpu.memory_space<vmem>> -> memref<128xi32, #tpu.memory_space<vmem>>
      %dma_start3A_43 = arith.constant 0 : i32
      %dma_start3A_44 = arith.constant 0 : i32
      %dma_start3A_45 = tpu.memref_slice %arg11[%dma_start3A_43, %dma_start3A_44] : memref<10112x128xf32, #tpu.memory_space<vmem_shared>> -> memref<10112x128xf32, #tpu.memory_space<vmem_shared>>
      tpu.enqueue_indirect_dma source(%arg9 : memref<128x128xf32, #tpu.memory_space<vmem>>) target(%dma_start3A_45 : memref<10112x128xf32, #tpu.memory_space<vmem_shared>>) offsets(%dma_start3A_42 : memref<128xi32, #tpu.memory_space<vmem>>) semaphore(%arg14 : memref<!tpu.dma_semaphore, #tpu.memory_space<semaphore_mem>>) {add = true}
      %dma_wait3A_46 = arith.constant 15 : i32
      %dma_wait3A_47 = arith.constant 0 : i32
      %dma_wait3A_48 = tpu.memref_slice %arg7[%dma_wait3A_46, %dma_wait3A_47] : memref<16x128xi32, #tpu.memory_space<vmem>> -> memref<1x128xi32, #tpu.memory_space<vmem>>
      %dma_wait3A_49 = tpu.memref_squeeze %dma_wait3A_48 : memref<1x128xi32, #tpu.memory_space<vmem>> -> memref<128xi32, #tpu.memory_space<vmem>>
      %dma_wait3A_50 = arith.constant 0 : i32
      %dma_wait3A_51 = arith.constant 0 : i32
      %dma_wait3A_52 = tpu.memref_slice %arg2[%dma_wait3A_50, %dma_wait3A_51] : memref<20000x128xf32, #tpu.memory_space<hbm>> -> memref<20000x128xf32, #tpu.memory_space<hbm>>
      tpu.wait_indirect_dma semaphore(%arg13 : memref<!tpu.dma_semaphore, #tpu.memory_space<semaphore_mem>>) src(%dma_wait3A_52 : memref<20000x128xf32, #tpu.memory_space<hbm>>) dst(%arg10 : memref<128x128xf32, #tpu.memory_space<vmem>>)
      %dma_start3A_53 = arith.constant 15 : i32
      %dma_start3A_54 = arith.constant 0 : i32
      %dma_start3A_55 = tpu.memref_slice %arg8[%dma_start3A_53, %dma_start3A_54] : memref<16x128xi32, #tpu.memory_space<vmem>> -> memref<1x128xi32, #tpu.memory_space<vmem>>
      %dma_start3A_56 = tpu.memref_squeeze %dma_start3A_55 : memref<1x128xi32, #tpu.memory_space<vmem>> -> memref<128xi32, #tpu.memory_space<vmem>>
      %dma_start3A_57 = arith.constant 0 : i32
      %dma_start3A_58 = arith.constant 0 : i32
      %dma_start3A_59 = tpu.memref_slice %arg11[%dma_start3A_57, %dma_start3A_58] : memref<10112x128xf32, #tpu.memory_space<vmem_shared>> -> memref<10112x128xf32, #tpu.memory_space<vmem_shared>>
      tpu.enqueue_indirect_dma source(%arg10 : memref<128x128xf32, #tpu.memory_space<vmem>>) target(%dma_start3A_59 : memref<10112x128xf32, #tpu.memory_space<vmem_shared>>) offsets(%dma_start3A_56 : memref<128xi32, #tpu.memory_space<vmem>>) semaphore(%arg15 : memref<!tpu.dma_semaphore, #tpu.memory_space<semaphore_mem>>) {add = true}
      %dma_wait3A_60 = arith.constant 14 : i32
      %dma_wait3A_61 = arith.constant 0 : i32
      %dma_wait3A_62 = tpu.memref_slice %arg8[%dma_wait3A_60, %dma_wait3A_61] : memref<16x128xi32, #tpu.memory_space<vmem>> -> memref<1x128xi32, #tpu.memory_space<vmem>>
      %dma_wait3A_63 = tpu.memref_squeeze %dma_wait3A_62 : memref<1x128xi32, #tpu.memory_space<vmem>> -> memref<128xi32, #tpu.memory_space<vmem>>
      %dma_wait3A_64 = arith.constant 0 : i32
      %dma_wait3A_65 = arith.constant 0 : i32
      %dma_wait3A_66 = tpu.memref_slice %arg11[%dma_wait3A_64, %dma_wait3A_65] : memref<10112x128xf32, #tpu.memory_space<vmem_shared>> -> memref<10112x128xf32, #tpu.memory_space<vmem_shared>>
      tpu.wait_indirect_dma semaphore(%arg14 : memref<!tpu.dma_semaphore, #tpu.memory_space<semaphore_mem>>) src(%arg9 : memref<128x128xf32, #tpu.memory_space<vmem>>) dst(%dma_wait3A_66 : memref<10112x128xf32, #tpu.memory_space<vmem_shared>>)
      %dma_wait3A_67 = arith.constant 15 : i32
      %dma_wait3A_68 = arith.constant 0 : i32
      %dma_wait3A_69 = tpu.memref_slice %arg8[%dma_wait3A_67, %dma_wait3A_68] : memref<16x128xi32, #tpu.memory_space<vmem>> -> memref<1x128xi32, #tpu.memory_space<vmem>>
      %dma_wait3A_70 = tpu.memref_squeeze %dma_wait3A_69 : memref<1x128xi32, #tpu.memory_space<vmem>> -> memref<128xi32, #tpu.memory_space<vmem>>
      %dma_wait3A_71 = arith.constant 0 : i32
      %dma_wait3A_72 = arith.constant 0 : i32
      %dma_wait3A_73 = tpu.memref_slice %arg11[%dma_wait3A_71, %dma_wait3A_72] : memref<10112x128xf32, #tpu.memory_space<vmem_shared>> -> memref<10112x128xf32, #tpu.memory_space<vmem_shared>>
      tpu.wait_indirect_dma semaphore(%arg15 : memref<!tpu.dma_semaphore, #tpu.memory_space<semaphore_mem>>) src(%arg10 : memref<128x128xf32, #tpu.memory_space<vmem>>) dst(%dma_wait3A_73 : memref<10112x128xf32, #tpu.memory_space<vmem_shared>>)
    }
    %scan3A_5 = arith.constant 5 : i32
    %barrier3A_6 = arith.constant 0 : index
    tpu.barrier barrier_id(%barrier3A_6)
    %mul3A_7 = arith.constant 632 : i32
    %mul3A_8 = arith.muli %arg1, %mul3A_7 : i32
    %mul3A_9 = arith.constant 632 : i32
    %mul3A_10 = arith.muli %arg1, %mul3A_9 : i32
    "tpu.region"() ({
      %run_scoped3A = tpu.sem_alloc : memref<!tpu.dma_semaphore, #tpu.memory_space<semaphore_mem>>
      %dma_start3A = arith.constant 0 : i32
      %dma_start3A_11 = tpu.memref_slice %arg6[%arg0, %mul3A_10, %dma_start3A] : memref<2x10112x128xf32, #tpu.memory_space<hbm>> -> memref<1x632x128xf32, #tpu.memory_space<hbm>>
      %dma_start3A_12 = tpu.memref_squeeze %dma_start3A_11 : memref<1x632x128xf32, #tpu.memory_space<hbm>> -> memref<632x128xf32, #tpu.memory_space<hbm>>
      %dma_start3A_13 = arith.constant 0 : i32
      %dma_start3A_14 = tpu.memref_slice %arg11[%mul3A_8, %dma_start3A_13] : memref<10112x128xf32, #tpu.memory_space<vmem_shared>> -> memref<632x128xf32, #tpu.memory_space<vmem_shared>>
      tpu.enqueue_dma source(%dma_start3A_14 : memref<632x128xf32, #tpu.memory_space<vmem_shared>>) target(%dma_start3A_12 : memref<632x128xf32, #tpu.memory_space<hbm>>) target_semaphore(%run_scoped3A : memref<!tpu.dma_semaphore, #tpu.memory_space<semaphore_mem>>)
      %dma_wait3A = arith.constant 0 : i32
      %dma_wait3A_15 = tpu.memref_slice %arg6[%arg0, %mul3A_10, %dma_wait3A] : memref<2x10112x128xf32, #tpu.memory_space<hbm>> -> memref<1x632x128xf32, #tpu.memory_space<hbm>>
      %dma_wait3A_16 = tpu.memref_squeeze %dma_wait3A_15 : memref<1x632x128xf32, #tpu.memory_space<hbm>> -> memref<632x128xf32, #tpu.memory_space<hbm>>
      %dma_wait3A_17 = arith.constant 0 : i32
      %dma_wait3A_18 = tpu.memref_slice %arg11[%mul3A_8, %dma_wait3A_17] : memref<10112x128xf32, #tpu.memory_space<vmem_shared>> -> memref<632x128xf32, #tpu.memory_space<vmem_shared>>
      tpu.wait_dma2 semaphore(%run_scoped3A : memref<!tpu.dma_semaphore, #tpu.memory_space<semaphore_mem>>) src(%dma_wait3A_18 : memref<632x128xf32, #tpu.memory_space<vmem_shared>>) dst(%dma_wait3A_16 : memref<632x128xf32, #tpu.memory_space<hbm>>)
      tpu.yield
    }) : () -> ()
    return
  }
}

module attributes {stable_mosaic.version = 14 : i64} {
  func.func @_dinv_body(%arg0: memref<2x79x128xf32, #tpu.memory_space<vmem>>, %arg1: memref<79x128xf32, #tpu.memory_space<vmem>>) attributes {dimension_semantics = [], scalar_prefetch = 0 : i64, scratch_operands = 0 : i64, tpu.core_type = #tpu.core_type<tc>} {
    %get3A = arith.constant 0 : index
    %get3A_0 = arith.constant 0 : index
    %get3A_1 = arith.constant 0 : index
    %get3A_2 = vector.load %arg0[%get3A, %get3A_0, %get3A_1] : memref<2x79x128xf32, #tpu.memory_space<vmem>>, vector<1x79x128xf32>
    %get3A_3 = vector.shape_cast %get3A_2 : vector<1x79x128xf32> to vector<79x128xf32>
    %get3A_4 = arith.constant 1 : index
    %get3A_5 = arith.constant 0 : index
    %get3A_6 = arith.constant 0 : index
    %get3A_7 = vector.load %arg0[%get3A_4, %get3A_5, %get3A_6] : memref<2x79x128xf32, #tpu.memory_space<vmem>>, vector<1x79x128xf32>
    %get3A_8 = vector.shape_cast %get3A_7 : vector<1x79x128xf32> to vector<79x128xf32>
    %add3A = arith.addf %get3A_3, %get3A_8 : vector<79x128xf32>
    %add3A_9 = arith.constant 1.000000e+00 : f32
    %add3A_10 = vector.broadcast %add3A_9 : f32 to vector<79x128xf32>
    %add3A_11 = arith.addf %add3A, %add3A_10 : vector<79x128xf32>
    %rsqrt3A = math.rsqrt %add3A_11 : vector<79x128xf32>
    %swap3A = arith.constant 0 : index
    %swap3A_12 = arith.constant 0 : index
    %swap3A_13 = vector.load %arg1[%swap3A, %swap3A_12] : memref<79x128xf32, #tpu.memory_space<vmem>>, vector<79x128xf32>
    tpu.vector_store %arg1[%swap3A, %swap3A_12], %rsqrt3A {strides = array<i32>} : memref<79x128xf32, #tpu.memory_space<vmem>>, vector<79x128xf32>,
    return
  }
}

module attributes {stable_mosaic.version = 14 : i64} {
  func.func @_hsx_body(%arg0: i32, %arg1: memref<1000x128xf32, #tpu.memory_space<vmem>>, %arg2: memref<1000x1xf32, #tpu.memory_space<vmem>>, %arg3: memref<1000x128xf32, #tpu.memory_space<vmem>>) attributes {dimension_semantics = [#tpu.dimension_semantics<arbitrary>], iteration_bounds = array<i64: 10>, scalar_prefetch = 0 : i64, scratch_operands = 0 : i64, tpu.core_type = #tpu.core_type<tc>, window_params = [{transform_indices = @transform_0, window_bounds = array<i64: 1000, 128>}, {transform_indices = @transform_1, window_bounds = array<i64: 1000, 1>}, {transform_indices = @transform_2, window_bounds = array<i64: 1000, 128>}]} {
    %get3A = arith.constant 0 : index
    %get3A_0 = arith.constant 0 : index
    %get3A_1 = vector.load %arg1[%get3A, %get3A_0] : memref<1000x128xf32, #tpu.memory_space<vmem>>, vector<1000x128xf32>
    %get3A_2 = arith.constant 0 : index
    %get3A_3 = arith.constant 0 : index
    %get3A_4 = vector.load %arg2[%get3A_2, %get3A_3] : memref<1000x1xf32, #tpu.memory_space<vmem>>, vector<1000x1xf32>
    %mul3A = vector.broadcast %get3A_4 : vector<1000x1xf32> to vector<1000x128xf32>
    %mul3A_5 = arith.mulf %get3A_1, %mul3A : vector<1000x128xf32>
    %swap3A = arith.constant 0 : index
    %swap3A_6 = arith.constant 0 : index
    %swap3A_7 = vector.load %arg3[%swap3A, %swap3A_6] : memref<1000x128xf32, #tpu.memory_space<vmem>>, vector<1000x128xf32>
    tpu.vector_store %arg3[%swap3A, %swap3A_6], %mul3A_5 {strides = array<i32>} : memref<1000x128xf32, #tpu.memory_space<vmem>>, vector<1000x128xf32>,
    return
  }
  func.func @transform_0(%arg0: i32) -> (i32, i32) {
    %c0_i32 = arith.constant 0 : i32
    %c0_i32_0 = arith.constant 0 : i32
    return %arg0, %c0_i32 : i32, i32
  }
  func.func @transform_1(%arg0: i32) -> (i32, i32) {
    %c0_i32 = arith.constant 0 : i32
    %c0_i32_0 = arith.constant 0 : i32
    return %arg0, %c0_i32 : i32, i32
  }
  func.func @transform_2(%arg0: i32) -> (i32, i32) {
    %c0_i32 = arith.constant 0 : i32
    %c0_i32_0 = arith.constant 0 : i32
    return %arg0, %c0_i32 : i32, i32
  }
}

module attributes {stable_mosaic.version = 14 : i64} {
  func.func @body(%arg0: i32, %arg1: memref<2x1000x128xf32, #tpu.memory_space<vmem>>, %arg2: memref<1000x128xf32, #tpu.memory_space<vmem>>, %arg3: memref<1000x1xf32, #tpu.memory_space<vmem>>, %arg4: memref<128x256xf32, #tpu.memory_space<vmem>>, %arg5: memref<1x256xf32, #tpu.memory_space<vmem>>, %arg6: memref<1x256xf32, #tpu.memory_space<vmem>>, %arg7: memref<1x256xf32, #tpu.memory_space<vmem>>, %arg8: memref<1x256xf32, #tpu.memory_space<vmem>>, %arg9: memref<1x256xf32, #tpu.memory_space<vmem>>, %arg10: memref<2x1000x128xf32, #tpu.memory_space<vmem>>) attributes {dimension_semantics = [#tpu.dimension_semantics<arbitrary>], iteration_bounds = array<i64: 10>, scalar_prefetch = 0 : i64, scratch_operands = 0 : i64, tpu.core_type = #tpu.core_type<tc>, window_params = [{transform_indices = @transform_0, window_bounds = array<i64: 2, 1000, 128>}, {transform_indices = @transform_1, window_bounds = array<i64: 1000, 128>}, {transform_indices = @transform_2, window_bounds = array<i64: 1000, 1>}, {pipeline_mode = #tpu.pipeline_mode<synchronous>, transform_indices = @transform_3, window_bounds = array<i64: 128, 256>}, {pipeline_mode = #tpu.pipeline_mode<synchronous>, transform_indices = @transform_4, window_bounds = array<i64: 1, 256>}, {pipeline_mode = #tpu.pipeline_mode<synchronous>, transform_indices = @transform_5, window_bounds = array<i64: 1, 256>}, {pipeline_mode = #tpu.pipeline_mode<synchronous>, transform_indices = @transform_6, window_bounds = array<i64: 1, 256>}, {pipeline_mode = #tpu.pipeline_mode<synchronous>, transform_indices = @transform_7, window_bounds = array<i64: 1, 256>}, {pipeline_mode = #tpu.pipeline_mode<synchronous>, transform_indices = @transform_8, window_bounds = array<i64: 1, 256>}, {transform_indices = @transform_9, window_bounds = array<i64: 2, 1000, 128>}]} {
    %get3A = arith.constant 0 : index
    %get3A_0 = arith.constant 0 : index
    %get3A_1 = vector.load %arg3[%get3A, %get3A_0] : memref<1000x1xf32, #tpu.memory_space<vmem>>, vector<1000x1xf32>
    %get3A_2 = arith.constant 0 : index
    %get3A_3 = arith.constant 0 : index
    %get3A_4 = arith.constant 0 : index
    %get3A_5 = vector.load %arg1[%get3A_2, %get3A_3, %get3A_4] : memref<2x1000x128xf32, #tpu.memory_space<vmem>>, vector<1x1000x128xf32>
    %get3A_6 = vector.shape_cast %get3A_5 : vector<1x1000x128xf32> to vector<1000x128xf32>
    %get3A_7 = arith.constant 1 : index
    %get3A_8 = arith.constant 0 : index
    %get3A_9 = arith.constant 0 : index
    %get3A_10 = vector.load %arg1[%get3A_7, %get3A_8, %get3A_9] : memref<2x1000x128xf32, #tpu.memory_space<vmem>>, vector<1x1000x128xf32>
    %get3A_11 = vector.shape_cast %get3A_10 : vector<1x1000x128xf32> to vector<1000x128xf32>
    %add3A = arith.addf %get3A_6, %get3A_11 : vector<1000x128xf32>
    %get3A_12 = arith.constant 0 : index
    %get3A_13 = arith.constant 0 : index
    %get3A_14 = vector.load %arg2[%get3A_12, %get3A_13] : memref<1000x128xf32, #tpu.memory_space<vmem>>, vector<1000x128xf32>
    %add3A_15 = arith.addf %add3A, %get3A_14 : vector<1000x128xf32>
    %mul3A = vector.broadcast %get3A_1 : vector<1000x1xf32> to vector<1000x128xf32>
    %mul3A_16 = arith.mulf %mul3A, %add3A_15 : vector<1000x128xf32>
    %get3A_17 = arith.constant 0 : index
    %get3A_18 = arith.constant 0 : index
    %get3A_19 = vector.load %arg4[%get3A_17, %get3A_18] : memref<128x256xf32, #tpu.memory_space<vmem>>, vector<128x256xf32>
    %dot_general3A = arith.constant dense<0.000000e+00> : vector<1000x256xf32>
    %dot_general3A_20 = tpu.matmul %mul3A_16, %get3A_19, %dot_general3A {dimension_numbers = #tpu.dot_dimension_numbers<[1], [0], [0], [1], [0, 0, 1, 1], [], []>, transpose_lhs_hint = false} : vector<1000x128xf32>, vector<128x256xf32>, vector<1000x256xf32> -> vector<1000x256xf32>
    %get3A_21 = arith.constant 0 : index
    %get3A_22 = arith.constant 0 : index
    %get3A_23 = vector.load %arg5[%get3A_21, %get3A_22] : memref<1x256xf32, #tpu.memory_space<vmem>>, vector<1x256xf32>
    %add3A_24 = vector.broadcast %get3A_23 : vector<1x256xf32> to vector<1000x256xf32>
    %add3A_25 = arith.addf %dot_general3A_20, %add3A_24 : vector<1000x256xf32>
    %get3A_26 = arith.constant 0 : index
    %get3A_27 = arith.constant 0 : index
    %get3A_28 = vector.load %arg8[%get3A_26, %get3A_27] : memref<1x256xf32, #tpu.memory_space<vmem>>, vector<1x256xf32>
    %sub3A = vector.broadcast %get3A_28 : vector<1x256xf32> to vector<1000x256xf32>
    %sub3A_29 = arith.subf %add3A_25, %sub3A : vector<1000x256xf32>
    %get3A_30 = arith.constant 0 : index
    %get3A_31 = arith.constant 0 : index
    %get3A_32 = vector.load %arg9[%get3A_30, %get3A_31] : memref<1x256xf32, #tpu.memory_space<vmem>>, vector<1x256xf32>
    %add3A_33 = arith.constant 9.99999974E-6 : f32
    %add3A_34 = vector.broadcast %add3A_33 : f32 to vector<1x256xf32>
    %add3A_35 = arith.addf %get3A_32, %add3A_34 : vector<1x256xf32>
    %rsqrt3A = math.rsqrt %add3A_35 : vector<1x256xf32>
    %mul3A_36 = vector.broadcast %rsqrt3A : vector<1x256xf32> to vector<1000x256xf32>
    %mul3A_37 = arith.mulf %sub3A_29, %mul3A_36 : vector<1000x256xf32>
    %get3A_38 = arith.constant 0 : index
    %get3A_39 = arith.constant 0 : index
    %get3A_40 = vector.load %arg6[%get3A_38, %get3A_39] : memref<1x256xf32, #tpu.memory_space<vmem>>, vector<1x256xf32>
    %mul3A_41 = vector.broadcast %get3A_40 : vector<1x256xf32> to vector<1000x256xf32>
    %mul3A_42 = arith.mulf %mul3A_37, %mul3A_41 : vector<1000x256xf32>
    %get3A_43 = arith.constant 0 : index
    %get3A_44 = arith.constant 0 : index
    %get3A_45 = vector.load %arg7[%get3A_43, %get3A_44] : memref<1x256xf32, #tpu.memory_space<vmem>>, vector<1x256xf32>
    %add3A_46 = vector.broadcast %get3A_45 : vector<1x256xf32> to vector<1000x256xf32>
    %add3A_47 = arith.addf %mul3A_42, %add3A_46 : vector<1000x256xf32>
    %max3A = arith.constant 0.000000e+00 : f32
    %max3A_48 = vector.broadcast %max3A : f32 to vector<1000x256xf32>
    %max3A_49 = arith.maximumf %add3A_47, %max3A_48 : vector<1000x256xf32>
    %mul3A_50 = vector.broadcast %get3A_1 : vector<1000x1xf32> to vector<1000x256xf32>
    %mul3A_51 = arith.mulf %max3A_49, %mul3A_50 : vector<1000x256xf32>
    %slice3A = vector.extract_strided_slice %mul3A_51 {offsets = [0, 0], sizes = [1000, 128], strides = [1, 1]} : vector<1000x256xf32> to vector<1000x128xf32>
    %swap3A = arith.constant 0 : index
    %swap3A_52 = arith.constant 0 : index
    %swap3A_53 = arith.constant 0 : index
    %swap3A_54 = vector.load %arg10[%swap3A, %swap3A_52, %swap3A_53] : memref<2x1000x128xf32, #tpu.memory_space<vmem>>, vector<1x1000x128xf32>
    %swap3A_55 = vector.shape_cast %swap3A_54 : vector<1x1000x128xf32> to vector<1000x128xf32>
    %swap3A_56 = vector.shape_cast %slice3A : vector<1000x128xf32> to vector<1x1000x128xf32>
    tpu.vector_store %arg10[%swap3A, %swap3A_52, %swap3A_53], %swap3A_56 {strides = array<i32>} : memref<2x1000x128xf32, #tpu.memory_space<vmem>>, vector<1x1000x128xf32>,
    %slice3A_57 = vector.extract_strided_slice %mul3A_51 {offsets = [0, 128], sizes = [1000, 128], strides = [1, 1]} : vector<1000x256xf32> to vector<1000x128xf32>
    %swap3A_58 = arith.constant 1 : index
    %swap3A_59 = arith.constant 0 : index
    %swap3A_60 = arith.constant 0 : index
    %swap3A_61 = vector.load %arg10[%swap3A_58, %swap3A_59, %swap3A_60] : memref<2x1000x128xf32, #tpu.memory_space<vmem>>, vector<1x1000x128xf32>
    %swap3A_62 = vector.shape_cast %swap3A_61 : vector<1x1000x128xf32> to vector<1000x128xf32>
    %swap3A_63 = vector.shape_cast %slice3A_57 : vector<1000x128xf32> to vector<1x1000x128xf32>
    tpu.vector_store %arg10[%swap3A_58, %swap3A_59, %swap3A_60], %swap3A_63 {strides = array<i32>} : memref<2x1000x128xf32, #tpu.memory_space<vmem>>, vector<1x1000x128xf32>,
    return
  }
  func.func @transform_0(%arg0: i32) -> (i32, i32, i32) {
    %c0_i32 = arith.constant 0 : i32
    %c0_i32_0 = arith.constant 0 : i32
    %c0_i32_1 = arith.constant 0 : i32
    return %c0_i32, %arg0, %c0_i32_0 : i32, i32, i32
  }
  func.func @transform_1(%arg0: i32) -> (i32, i32) {
    %c0_i32 = arith.constant 0 : i32
    %c0_i32_0 = arith.constant 0 : i32
    return %arg0, %c0_i32 : i32, i32
  }
  func.func @transform_2(%arg0: i32) -> (i32, i32) {
    %c0_i32 = arith.constant 0 : i32
    %c0_i32_0 = arith.constant 0 : i32
    return %arg0, %c0_i32 : i32, i32
  }
  func.func @transform_3(%arg0: i32) -> (i32, i32) {
    %c0_i32 = arith.constant 0 : i32
    %c0_i32_0 = arith.constant 0 : i32
    %c0_i32_1 = arith.constant 0 : i32
    return %c0_i32, %c0_i32_0 : i32, i32
  }
  func.func @transform_4(%arg0: i32) -> (i32, i32) {
    %c0_i32 = arith.constant 0 : i32
    %c0_i32_0 = arith.constant 0 : i32
    %c0_i32_1 = arith.constant 0 : i32
    return %c0_i32, %c0_i32_0 : i32, i32
  }
  func.func @transform_5(%arg0: i32) -> (i32, i32) {
    %c0_i32 = arith.constant 0 : i32
    %c0_i32_0 = arith.constant 0 : i32
    %c0_i32_1 = arith.constant 0 : i32
    return %c0_i32, %c0_i32_0 : i32, i32
  }
  func.func @transform_6(%arg0: i32) -> (i32, i32) {
    %c0_i32 = arith.constant 0 : i32
    %c0_i32_0 = arith.constant 0 : i32
    %c0_i32_1 = arith.constant 0 : i32
    return %c0_i32, %c0_i32_0 : i32, i32
  }
  func.func @transform_7(%arg0: i32) -> (i32, i32) {
    %c0_i32 = arith.constant 0 : i32
    %c0_i32_0 = arith.constant 0 : i32
    %c0_i32_1 = arith.constant 0 : i32
    return %c0_i32, %c0_i32_0 : i32, i32
  }
  func.func @transform_8(%arg0: i32) -> (i32, i32) {
    %c0_i32 = arith.constant 0 : i32
    %c0_i32_0 = arith.constant 0 : i32
    %c0_i32_1 = arith.constant 0 : i32
    return %c0_i32, %c0_i32_0 : i32, i32
  }
  func.func @transform_9(%arg0: i32) -> (i32, i32, i32) {
    %c0_i32 = arith.constant 0 : i32
    %c0_i32_0 = arith.constant 0 : i32
    %c0_i32_1 = arith.constant 0 : i32
    return %c0_i32, %arg0, %c0_i32_0 : i32, i32, i32
  }
}

module attributes {stable_mosaic.version = 14 : i64} {
  func.func @body(%arg0: i32, %arg1: memref<2x1000x128xf32, #tpu.memory_space<vmem>>, %arg2: memref<2x1000x128xf32, #tpu.memory_space<vmem>>, %arg3: memref<1000x1xf32, #tpu.memory_space<vmem>>, %arg4: memref<256x256xf32, #tpu.memory_space<vmem>>, %arg5: memref<1x256xf32, #tpu.memory_space<vmem>>, %arg6: memref<1x256xf32, #tpu.memory_space<vmem>>, %arg7: memref<1x256xf32, #tpu.memory_space<vmem>>, %arg8: memref<1x256xf32, #tpu.memory_space<vmem>>, %arg9: memref<1x256xf32, #tpu.memory_space<vmem>>, %arg10: memref<2x1000x128xf32, #tpu.memory_space<vmem>>) attributes {dimension_semantics = [#tpu.dimension_semantics<arbitrary>], iteration_bounds = array<i64: 10>, scalar_prefetch = 0 : i64, scratch_operands = 0 : i64, tpu.core_type = #tpu.core_type<tc>, window_params = [{transform_indices = @transform_0, window_bounds = array<i64: 2, 1000, 128>}, {transform_indices = @transform_1, window_bounds = array<i64: 2, 1000, 128>}, {transform_indices = @transform_2, window_bounds = array<i64: 1000, 1>}, {pipeline_mode = #tpu.pipeline_mode<synchronous>, transform_indices = @transform_3, window_bounds = array<i64: 256, 256>}, {pipeline_mode = #tpu.pipeline_mode<synchronous>, transform_indices = @transform_4, window_bounds = array<i64: 1, 256>}, {pipeline_mode = #tpu.pipeline_mode<synchronous>, transform_indices = @transform_5, window_bounds = array<i64: 1, 256>}, {pipeline_mode = #tpu.pipeline_mode<synchronous>, transform_indices = @transform_6, window_bounds = array<i64: 1, 256>}, {pipeline_mode = #tpu.pipeline_mode<synchronous>, transform_indices = @transform_7, window_bounds = array<i64: 1, 256>}, {pipeline_mode = #tpu.pipeline_mode<synchronous>, transform_indices = @transform_8, window_bounds = array<i64: 1, 256>}, {transform_indices = @transform_9, window_bounds = array<i64: 2, 1000, 128>}]} {
    %get3A = arith.constant 0 : index
    %get3A_0 = arith.constant 0 : index
    %get3A_1 = vector.load %arg3[%get3A, %get3A_0] : memref<1000x1xf32, #tpu.memory_space<vmem>>, vector<1000x1xf32>
    %get3A_2 = arith.constant 0 : index
    %get3A_3 = arith.constant 0 : index
    %get3A_4 = arith.constant 0 : index
    %get3A_5 = vector.load %arg1[%get3A_2, %get3A_3, %get3A_4] : memref<2x1000x128xf32, #tpu.memory_space<vmem>>, vector<1x1000x128xf32>
    %get3A_6 = vector.shape_cast %get3A_5 : vector<1x1000x128xf32> to vector<1000x128xf32>
    %get3A_7 = arith.constant 1 : index
    %get3A_8 = arith.constant 0 : index
    %get3A_9 = arith.constant 0 : index
    %get3A_10 = vector.load %arg1[%get3A_7, %get3A_8, %get3A_9] : memref<2x1000x128xf32, #tpu.memory_space<vmem>>, vector<1x1000x128xf32>
    %get3A_11 = vector.shape_cast %get3A_10 : vector<1x1000x128xf32> to vector<1000x128xf32>
    %concatenate3A = tpu.concatenate %get3A_6, %get3A_11 in 1 : vector<1000x128xf32>, vector<1000x128xf32> -> vector<1000x256xf32>
    %get3A_12 = arith.constant 0 : index
    %get3A_13 = arith.constant 0 : index
    %get3A_14 = arith.constant 0 : index
    %get3A_15 = vector.load %arg2[%get3A_12, %get3A_13, %get3A_14] : memref<2x1000x128xf32, #tpu.memory_space<vmem>>, vector<1x1000x128xf32>
    %get3A_16 = vector.shape_cast %get3A_15 : vector<1x1000x128xf32> to vector<1000x128xf32>
    %get3A_17 = arith.constant 1 : index
    %get3A_18 = arith.constant 0 : index
    %get3A_19 = arith.constant 0 : index
    %get3A_20 = vector.load %arg2[%get3A_17, %get3A_18, %get3A_19] : memref<2x1000x128xf32, #tpu.memory_space<vmem>>, vector<1x1000x128xf32>
    %get3A_21 = vector.shape_cast %get3A_20 : vector<1x1000x128xf32> to vector<1000x128xf32>
    %concatenate3A_22 = tpu.concatenate %get3A_16, %get3A_21 in 1 : vector<1000x128xf32>, vector<1000x128xf32> -> vector<1000x256xf32>
    %add3A = arith.addf %concatenate3A, %concatenate3A_22 : vector<1000x256xf32>
    %mul3A = vector.broadcast %get3A_1 : vector<1000x1xf32> to vector<1000x256xf32>
    %mul3A_23 = arith.mulf %mul3A, %add3A : vector<1000x256xf32>
    %get3A_24 = arith.constant 0 : index
    %get3A_25 = arith.constant 0 : index
    %get3A_26 = vector.load %arg4[%get3A_24, %get3A_25] : memref<256x256xf32, #tpu.memory_space<vmem>>, vector<256x256xf32>
    %dot_general3A = arith.constant dense<0.000000e+00> : vector<1000x256xf32>
    %dot_general3A_27 = tpu.matmul %mul3A_23, %get3A_26, %dot_general3A {dimension_numbers = #tpu.dot_dimension_numbers<[1], [0], [0], [1], [0, 0, 1, 1], [], []>, transpose_lhs_hint = false} : vector<1000x256xf32>, vector<256x256xf32>, vector<1000x256xf32> -> vector<1000x256xf32>
    %get3A_28 = arith.constant 0 : index
    %get3A_29 = arith.constant 0 : index
    %get3A_30 = vector.load %arg5[%get3A_28, %get3A_29] : memref<1x256xf32, #tpu.memory_space<vmem>>, vector<1x256xf32>
    %add3A_31 = vector.broadcast %get3A_30 : vector<1x256xf32> to vector<1000x256xf32>
    %add3A_32 = arith.addf %dot_general3A_27, %add3A_31 : vector<1000x256xf32>
    %get3A_33 = arith.constant 0 : index
    %get3A_34 = arith.constant 0 : index
    %get3A_35 = vector.load %arg8[%get3A_33, %get3A_34] : memref<1x256xf32, #tpu.memory_space<vmem>>, vector<1x256xf32>
    %sub3A = vector.broadcast %get3A_35 : vector<1x256xf32> to vector<1000x256xf32>
    %sub3A_36 = arith.subf %add3A_32, %sub3A : vector<1000x256xf32>
    %get3A_37 = arith.constant 0 : index
    %get3A_38 = arith.constant 0 : index
    %get3A_39 = vector.load %arg9[%get3A_37, %get3A_38] : memref<1x256xf32, #tpu.memory_space<vmem>>, vector<1x256xf32>
    %add3A_40 = arith.constant 9.99999974E-6 : f32
    %add3A_41 = vector.broadcast %add3A_40 : f32 to vector<1x256xf32>
    %add3A_42 = arith.addf %get3A_39, %add3A_41 : vector<1x256xf32>
    %rsqrt3A = math.rsqrt %add3A_42 : vector<1x256xf32>
    %mul3A_43 = vector.broadcast %rsqrt3A : vector<1x256xf32> to vector<1000x256xf32>
    %mul3A_44 = arith.mulf %sub3A_36, %mul3A_43 : vector<1000x256xf32>
    %get3A_45 = arith.constant 0 : index
    %get3A_46 = arith.constant 0 : index
    %get3A_47 = vector.load %arg6[%get3A_45, %get3A_46] : memref<1x256xf32, #tpu.memory_space<vmem>>, vector<1x256xf32>
    %mul3A_48 = vector.broadcast %get3A_47 : vector<1x256xf32> to vector<1000x256xf32>
    %mul3A_49 = arith.mulf %mul3A_44, %mul3A_48 : vector<1000x256xf32>
    %get3A_50 = arith.constant 0 : index
    %get3A_51 = arith.constant 0 : index
    %get3A_52 = vector.load %arg7[%get3A_50, %get3A_51] : memref<1x256xf32, #tpu.memory_space<vmem>>, vector<1x256xf32>
    %add3A_53 = vector.broadcast %get3A_52 : vector<1x256xf32> to vector<1000x256xf32>
    %add3A_54 = arith.addf %mul3A_49, %add3A_53 : vector<1000x256xf32>
    %max3A = arith.constant 0.000000e+00 : f32
    %max3A_55 = vector.broadcast %max3A : f32 to vector<1000x256xf32>
    %max3A_56 = arith.maximumf %add3A_54, %max3A_55 : vector<1000x256xf32>
    %mul3A_57 = vector.broadcast %get3A_1 : vector<1000x1xf32> to vector<1000x256xf32>
    %mul3A_58 = arith.mulf %max3A_56, %mul3A_57 : vector<1000x256xf32>
    %slice3A = vector.extract_strided_slice %mul3A_58 {offsets = [0, 0], sizes = [1000, 128], strides = [1, 1]} : vector<1000x256xf32> to vector<1000x128xf32>
    %swap3A = arith.constant 0 : index
    %swap3A_59 = arith.constant 0 : index
    %swap3A_60 = arith.constant 0 : index
    %swap3A_61 = vector.load %arg10[%swap3A, %swap3A_59, %swap3A_60] : memref<2x1000x128xf32, #tpu.memory_space<vmem>>, vector<1x1000x128xf32>
    %swap3A_62 = vector.shape_cast %swap3A_61 : vector<1x1000x128xf32> to vector<1000x128xf32>
    %swap3A_63 = vector.shape_cast %slice3A : vector<1000x128xf32> to vector<1x1000x128xf32>
    tpu.vector_store %arg10[%swap3A, %swap3A_59, %swap3A_60], %swap3A_63 {strides = array<i32>} : memref<2x1000x128xf32, #tpu.memory_space<vmem>>, vector<1x1000x128xf32>,
    %slice3A_64 = vector.extract_strided_slice %mul3A_58 {offsets = [0, 128], sizes = [1000, 128], strides = [1, 1]} : vector<1000x256xf32> to vector<1000x128xf32>
    %swap3A_65 = arith.constant 1 : index
    %swap3A_66 = arith.constant 0 : index
    %swap3A_67 = arith.constant 0 : index
    %swap3A_68 = vector.load %arg10[%swap3A_65, %swap3A_66, %swap3A_67] : memref<2x1000x128xf32, #tpu.memory_space<vmem>>, vector<1x1000x128xf32>
    %swap3A_69 = vector.shape_cast %swap3A_68 : vector<1x1000x128xf32> to vector<1000x128xf32>
    %swap3A_70 = vector.shape_cast %slice3A_64 : vector<1000x128xf32> to vector<1x1000x128xf32>
    tpu.vector_store %arg10[%swap3A_65, %swap3A_66, %swap3A_67], %swap3A_70 {strides = array<i32>} : memref<2x1000x128xf32, #tpu.memory_space<vmem>>, vector<1x1000x128xf32>,
    return
  }
  func.func @transform_0(%arg0: i32) -> (i32, i32, i32) {
    %c0_i32 = arith.constant 0 : i32
    %c0_i32_0 = arith.constant 0 : i32
    %c0_i32_1 = arith.constant 0 : i32
    return %c0_i32, %arg0, %c0_i32_0 : i32, i32, i32
  }
  func.func @transform_1(%arg0: i32) -> (i32, i32, i32) {
    %c0_i32 = arith.constant 0 : i32
    %c0_i32_0 = arith.constant 0 : i32
    %c0_i32_1 = arith.constant 0 : i32
    return %c0_i32, %arg0, %c0_i32_0 : i32, i32, i32
  }
  func.func @transform_2(%arg0: i32) -> (i32, i32) {
    %c0_i32 = arith.constant 0 : i32
    %c0_i32_0 = arith.constant 0 : i32
    return %arg0, %c0_i32 : i32, i32
  }
  func.func @transform_3(%arg0: i32) -> (i32, i32) {
    %c0_i32 = arith.constant 0 : i32
    %c0_i32_0 = arith.constant 0 : i32
    %c0_i32_1 = arith.constant 0 : i32
    return %c0_i32, %c0_i32_0 : i32, i32
  }
  func.func @transform_4(%arg0: i32) -> (i32, i32) {
    %c0_i32 = arith.constant 0 : i32
    %c0_i32_0 = arith.constant 0 : i32
    %c0_i32_1 = arith.constant 0 : i32
    return %c0_i32, %c0_i32_0 : i32, i32
  }
  func.func @transform_5(%arg0: i32) -> (i32, i32) {
    %c0_i32 = arith.constant 0 : i32
    %c0_i32_0 = arith.constant 0 : i32
    %c0_i32_1 = arith.constant 0 : i32
    return %c0_i32, %c0_i32_0 : i32, i32
  }
  func.func @transform_6(%arg0: i32) -> (i32, i32) {
    %c0_i32 = arith.constant 0 : i32
    %c0_i32_0 = arith.constant 0 : i32
    %c0_i32_1 = arith.constant 0 : i32
    return %c0_i32, %c0_i32_0 : i32, i32
  }
  func.func @transform_7(%arg0: i32) -> (i32, i32) {
    %c0_i32 = arith.constant 0 : i32
    %c0_i32_0 = arith.constant 0 : i32
    %c0_i32_1 = arith.constant 0 : i32
    return %c0_i32, %c0_i32_0 : i32, i32
  }
  func.func @transform_8(%arg0: i32) -> (i32, i32) {
    %c0_i32 = arith.constant 0 : i32
    %c0_i32_0 = arith.constant 0 : i32
    %c0_i32_1 = arith.constant 0 : i32
    return %c0_i32, %c0_i32_0 : i32, i32
  }
  func.func @transform_9(%arg0: i32) -> (i32, i32, i32) {
    %c0_i32 = arith.constant 0 : i32
    %c0_i32_0 = arith.constant 0 : i32
    %c0_i32_1 = arith.constant 0 : i32
    return %c0_i32, %arg0, %c0_i32_0 : i32, i32, i32
  }
}

module attributes {stable_mosaic.version = 14 : i64} {
  func.func @body(%arg0: i32, %arg1: memref<2x1000x128xf32, #tpu.memory_space<vmem>>, %arg2: memref<2x1000x128xf32, #tpu.memory_space<vmem>>, %arg3: memref<1000x1xf32, #tpu.memory_space<vmem>>, %arg4: memref<256x256xf32, #tpu.memory_space<vmem>>, %arg5: memref<1x256xf32, #tpu.memory_space<vmem>>, %arg6: memref<1x256xf32, #tpu.memory_space<vmem>>, %arg7: memref<1x256xf32, #tpu.memory_space<vmem>>, %arg8: memref<1x256xf32, #tpu.memory_space<vmem>>, %arg9: memref<1x256xf32, #tpu.memory_space<vmem>>, %arg10: memref<1000x256xf32, #tpu.memory_space<vmem>>) attributes {dimension_semantics = [#tpu.dimension_semantics<arbitrary>], iteration_bounds = array<i64: 10>, scalar_prefetch = 0 : i64, scratch_operands = 0 : i64, tpu.core_type = #tpu.core_type<tc>, window_params = [{transform_indices = @transform_0, window_bounds = array<i64: 2, 1000, 128>}, {transform_indices = @transform_1, window_bounds = array<i64: 2, 1000, 128>}, {transform_indices = @transform_2, window_bounds = array<i64: 1000, 1>}, {pipeline_mode = #tpu.pipeline_mode<synchronous>, transform_indices = @transform_3, window_bounds = array<i64: 256, 256>}, {pipeline_mode = #tpu.pipeline_mode<synchronous>, transform_indices = @transform_4, window_bounds = array<i64: 1, 256>}, {pipeline_mode = #tpu.pipeline_mode<synchronous>, transform_indices = @transform_5, window_bounds = array<i64: 1, 256>}, {pipeline_mode = #tpu.pipeline_mode<synchronous>, transform_indices = @transform_6, window_bounds = array<i64: 1, 256>}, {pipeline_mode = #tpu.pipeline_mode<synchronous>, transform_indices = @transform_7, window_bounds = array<i64: 1, 256>}, {pipeline_mode = #tpu.pipeline_mode<synchronous>, transform_indices = @transform_8, window_bounds = array<i64: 1, 256>}, {transform_indices = @transform_9, window_bounds = array<i64: 1000, 256>}]} {
    %get3A = arith.constant 0 : index
    %get3A_0 = arith.constant 0 : index
    %get3A_1 = vector.load %arg3[%get3A, %get3A_0] : memref<1000x1xf32, #tpu.memory_space<vmem>>, vector<1000x1xf32>
    %get3A_2 = arith.constant 0 : index
    %get3A_3 = arith.constant 0 : index
    %get3A_4 = arith.constant 0 : index
    %get3A_5 = vector.load %arg1[%get3A_2, %get3A_3, %get3A_4] : memref<2x1000x128xf32, #tpu.memory_space<vmem>>, vector<1x1000x128xf32>
    %get3A_6 = vector.shape_cast %get3A_5 : vector<1x1000x128xf32> to vector<1000x128xf32>
    %get3A_7 = arith.constant 1 : index
    %get3A_8 = arith.constant 0 : index
    %get3A_9 = arith.constant 0 : index
    %get3A_10 = vector.load %arg1[%get3A_7, %get3A_8, %get3A_9] : memref<2x1000x128xf32, #tpu.memory_space<vmem>>, vector<1x1000x128xf32>
    %get3A_11 = vector.shape_cast %get3A_10 : vector<1x1000x128xf32> to vector<1000x128xf32>
    %concatenate3A = tpu.concatenate %get3A_6, %get3A_11 in 1 : vector<1000x128xf32>, vector<1000x128xf32> -> vector<1000x256xf32>
    %get3A_12 = arith.constant 0 : index
    %get3A_13 = arith.constant 0 : index
    %get3A_14 = arith.constant 0 : index
    %get3A_15 = vector.load %arg2[%get3A_12, %get3A_13, %get3A_14] : memref<2x1000x128xf32, #tpu.memory_space<vmem>>, vector<1x1000x128xf32>
    %get3A_16 = vector.shape_cast %get3A_15 : vector<1x1000x128xf32> to vector<1000x128xf32>
    %get3A_17 = arith.constant 1 : index
    %get3A_18 = arith.constant 0 : index
    %get3A_19 = arith.constant 0 : index
    %get3A_20 = vector.load %arg2[%get3A_17, %get3A_18, %get3A_19] : memref<2x1000x128xf32, #tpu.memory_space<vmem>>, vector<1x1000x128xf32>
    %get3A_21 = vector.shape_cast %get3A_20 : vector<1x1000x128xf32> to vector<1000x128xf32>
    %concatenate3A_22 = tpu.concatenate %get3A_16, %get3A_21 in 1 : vector<1000x128xf32>, vector<1000x128xf32> -> vector<1000x256xf32>
    %add3A = arith.addf %concatenate3A, %concatenate3A_22 : vector<1000x256xf32>
    %mul3A = vector.broadcast %get3A_1 : vector<1000x1xf32> to vector<1000x256xf32>
    %mul3A_23 = arith.mulf %mul3A, %add3A : vector<1000x256xf32>
    %get3A_24 = arith.constant 0 : index
    %get3A_25 = arith.constant 0 : index
    %get3A_26 = vector.load %arg4[%get3A_24, %get3A_25] : memref<256x256xf32, #tpu.memory_space<vmem>>, vector<256x256xf32>
    %dot_general3A = arith.constant dense<0.000000e+00> : vector<1000x256xf32>
    %dot_general3A_27 = tpu.matmul %mul3A_23, %get3A_26, %dot_general3A {dimension_numbers = #tpu.dot_dimension_numbers<[1], [0], [0], [1], [0, 0, 1, 1], [], []>, transpose_lhs_hint = false} : vector<1000x256xf32>, vector<256x256xf32>, vector<1000x256xf32> -> vector<1000x256xf32>
    %get3A_28 = arith.constant 0 : index
    %get3A_29 = arith.constant 0 : index
    %get3A_30 = vector.load %arg5[%get3A_28, %get3A_29] : memref<1x256xf32, #tpu.memory_space<vmem>>, vector<1x256xf32>
    %add3A_31 = vector.broadcast %get3A_30 : vector<1x256xf32> to vector<1000x256xf32>
    %add3A_32 = arith.addf %dot_general3A_27, %add3A_31 : vector<1000x256xf32>
    %get3A_33 = arith.constant 0 : index
    %get3A_34 = arith.constant 0 : index
    %get3A_35 = vector.load %arg8[%get3A_33, %get3A_34] : memref<1x256xf32, #tpu.memory_space<vmem>>, vector<1x256xf32>
    %sub3A = vector.broadcast %get3A_35 : vector<1x256xf32> to vector<1000x256xf32>
    %sub3A_36 = arith.subf %add3A_32, %sub3A : vector<1000x256xf32>
    %get3A_37 = arith.constant 0 : index
    %get3A_38 = arith.constant 0 : index
    %get3A_39 = vector.load %arg9[%get3A_37, %get3A_38] : memref<1x256xf32, #tpu.memory_space<vmem>>, vector<1x256xf32>
    %add3A_40 = arith.constant 9.99999974E-6 : f32
    %add3A_41 = vector.broadcast %add3A_40 : f32 to vector<1x256xf32>
    %add3A_42 = arith.addf %get3A_39, %add3A_41 : vector<1x256xf32>
    %rsqrt3A = math.rsqrt %add3A_42 : vector<1x256xf32>
    %mul3A_43 = vector.broadcast %rsqrt3A : vector<1x256xf32> to vector<1000x256xf32>
    %mul3A_44 = arith.mulf %sub3A_36, %mul3A_43 : vector<1000x256xf32>
    %get3A_45 = arith.constant 0 : index
    %get3A_46 = arith.constant 0 : index
    %get3A_47 = vector.load %arg6[%get3A_45, %get3A_46] : memref<1x256xf32, #tpu.memory_space<vmem>>, vector<1x256xf32>
    %mul3A_48 = vector.broadcast %get3A_47 : vector<1x256xf32> to vector<1000x256xf32>
    %mul3A_49 = arith.mulf %mul3A_44, %mul3A_48 : vector<1000x256xf32>
    %get3A_50 = arith.constant 0 : index
    %get3A_51 = arith.constant 0 : index
    %get3A_52 = vector.load %arg7[%get3A_50, %get3A_51] : memref<1x256xf32, #tpu.memory_space<vmem>>, vector<1x256xf32>
    %add3A_53 = vector.broadcast %get3A_52 : vector<1x256xf32> to vector<1000x256xf32>
    %add3A_54 = arith.addf %mul3A_49, %add3A_53 : vector<1000x256xf32>
    %max3A = arith.constant 0.000000e+00 : f32
    %max3A_55 = vector.broadcast %max3A : f32 to vector<1000x256xf32>
    %max3A_56 = arith.maximumf %add3A_54, %max3A_55 : vector<1000x256xf32>
    %swap3A = arith.constant 0 : index
    %swap3A_57 = arith.constant 0 : index
    %swap3A_58 = vector.load %arg10[%swap3A, %swap3A_57] : memref<1000x256xf32, #tpu.memory_space<vmem>>, vector<1000x256xf32>
    tpu.vector_store %arg10[%swap3A, %swap3A_57], %max3A_56 {strides = array<i32>} : memref<1000x256xf32, #tpu.memory_space<vmem>>, vector<1000x256xf32>,
    return
  }
  func.func @transform_0(%arg0: i32) -> (i32, i32, i32) {
    %c0_i32 = arith.constant 0 : i32
    %c0_i32_0 = arith.constant 0 : i32
    %c0_i32_1 = arith.constant 0 : i32
    return %c0_i32, %arg0, %c0_i32_0 : i32, i32, i32
  }
  func.func @transform_1(%arg0: i32) -> (i32, i32, i32) {
    %c0_i32 = arith.constant 0 : i32
    %c0_i32_0 = arith.constant 0 : i32
    %c0_i32_1 = arith.constant 0 : i32
    return %c0_i32, %arg0, %c0_i32_0 : i32, i32, i32
  }
  func.func @transform_2(%arg0: i32) -> (i32, i32) {
    %c0_i32 = arith.constant 0 : i32
    %c0_i32_0 = arith.constant 0 : i32
    return %arg0, %c0_i32 : i32, i32
  }
  func.func @transform_3(%arg0: i32) -> (i32, i32) {
    %c0_i32 = arith.constant 0 : i32
    %c0_i32_0 = arith.constant 0 : i32
    %c0_i32_1 = arith.constant 0 : i32
    return %c0_i32, %c0_i32_0 : i32, i32
  }
  func.func @transform_4(%arg0: i32) -> (i32, i32) {
    %c0_i32 = arith.constant 0 : i32
    %c0_i32_0 = arith.constant 0 : i32
    %c0_i32_1 = arith.constant 0 : i32
    return %c0_i32, %c0_i32_0 : i32, i32
  }
  func.func @transform_5(%arg0: i32) -> (i32, i32) {
    %c0_i32 = arith.constant 0 : i32
    %c0_i32_0 = arith.constant 0 : i32
    %c0_i32_1 = arith.constant 0 : i32
    return %c0_i32, %c0_i32_0 : i32, i32
  }
  func.func @transform_6(%arg0: i32) -> (i32, i32) {
    %c0_i32 = arith.constant 0 : i32
    %c0_i32_0 = arith.constant 0 : i32
    %c0_i32_1 = arith.constant 0 : i32
    return %c0_i32, %c0_i32_0 : i32, i32
  }
  func.func @transform_7(%arg0: i32) -> (i32, i32) {
    %c0_i32 = arith.constant 0 : i32
    %c0_i32_0 = arith.constant 0 : i32
    %c0_i32_1 = arith.constant 0 : i32
    return %c0_i32, %c0_i32_0 : i32, i32
  }
  func.func @transform_8(%arg0: i32) -> (i32, i32) {
    %c0_i32 = arith.constant 0 : i32
    %c0_i32_0 = arith.constant 0 : i32
    %c0_i32_1 = arith.constant 0 : i32
    return %c0_i32, %c0_i32_0 : i32, i32
  }
  func.func @transform_9(%arg0: i32) -> (i32, i32) {
    %c0_i32 = arith.constant 0 : i32
    %c0_i32_0 = arith.constant 0 : i32
    return %arg0, %c0_i32 : i32, i32
  }
}

module attributes {stable_mosaic.version = 14 : i64} {
  func.func @_pool_body(%arg0: i32, %arg1: memref<1000x256xf32, #tpu.memory_space<vmem>>, %arg2: memref<1000x1xf32, #tpu.memory_space<vmem>>, %arg3: memref<256x256xf32, #tpu.memory_space<vmem>>, %arg4: memref<1x256xf32, #tpu.memory_space<vmem>>, %arg5: memref<1x256xf32, #tpu.memory_space<vmem>>, %arg6: memref<1x1xf32, #tpu.memory_space<vmem>>, %arg7: memref<64x1xf32, #tpu.memory_space<vmem>>, %arg8: memref<64x256xf32, #tpu.memory_space<vmem>>, %arg9: memref<64x128xf32, #tpu.memory_space<vmem>>) attributes {dimension_semantics = [#tpu.dimension_semantics<arbitrary>], iteration_bounds = array<i64: 10>, scalar_prefetch = 0 : i64, scratch_operands = 2 : i64, tpu.core_type = #tpu.core_type<tc>, window_params = [{transform_indices = @transform_0, window_bounds = array<i64: 1000, 256>}, {transform_indices = @transform_1, window_bounds = array<i64: 1000, 1>}, {pipeline_mode = #tpu.pipeline_mode<synchronous>, transform_indices = @transform_2, window_bounds = array<i64: 256, 256>}, {pipeline_mode = #tpu.pipeline_mode<synchronous>, transform_indices = @transform_3, window_bounds = array<i64: 1, 256>}, {pipeline_mode = #tpu.pipeline_mode<synchronous>, transform_indices = @transform_4, window_bounds = array<i64: 1, 256>}, {pipeline_mode = #tpu.pipeline_mode<synchronous>, transform_indices = @transform_5, window_bounds = array<i64: 1, 1>}, {pipeline_mode = #tpu.pipeline_mode<synchronous>, transform_indices = @transform_6, window_bounds = array<i64: 64, 1>}]} {
    %eq3A = arith.constant 0 : i32
    %eq3A_0 = arith.cmpi eq, %arg0, %eq3A : i32
    %convert_element_type3A = arith.extui %eq3A_0 : i1 to i32
    %cond3A = arith.constant 0 : i32
    %cond3A_1 = arith.cmpi ne, %convert_element_type3A, %cond3A : i32
    scf.if %cond3A_1 {
      %broadcast_in_dim3A_35 = arith.constant 0.000000e+00 : f32
      %broadcast_in_dim3A_36 = vector.broadcast %broadcast_in_dim3A_35 : f32 to vector<64x256xf32>
      %swap3A_37 = arith.constant 0 : index
      %swap3A_38 = arith.constant 0 : index
      %swap3A_39 = vector.load %arg8[%swap3A_37, %swap3A_38] : memref<64x256xf32, #tpu.memory_space<vmem>>, vector<64x256xf32>
      tpu.vector_store %arg8[%swap3A_37, %swap3A_38], %broadcast_in_dim3A_36 {strides = array<i32>} : memref<64x256xf32, #tpu.memory_space<vmem>>, vector<64x256xf32>,
      %broadcast_in_dim3A_40 = arith.constant 0.000000e+00 : f32
      %broadcast_in_dim3A_41 = vector.broadcast %broadcast_in_dim3A_40 : f32 to vector<64x128xf32>
      %swap3A_42 = arith.constant 0 : index
      %swap3A_43 = arith.constant 0 : index
      %swap3A_44 = vector.load %arg9[%swap3A_42, %swap3A_43] : memref<64x128xf32, #tpu.memory_space<vmem>>, vector<64x128xf32>
      tpu.vector_store %arg9[%swap3A_42, %swap3A_43], %broadcast_in_dim3A_41 {strides = array<i32>} : memref<64x128xf32, #tpu.memory_space<vmem>>, vector<64x128xf32>,
    } else {
    }
    %iota3A = tpu.iota {dimensions = array<i32: 1>} : vector<1x64xi32>
    %convert_element_type3A_2 = arith.sitofp %iota3A : vector<1x64xi32> to vector<1x64xf32>
    %get3A = arith.constant 0 : index
    %get3A_3 = arith.constant 0 : index
    %get3A_4 = vector.load %arg2[%get3A, %get3A_3] : memref<1000x1xf32, #tpu.memory_space<vmem>>, vector<1000x1xf32>
    %eq3A_5 = vector.broadcast %get3A_4 : vector<1000x1xf32> to vector<1000x64xf32>
    %eq3A_6 = vector.broadcast %convert_element_type3A_2 : vector<1x64xf32> to vector<1000x64xf32>
    %eq3A_7 = arith.cmpf oeq, %eq3A_5, %eq3A_6 : vector<1000x64xf32>
    %jit3A = arith.constant 1.000000e+00 : f32
    %jit3A_8 = arith.constant 0.000000e+00 : f32
    %broadcast_in_dim3A = vector.broadcast %jit3A : f32 to vector<1000x64xf32>
    %broadcast_in_dim3A_9 = vector.broadcast %jit3A_8 : f32 to vector<1000x64xf32>
    %select_n3A = arith.select %eq3A_7, %broadcast_in_dim3A, %broadcast_in_dim3A_9 : vector<1000x64xi1>, vector<1000x64xf32>
    %get3A_10 = arith.constant 0 : index
    %get3A_11 = arith.constant 0 : index
    %get3A_12 = vector.load %arg8[%get3A_10, %get3A_11] : memref<64x256xf32, #tpu.memory_space<vmem>>, vector<64x256xf32>
    %get3A_13 = arith.constant 0 : index
    %get3A_14 = arith.constant 0 : index
    %get3A_15 = vector.load %arg1[%get3A_13, %get3A_14] : memref<1000x256xf32, #tpu.memory_space<vmem>>, vector<1000x256xf32>
    %dot_general3A = arith.constant dense<0.000000e+00> : vector<64x256xf32>
    %dot_general3A_16 = tpu.matmul %select_n3A, %get3A_15, %dot_general3A {dimension_numbers = #tpu.dot_dimension_numbers<[0], [0], [1], [1], [0, 1, 1, 1], [], []>, transpose_lhs_hint = false} : vector<1000x64xf32>, vector<1000x256xf32>, vector<64x256xf32> -> vector<64x256xf32>
    %add3A = arith.addf %get3A_12, %dot_general3A_16 : vector<64x256xf32>
    %swap3A = arith.constant 0 : index
    %swap3A_17 = arith.constant 0 : index
    %swap3A_18 = vector.load %arg8[%swap3A, %swap3A_17] : memref<64x256xf32, #tpu.memory_space<vmem>>, vector<64x256xf32>
    tpu.vector_store %arg8[%swap3A, %swap3A_17], %add3A {strides = array<i32>} : memref<64x256xf32, #tpu.memory_space<vmem>>, vector<64x256xf32>,
    %broadcast_in_dim3A_19 = arith.constant 1.000000e+00 : f32
    %broadcast_in_dim3A_20 = vector.broadcast %broadcast_in_dim3A_19 : f32 to vector<1000x128xf32>
    %get3A_21 = arith.constant 0 : index
    %get3A_22 = arith.constant 0 : index
    %get3A_23 = vector.load %arg9[%get3A_21, %get3A_22] : memref<64x128xf32, #tpu.memory_space<vmem>>, vector<64x128xf32>
    %dot_general3A_24 = arith.constant dense<0.000000e+00> : vector<64x128xf32>
    %dot_general3A_25 = tpu.matmul %select_n3A, %broadcast_in_dim3A_20, %dot_general3A_24 {dimension_numbers = #tpu.dot_dimension_numbers<[0], [0], [1], [1], [0, 1, 1, 1], [], []>, transpose_lhs_hint = false} : vector<1000x64xf32>, vector<1000x128xf32>, vector<64x128xf32> -> vector<64x128xf32>
    %add3A_26 = arith.addf %get3A_23, %dot_general3A_25 : vector<64x128xf32>
    %swap3A_27 = arith.constant 0 : index
    %swap3A_28 = arith.constant 0 : index
    %swap3A_29 = vector.load %arg9[%swap3A_27, %swap3A_28] : memref<64x128xf32, #tpu.memory_space<vmem>>, vector<64x128xf32>
    tpu.vector_store %arg9[%swap3A_27, %swap3A_28], %add3A_26 {strides = array<i32>} : memref<64x128xf32, #tpu.memory_space<vmem>>, vector<64x128xf32>,
    %eq3A_30 = arith.constant 9 : i32
    %eq3A_31 = arith.cmpi eq, %arg0, %eq3A_30 : i32
    %convert_element_type3A_32 = arith.extui %eq3A_31 : i1 to i32
    %cond3A_33 = arith.constant 0 : i32
    %cond3A_34 = arith.cmpi ne, %convert_element_type3A_32, %cond3A_33 : i32
    scf.if %cond3A_34 {
      %get3A_35 = arith.constant 0 : index
      %get3A_36 = arith.constant 0 : index
      %get3A_37 = vector.load %arg9[%get3A_35, %get3A_36] : memref<64x128xf32, #tpu.memory_space<vmem>>, vector<64x1xf32>
      %max3A = arith.constant 1.000000e+00 : f32
      %max3A_38 = vector.broadcast %max3A : f32 to vector<64x1xf32>
      %max3A_39 = arith.maximumf %get3A_37, %max3A_38 : vector<64x1xf32>
      %get3A_40 = arith.constant 0 : index
      %get3A_41 = arith.constant 0 : index
      %get3A_42 = vector.load %arg8[%get3A_40, %get3A_41] : memref<64x256xf32, #tpu.memory_space<vmem>>, vector<64x256xf32>
      %div3A = vector.broadcast %max3A_39 : vector<64x1xf32> to vector<64x256xf32>
      %div3A_43 = arith.divf %get3A_42, %div3A : vector<64x256xf32>
      %get3A_44 = arith.constant 0 : index
      %get3A_45 = arith.constant 0 : index
      %get3A_46 = vector.load %arg3[%get3A_44, %get3A_45] : memref<256x256xf32, #tpu.memory_space<vmem>>, vector<256x256xf32>
      %dot_general3A_47 = arith.constant dense<0.000000e+00> : vector<64x256xf32>
      %dot_general3A_48 = tpu.matmul %div3A_43, %get3A_46, %dot_general3A_47 {dimension_numbers = #tpu.dot_dimension_numbers<[1], [0], [0], [1], [0, 0, 1, 1], [], []>, transpose_lhs_hint = false} : vector<64x256xf32>, vector<256x256xf32>, vector<64x256xf32> -> vector<64x256xf32>
      %get3A_49 = arith.constant 0 : index
      %get3A_50 = arith.constant 0 : index
      %get3A_51 = vector.load %arg4[%get3A_49, %get3A_50] : memref<1x256xf32, #tpu.memory_space<vmem>>, vector<1x256xf32>
      %add3A_52 = vector.broadcast %get3A_51 : vector<1x256xf32> to vector<64x256xf32>
      %add3A_53 = arith.addf %dot_general3A_48, %add3A_52 : vector<64x256xf32>
      %max3A_54 = arith.constant 0.000000e+00 : f32
      %max3A_55 = vector.broadcast %max3A_54 : f32 to vector<64x256xf32>
      %max3A_56 = arith.maximumf %add3A_53, %max3A_55 : vector<64x256xf32>
      %get3A_57 = arith.constant 0 : index
      %get3A_58 = arith.constant 0 : index
      %get3A_59 = vector.load %arg5[%get3A_57, %get3A_58] : memref<1x256xf32, #tpu.memory_space<vmem>>, vector<1x256xf32>
      %mul3A = vector.broadcast %get3A_59 : vector<1x256xf32> to vector<64x256xf32>
      %mul3A_60 = arith.mulf %max3A_56, %mul3A : vector<64x256xf32>
      %reduce_sum3A = arith.constant dense<0.000000e+00> : vector<64xf32>
      %reduce_sum3A_61 = vector.multi_reduction <add>, %mul3A_60, %reduce_sum3A [1] : vector<64x256xf32> to vector<64xf32>
      %broadcast_in_dim3A_62 = vector.shape_cast %reduce_sum3A_61 : vector<64xf32> to vector<64x1xf32>
      %get3A_63 = arith.constant 0 : index
      %get3A_64 = arith.constant 0 : index
      %get3A_65 = vector.load %arg6[%get3A_63, %get3A_64] : memref<1x1xf32, #tpu.memory_space<vmem>>, vector<1x1xf32>
      %add3A_66 = vector.broadcast %get3A_65 : vector<1x1xf32> to vector<64x1xf32>
      %add3A_67 = arith.addf %broadcast_in_dim3A_62, %add3A_66 : vector<64x1xf32>
      %swap3A_68 = arith.constant 0 : index
      %swap3A_69 = arith.constant 0 : index
      %swap3A_70 = vector.load %arg7[%swap3A_68, %swap3A_69] : memref<64x1xf32, #tpu.memory_space<vmem>>, vector<64x1xf32>
      tpu.vector_store %arg7[%swap3A_68, %swap3A_69], %add3A_67 {strides = array<i32>} : memref<64x1xf32, #tpu.memory_space<vmem>>, vector<64x1xf32>,
    } else {
    }
    return
  }
  func.func @transform_0(%arg0: i32) -> (i32, i32) {
    %c0_i32 = arith.constant 0 : i32
    %c0_i32_0 = arith.constant 0 : i32
    return %arg0, %c0_i32 : i32, i32
  }
  func.func @transform_1(%arg0: i32) -> (i32, i32) {
    %c0_i32 = arith.constant 0 : i32
    %c0_i32_0 = arith.constant 0 : i32
    return %arg0, %c0_i32 : i32, i32
  }
  func.func @transform_2(%arg0: i32) -> (i32, i32) {
    %c0_i32 = arith.constant 0 : i32
    %c0_i32_0 = arith.constant 0 : i32
    %c0_i32_1 = arith.constant 0 : i32
    return %c0_i32, %c0_i32_0 : i32, i32
  }
  func.func @transform_3(%arg0: i32) -> (i32, i32) {
    %c0_i32 = arith.constant 0 : i32
    %c0_i32_0 = arith.constant 0 : i32
    %c0_i32_1 = arith.constant 0 : i32
    return %c0_i32, %c0_i32_0 : i32, i32
  }
  func.func @transform_4(%arg0: i32) -> (i32, i32) {
    %c0_i32 = arith.constant 0 : i32
    %c0_i32_0 = arith.constant 0 : i32
    %c0_i32_1 = arith.constant 0 : i32
    return %c0_i32, %c0_i32_0 : i32, i32
  }
  func.func @transform_5(%arg0: i32) -> (i32, i32) {
    %c0_i32 = arith.constant 0 : i32
    %c0_i32_0 = arith.constant 0 : i32
    %c0_i32_1 = arith.constant 0 : i32
    return %c0_i32, %c0_i32_0 : i32, i32
  }
  func.func @transform_6(%arg0: i32) -> (i32, i32) {
    %c0_i32 = arith.constant 0 : i32
    %c0_i32_0 = arith.constant 0 : i32
    %c0_i32_1 = arith.constant 0 : i32
    return %c0_i32, %c0_i32_0 : i32, i32
  }
}

</mosaic_0001>

<sc_bundles>
// kernel: kernel.12.cloned.1.call-start
scs
__scs_entry_jumppad:
0x0: {  	(pc) =	sbr.rel $0x88, $3  }
0x1: {  	(tag) =	ssettag $0x0;
	lr =	simm.s32 $0x1  }
0x2: {  	[smem:$0x3F88] =	sst lr;
	_ =	strace $0xD0000000  }
0x3: {  	_ = 	snop  }
0x4: {  	_ = 	snop  }
0x5: {  	_ = 	snop  }
0x6: {  	_ = 	snop  }
0x7: {  	_ = 	snop  }
__scs_overlays_trampoline_lowered:
0x8: {  	[smem:$0x3F97] =	sst s0  }
0x9: {  	[smem:$0x3F98] =	sst s1  }
0xa: {  	[smem:$0x3F99] =	sst s2  }
0xb: {  	[smem:$0x3F9A] =	sst s3  }
0xc: {  	[smem:$0x3F9B] =	sst s4  }
0xd: {  	[smem:$0x3F9C] =	sst s5  }
0xe: {  	[smem:$0x3F9D] =	sst s6  }
0xf: {  	[smem:$0x3F9E] =	sst s7  }
0x10: {  	[smem:$0x3F9F] =	sst s8  }
0x11: {  	[smem:$0x3FA0] =	sst s9;
	s0 =	simm.s32 @!p0 $0x0  }
0x12: {  	s1 =	sld [smem:$0x3F86];
	s0 =	simm.s32 @p0 $0x1  }
0x13: {  	[smem:$0x3FA1] =	sst s0;
	s0 =	simm.s32 @!p1 $0x0  }
0x14: {  	s2 =	sld [smem:$0x3F85];
	s0 =	simm.s32 @p1 $0x1  }
0x15: {  	[smem:$0x3FA2] =	sst s0;
	s0 =	simm.s32 @!p2 $0x0  }
0x16: {  	s3 =	sld [smem:$0x3FDB];
	s0 =	simm.s32 @p2 $0x1  }
0x17: {  	s4 =	simm.s32 $0x1BF5;
	[smem:$0x3FA4] =	sst s0  }
0x18: {  	s0 =	sld [smem:$0x3F87];
	_ =	swait.ge [sflag:s4], $0x0  }
0x19: {  	s7 =	sld [smem:$0x3F88]  }
0x1a: {  	s8 =	sadd.s32 $0xFFFFE003, lr  }
0x1b: {  	s9 =	sadd.s32 $0xFFFFFEF7, lr;
	s5 =	simm.s32 $0xFFFFFFFF;
	p2 =	slt.u32 s8, $0xFFFFF086  }
0x1c: {  	p1 =	slt.u32 s9, $0xF7A;
	s5 =	simm.s32 @!p2 $0x0  }
0x1d: {  	s5 =	simm.s32 @p1 $0x1;
	p0 =	seq.s32 s7, s2  }
0x1e: {  	s7 =	smul.u32 @!p0 $0xF7A, s2;
	p2 =	seq.s32 @!p0 s5, $0x0  }
0x1f: {  	s9 =	smul.u32 $0xF7A, s1;
	s8 =	simm.s32 @!p0 $0x1BF5;
	p2 =	por !p2, p0  }
0x20: {  	[sflag:s8] =	ssyncset.s32 @!p0 $0xFFFFF086;
	s6 =	sadd.s32 @!p0 s3, s7;
	s7 =	simm.s32 @!p0 $0x108  }
0x21: {  	s3 =	sadd.s32 s3, s9;
	s6 =	sadd.s32 @!p0 $0x88, s6;
	s7 =	simm.s32 @p2 $0x1082  }
0x22: {  	[simem:s7], [sflag:s8] =	dma.local @!p0 [hbm:s6], $0xF7A  }
0x23: {  	s9 =	sor.u32 $0xD0000000, s2;
	s6 =	simm.s32 $0x108;
	_ =	swait.ge @!p0 [sflag:s8], $0x0  }
0x24: {  	s3 =	sadd.s32 $0x88, s3;
	s6 =	simm.s32 @!p1 $0x1082;
	[sflag:s4] =	ssyncset.s32 $0xFFFFF086  }
0x25: {  	[simem:s6], [sflag:s4] =	dma.local [hbm:s3], $0xF7A  }
0x26: {  	[smem:$0x3F88] =	sst s1;
	(tag) =	ssettag s2;
	_ =	strace s9  }
0x27: {  	s1 =	sld [smem:$0x3F98]  }
0x28: {  	s2 =	sld [smem:$0x3F99]  }
0x29: {  	s4 =	sld [smem:$0x3F9B]  }
0x2a: {  	p0 =	seq.s32 s5, $0x0;
	s5 =	sld [smem:$0x3F9C]  }
0x2b: {  	s6 =	sld [smem:$0x3F9D]  }
0x2c: {  	s7 =	sld [smem:$0x3F9E]  }
0x2d: {  	s3 =	simm.s32 $0x108;
	s8 =	sld [smem:$0x3F9F]  }
0x2e: {  	s3 =	simm.s32 @!p0 $0x1082;
	s9 =	sld [smem:$0x3FA0]  }
0x2f: {  	lr =	sadd.s32 s0, s3;
	s0 =	sld [smem:$0x3F97]  }
0x30: {  	s3 =	sld [smem:$0x3F9A]  }
0x31: {  	[smem:$0x3FA3] =	sst s10  }
0x32: {  	s10 =	sld [smem:$0x3FA1];
	_ =	sdelay $0x3  }
0x33: {  	p0 =	seq.s32 s10, $0x1;
	s10 =	sld [smem:$0x3FA3];
	_ =	sdelay $0x3  }
0x34: {  	[smem:$0x3FA3] =	sst s10  }
0x35: {  	s10 =	sld [smem:$0x3FA2];
	_ =	sdelay $0x3  }
0x36: {  	p1 =	seq.s32 s10, $0x1;
	s10 =	sld [smem:$0x3FA3];
	_ =	sdelay $0x3  }
0x37: {  	[smem:$0x3FA3] =	sst s10  }
0x38: {  	s10 =	sld [smem:$0x3FA4]  }
0x39: {  	_ = 	snop;
	(pc) =	sbr.ind lr, $3  }
0x3a: {  	_ = 	snop  }
0x3b: {  	_ = 	snop  }
0x3c: {  	p2 =	seq.s32 s10, $0x1;
	s10 =	sld [smem:$0x3FA3]  }
0x3d: {  	_ =	shalt  }
0x3e: {  	_ =	shalt  }
0x3f: {  	_ =	shalt  }
0x40: {  	_ =	shalt  }
0x41: {  	_ =	shalt  }
0x42: {  	_ =	shalt  }
0x43: {  	_ =	shalt  }
0x44: {  	_ =	shalt  }
0x45: {  	_ =	shalt  }
0x46: {  	_ =	shalt  }
0x47: {  	_ =	shalt  }
0x48: {  	_ =	shalt  }
0x49: {  	_ =	shalt  }
0x4a: {  	_ =	shalt  }
0x4b: {  	_ =	shalt  }
0x4c: {  	_ =	shalt  }
0x4d: {  	_ =	shalt  }
0x4e: {  	_ =	shalt  }
0x4f: {  	_ =	shalt  }
0x50: {  	_ =	shalt  }
0x51: {  	_ =	shalt  }
0x52: {  	_ =	shalt  }
0x53: {  	_ =	shalt  }
0x54: {  	_ =	shalt  }
0x55: {  	_ =	shalt  }
0x56: {  	_ =	shalt  }
0x57: {  	_ =	shalt  }
0x58: {  	_ =	shalt  }
0x59: {  	_ =	shalt  }
0x5a: {  	_ =	shalt  }
0x5b: {  	_ =	shalt  }
0x5c: {  	_ =	shalt  }
0x5d: {  	_ =	shalt  }
0x5e: {  	_ =	shalt  }
0x5f: {  	_ =	shalt  }
0x60: {  	_ =	shalt  }
0x61: {  	_ =	shalt  }
0x62: {  	_ =	shalt  }
0x63: {  	_ =	shalt  }
0x64: {  	_ =	shalt  }
0x65: {  	_ =	shalt  }
0x66: {  	_ =	shalt  }
0x67: {  	_ =	shalt  }
0x68: {  	_ =	shalt  }
0x69: {  	_ =	shalt  }
0x6a: {  	_ =	shalt  }
0x6b: {  	_ =	shalt  }
0x6c: {  	_ =	shalt  }
0x6d: {  	_ =	shalt  }
0x6e: {  	_ =	shalt  }
0x6f: {  	_ =	shalt  }
0x70: {  	_ =	shalt  }
0x71: {  	_ =	shalt  }
0x72: {  	_ =	shalt  }
0x73: {  	_ =	shalt  }
0x74: {  	_ =	shalt  }
0x75: {  	_ =	shalt  }
0x76: {  	_ =	shalt  }
0x77: {  	_ =	shalt  }
0x78: {  	_ =	shalt  }
0x79: {  	_ =	shalt  }
0x7a: {  	_ =	shalt  }
0x7b: {  	_ =	shalt  }
0x7c: {  	_ =	shalt  }
0x7d: {  	_ =	shalt  }
0x7e: {  	_ =	shalt  }
0x7f: {  	_ =	shalt  }
0x80: {  	_ =	shalt  }
0x81: {  	_ =	shalt  }
0x82: {  	_ =	shalt  }
0x83: {  	_ =	shalt  }
0x84: {  	_ =	shalt  }
0x85: {  	_ =	shalt  }
0x86: {  	_ =	shalt  }
0x87: {  	_ =	shalt  }
.Lfunc_end0:
.L_simem_size_0:
called_computation_lowered:
.L_overlay_start_0:
0x88: {  	s2 =	sld [smem:$0x3FD9]  }
0x89: {  	s3 =	sld [smem:$0x3FFE];
	_ =	sdelay $0x1  }
0x8a: {  	s1 =	srdreg.scid  }
0x8b: {  	s0 =	sand.u32 $0x1, s1  }
0x8c: {  	s16 =	sshll.u32 s0, $0xA;
	s2 =	sadd.s32 s3, s2  }
0x8d: {  	s2 =	sadd.s32 s2, s16  }
0x8e: {  	[smem:$0x3FAF] =	sst s2  }
0x8f: {  	_ = 	snop  }
0x90: {  	(tm) =	ssettm $0x1  }
0x91: {  	s17 =	sld [smem:$0x3FFB];
	_ =	sdelay $0x3  }
0x92: {  	_ =	strace s17  }
0x93: {  	s2 =	sld [smem:$0x3FFC];
	_ =	sdelay $0x3  }
0x94: {  	_ =	strace s2  }
0x95: {  	s2 =	sld [smem:$0x3FFD];
	_ =	sdelay $0x3  }
0x96: {  	_ =	strace s2  }
0x97: {  	_ =	strace $0x8FFFFFFF  }
0x98: {  	s18 =	sld [smem:$0x3FDB];
	_ =	sdelay $0x1  }
0x99: {  	s19 =	simm.s32 $_scs_section_size  }
0x9a: {  	s4 =	simm.s32 $_size__tile_overlayer_lowered;
	s5 =	simm.s32 $_tile_overlayer_lowered  }
0x9b: {  	s22 =	simm.s32 $0x1BFF;
	s21 =	sshll.u32 s5, $0x1;
	s2 =	sadd.s32 s19, s18  }
0x9c: {  	s6 =	simm.s32 $0x0;
	s20 =	sshll.u32 s4, $0x1;
	s4 =	sadd.s32 s21, s2  }
0x9d: {  	[timem:s6], [sflag:s22] =	dma.local [hbm:s4], s20  }
0x9e: {  	_ =	swait.ge [sflag:s22], s20  }
0x9f: {  	s3 =	ssub.s32 $0x0, s20;
	[sflag:s22] =	ssyncset.done $0x0  }
0xa0: {  	[sflag:s22] =	ssyncadd.s32 s3;
	_ =	sdelay $0x1  }
0xa1: {  	s23 =	simm.s32 $0x1B8B  }
0xa2: {  	_ =	swait.ge [sflag:s23], $0x1  }
0xa3: {  	[sflag:s23] =	ssyncset.done $0x0  }
0xa4: {  	s25 =	simm.s32 $0x1B8E;
	s24 =	sld [smem:$0x3FFE];
	[sflag:s23] =	ssyncadd.s32 $0xFFFFFFFF  }
0xa5: {  	s26 =	simm.s32 $execute0_lowered;
	[smem:$0x3FD2] =	sst s25  }
0xa6: {  	s4 =	sshll.u32 s26, $0x1;
	_ =	strace $0x80000046;
	[dreg:$0x1] =	wrdreg $0xFFFFFFFF  }
0xa7: {  	s28 =	simm.s32 $_size_execute0_lowered;
	s2 =	sadd.s32 s2, s4;
	[dreg:$0x0] =	wrdreg $0x0  }
0xa8: {  	s4 =	sshll.u32 s28, $0x1;
	[dreg:$0x2] =	wrdreg s2  }
0xa9: {  	[dreg:$0x3] =	wrdreg s4  }
0xaa: {  	[dreg:$0x4] =	wrdreg $0xC0  }
0xab: {  	_ =	task [dreg:s6], $0x5FFFF  }
0xac: {  	[dreg:$0x1] =	wrdreg $0xFFFFFFFF  }
0xad: {  	[dreg:$0x0] =	wrdreg $0x60  }
0xae: {  	[dreg:$0x2] =	wrdreg s24  }
0xaf: {  	[dreg:$0x3] =	wrdreg $0x48000  }
0xb0: {  	[dreg:$0x4] =	wrdreg $0x9  }
0xb1: {  	_ =	task.clear_ibuf [dreg:s6], $0x5FFFF;
	_ =	strace $0x90000046  }
0xb2: {  	s29 =	simm.s32 $0x9;
	_ =	strace $0x80000048  }
0xb3: {  	_ =	swait.ge [sflag:s29], $0x1  }
0xb4: {  	[sflag:s29] =	ssyncadd.s32 $0xFFFFFFFF  }
0xb5: {  	_ =	strace $0x90000048  }
0xb6: {  	_ =	sfence  }
0xb7: {  	s30 =	sld [smem:$0x0];
	_ =	sdelay $0x2  }
0xb8: {  	s31 =	sshll.u32 s1, $0xD;
	s1 =	sshrl.u32 s1, $0x2  }
0xb9: {  	s3 =	sand.u32 $0x4000, s31;
	s1 =	sadd.s32 s1, s30  }
0xba: {  	s0 =	sor.u32 s3, s0;
	s1 =	sshll.u32 s1, $0x11  }
0xbb: {  	s0 =	sor.u32 s1, s0  }
0xbc: {  	s0 =	sadd.s32 $0x8F2B, s0  }
0xbd: {  	[sflag:s0] =	ssyncadd.remote.s32 $0x1  }
0xbe: {  	_ =	sfence.sel $0xFFFF  }
0xbf: {  	[dreg:$0x0] =	wrdreg $0xFFFFFFFF;
	(pc) =	sbr.abs _section_cstart, $3  }
0xc0: {  	[dreg:$0x1] =	wrdreg $0xFFFFFFFF  }
0xc1: {  	_ =	task.clear_ibuf [dreg:s6], $0x2FFFF;
	_ =	strace $0x9FFFFFFF  }
0xc2: {  	(tm) =	ssettm $0x7FFFFFFF  }
0xc3: {  	_ =	shalt  }
tec
execute0_lowered:
.L_overlay_start_1:
0x0: {  	(tag) =	ssettag $0x1  }
0x1: {  	s1 =	srdreg.scid;
	s6 =	rddreg [dreg:$0x0]  }
0x2: {  	s0 =	stileid.u32;
	s2 =	rddreg [dreg:$0x1];
	s3 =	simm.s32 $0x0  }
0x3: {  	s11 =	simm.s32 $0x1;
	s12 =	simm.s32 $0x800;
	s13 =	simm.s32 $0x80  }
0x4: {  	s14 =	simm.s32 $0x100;
	s15 =	simm.s32 $0x180;
	s16 =	simm.s32 $0x200  }
0x5: {  	s17 =	simm.s32 $0x280;
	s18 =	simm.s32 $0x300;
	s19 =	simm.s32 $0x380  }
0x6: {  	s20 =	simm.s32 $0x400;
	s21 =	simm.s32 $0x480;
	s4 =	smul.u32 $0x5000, s0  }
0x7: {  	s22 =	simm.s32 $0x500;
	s23 =	simm.s32 $0x580;
	s25 =	smul.u32 $0x13C00, s0  }
0x8: {  	s24 =	simm.s32 $0x600;
	s1 =	sand.u32 $0x1, s1;
	s8 =	smul.u32 $0x4F000, s0  }
0x9: {  	s28 =	simm.s32 $0x780;
	s29 =	simm.s32 $0x0;
	s5 =	smul.u32 $0x2800, s1  }
0xa: {  	[smem:$0x7FF] =	sst s3;
	s7 =	smul.u32 $0x13C000, s1;
	s1 =	ssub.s32 $0x2, s1  }
0xb: {  	s31 =	sshll.u32 s0, $0x6;
	_ =	strace $0x80000047;
	s26 =	sshrl.u32 s1, $0x1  }
0xc: {  	s30 =	sshrl.u32 s8, $0x2;
	s4 =	sadd.s32 s5, s4;
	s5 =	sadd.s32 s25, s7  }
0xd: {  	s1 =	ssub.s32 s1, s26;
	s10 =	sadd.s32 s30, s2;
	s25 =	simm.s32 $0x680  }
0xe: {  	s26 =	simm.s32 $0x700;
	s4 =	sshrl.u32 s4, $0x3;
	s7 =	sshrl.u32 s5, $0x3  }
0xf: {  	s5 =	sadd.s32 $0x10200, s6;
	s8 =	smax.u32 s1, $0x1;
	s10 =	sshrl.u32 s10, $0x3  }
0x10: {  	s9 =	sadd.s32 s4, s6;
	s4 =	sadd.s32 $0xDA00, s6;
	s7 =	sadd.s32 s7, s6  }
0x11: {  	s6 =	sor.u32 $0x1C01, s31;
	s7 =	sadd.s32 $0x10A00, s7;
	s9 =	sadd.s32 $0x3A00, s9  }
.LBB2_1:
0x12: {  	[spmem:s10], [sflag:s6] =	dma.local [hbm:s4], $0x2780  }
0x13: {  	_ =	swait.ge [sflag:s11], $0x2780  }
0x14: {  	[sflag:s11] =	ssyncset.done $0x0  }
0x15: {  	[sflag:s11] =	ssyncadd.s32 $0xFFFFD880  }
0x16: {  	[tilespmem:s12], [sflag:$0x1] =	stream.linear.gather [hbm4b:s5+s3], $0x4000, $0x38;
	[tilespmem:$0x18400] =	vst v63  }
0x17: {  	_ =	swait.ge [sflag:s11], $0x4000  }
0x18: {  	[sflag:s11] =	ssyncset.done $0x0  }
0x19: {  	[sflag:s11] =	ssyncadd.s32 $0xFFFFC000  }
0x1a: {  	s1 =	sadd.s32 $0x0, s9;
	[bflag:$0x0] =	sbarrier.arrive $0xFFFF  }
0x1b: {  	[tilespmem:s3], [sflag:$0x1] =	stream.linear.gather [hbm4b:s1+s3], $0x800, $0x38;
	[tilespmem:$0x18400] =	vst v63  }
0x1c: {  	_ =	swait.ge [sflag:s11], $0x800  }
0x1d: {  	[sflag:s11] =	ssyncset.done $0x0  }
0x1e: {  	[sflag:s11] =	ssyncadd.s32 $0xFFFFF800  }
0x1f: {  	[spmem:s2] =	stream.indirect.scatter.add.f32 [tilespmem:s12], [sflag:$0x1], $0x80, s3, s13, $0xb8;
	[tilespmem:$0x18400] =	vst v63  }
0x20: {  	_ =	swait.ge [sflag:s11], $0x4000  }
0x21: {  	[sflag:s11] =	ssyncset.done $0x0  }
0x22: {  	[sflag:s11] =	ssyncadd.s32 $0xFFFFC000  }
0x23: {  	[spmem:s2] =	stream.indirect.scatter.add.f32 [tilespmem:s12], [sflag:$0x1], $0x80, s13, s13, $0xb8;
	[tilespmem:$0x18400] =	vst v63  }
0x24: {  	_ =	swait.ge [sflag:s11], $0x4000  }
0x25: {  	[sflag:s11] =	ssyncset.done $0x0  }
0x26: {  	[sflag:s11] =	ssyncadd.s32 $0xFFFFC000  }
0x27: {  	[spmem:s2] =	stream.indirect.scatter.add.f32 [tilespmem:s12], [sflag:$0x1], $0x80, s14, s13, $0xb8;
	[tilespmem:$0x18400] =	vst v63  }
0x28: {  	_ =	swait.ge [sflag:s11], $0x4000  }
0x29: {  	[sflag:s11] =	ssyncset.done $0x0  }
0x2a: {  	[sflag:s11] =	ssyncadd.s32 $0xFFFFC000  }
0x2b: {  	[spmem:s2] =	stream.indirect.scatter.add.f32 [tilespmem:s12], [sflag:$0x1], $0x80, s15, s13, $0xb8;
	[tilespmem:$0x18400] =	vst v63  }
0x2c: {  	_ =	swait.ge [sflag:s11], $0x4000  }
0x2d: {  	[sflag:s11] =	ssyncset.done $0x0  }
0x2e: {  	[sflag:s11] =	ssyncadd.s32 $0xFFFFC000  }
0x2f: {  	[spmem:s2] =	stream.indirect.scatter.add.f32 [tilespmem:s12], [sflag:$0x1], $0x80, s16, s13, $0xb8;
	[tilespmem:$0x18400] =	vst v63  }
0x30: {  	_ =	swait.ge [sflag:s11], $0x4000  }
0x31: {  	[sflag:s11] =	ssyncset.done $0x0  }
0x32: {  	[sflag:s11] =	ssyncadd.s32 $0xFFFFC000  }
0x33: {  	[spmem:s2] =	stream.indirect.scatter.add.f32 [tilespmem:s12], [sflag:$0x1], $0x80, s17, s13, $0xb8;
	[tilespmem:$0x18400] =	vst v63  }
0x34: {  	_ =	swait.ge [sflag:s11], $0x4000  }
0x35: {  	[sflag:s11] =	ssyncset.done $0x0  }
0x36: {  	[sflag:s11] =	ssyncadd.s32 $0xFFFFC000  }
0x37: {  	[spmem:s2] =	stream.indirect.scatter.add.f32 [tilespmem:s12], [sflag:$0x1], $0x80, s18, s13, $0xb8;
	[tilespmem:$0x18400] =	vst v63  }
0x38: {  	_ =	swait.ge [sflag:s11], $0x4000  }
0x39: {  	[sflag:s11] =	ssyncset.done $0x0  }
0x3a: {  	[sflag:s11] =	ssyncadd.s32 $0xFFFFC000  }
0x3b: {  	[spmem:s2] =	stream.indirect.scatter.add.f32 [tilespmem:s12], [sflag:$0x1], $0x80, s19, s13, $0xb8;
	[tilespmem:$0x18400] =	vst v63  }
0x3c: {  	_ =	swait.ge [sflag:s11], $0x4000  }
0x3d: {  	[sflag:s11] =	ssyncset.done $0x0  }
0x3e: {  	[sflag:s11] =	ssyncadd.s32 $0xFFFFC000  }
0x3f: {  	[spmem:s2] =	stream.indirect.scatter.add.f32 [tilespmem:s12], [sflag:$0x1], $0x80, s20, s13, $0xb8;
	[tilespmem:$0x18400] =	vst v63  }
0x40: {  	_ =	swait.ge [sflag:s11], $0x4000  }
0x41: {  	[sflag:s11] =	ssyncset.done $0x0  }
0x42: {  	[sflag:s11] =	ssyncadd.s32 $0xFFFFC000  }
0x43: {  	[spmem:s2] =	stream.indirect.scatter.add.f32 [tilespmem:s12], [sflag:$0x1], $0x80, s21, s13, $0xb8;
	[tilespmem:$0x18400] =	vst v63  }
0x44: {  	_ =	swait.ge [sflag:s11], $0x4000  }
0x45: {  	[sflag:s11] =	ssyncset.done $0x0  }
0x46: {  	[sflag:s11] =	ssyncadd.s32 $0xFFFFC000  }
0x47: {  	[spmem:s2] =	stream.indirect.scatter.add.f32 [tilespmem:s12], [sflag:$0x1], $0x80, s22, s13, $0xb8;
	[tilespmem:$0x18400] =	vst v63  }
0x48: {  	_ =	swait.ge [sflag:s11], $0x4000  }
0x49: {  	[sflag:s11] =	ssyncset.done $0x0  }
0x4a: {  	[sflag:s11] =	ssyncadd.s32 $0xFFFFC000  }
0x4b: {  	[spmem:s2] =	stream.indirect.scatter.add.f32 [tilespmem:s12], [sflag:$0x1], $0x80, s23, s13, $0xb8;
	[tilespmem:$0x18400] =	vst v63  }
0x4c: {  	_ =	swait.ge [sflag:s11], $0x4000  }
0x4d: {  	[sflag:s11] =	ssyncset.done $0x0  }
0x4e: {  	[sflag:s11] =	ssyncadd.s32 $0xFFFFC000  }
0x4f: {  	[spmem:s2] =	stream.indirect.scatter.add.f32 [tilespmem:s12], [sflag:$0x1], $0x80, s24, s13, $0xb8;
	[tilespmem:$0x18400] =	vst v63  }
0x50: {  	_ =	swait.ge [sflag:s11], $0x4000  }
0x51: {  	[sflag:s11] =	ssyncset.done $0x0  }
0x52: {  	[sflag:s11] =	ssyncadd.s32 $0xFFFFC000  }
0x53: {  	[spmem:s2] =	stream.indirect.scatter.add.f32 [tilespmem:s12], [sflag:$0x1], $0x80, s25, s13, $0xb8;
	[tilespmem:$0x18400] =	vst v63  }
0x54: {  	_ =	swait.ge [sflag:s11], $0x4000  }
0x55: {  	[sflag:s11] =	ssyncset.done $0x0  }
0x56: {  	[sflag:s11] =	ssyncadd.s32 $0xFFFFC000  }
0x57: {  	[spmem:s2] =	stream.indirect.scatter.add.f32 [tilespmem:s12], [sflag:$0x1], $0x80, s26, s13, $0xb8;
	[tilespmem:$0x18400] =	vst v63  }
0x58: {  	_ =	swait.ge [sflag:s11], $0x4000  }
0x59: {  	[sflag:s11] =	ssyncset.done $0x0  }
0x5a: {  	[sflag:s11] =	ssyncadd.s32 $0xFFFFC000  }
0x5b: {  	[spmem:s2] =	stream.indirect.scatter.add.f32 [tilespmem:s12], [sflag:$0x1], $0x80, s28, s13, $0xb8;
	[tilespmem:$0x18400] =	vst v63  }
0x5c: {  	_ =	swait.ge [sflag:s11], $0x4000  }
0x5d: {  	s30 =	simm.s32 $0x100;
	s31 =	simm.s32 $0x200;
	[sflag:s11] =	ssyncset.done $0x0  }
.LBB2_2:
0x5e: {  	s0 =	sadd.s32 s30, s9  }
0x5f: {  	[sflag:s11] =	ssyncadd.s32 $0xFFFFC000;
	s30 =	smov.u32 s31;
	s1 =	sadd.s32 $0x100, s31  }
0x60: {  	[tilespmem:s3], [sflag:$0x1] =	stream.linear.gather [hbm4b:s0+s3], $0x800, $0x38;
	[tilespmem:$0x18400] =	vst v63  }
0x61: {  	p0 =	sne.s32 s31, $0x400;
	_ =	swait.ge [sflag:s11], $0x800  }
0x62: {  	[sflag:s11] =	ssyncset.done $0x0  }
0x63: {  	[sflag:s11] =	ssyncadd.s32 $0xFFFFF800  }
0x64: {  	[spmem:s2] =	stream.indirect.scatter.add.f32 [tilespmem:s12], [sflag:$0x1], $0x80, s3, s13, $0xb8;
	[tilespmem:$0x18400] =	vst v63  }
0x65: {  	_ =	swait.ge [sflag:s11], $0x4000  }
0x66: {  	[sflag:s11] =	ssyncset.done $0x0  }
0x67: {  	[sflag:s11] =	ssyncadd.s32 $0xFFFFC000  }
0x68: {  	[spmem:s2] =	stream.indirect.scatter.add.f32 [tilespmem:s12], [sflag:$0x1], $0x80, s13, s13, $0xb8;
	[tilespmem:$0x18400] =	vst v63  }
0x69: {  	_ =	swait.ge [sflag:s11], $0x4000  }
0x6a: {  	[sflag:s11] =	ssyncset.done $0x0  }
0x6b: {  	[sflag:s11] =	ssyncadd.s32 $0xFFFFC000  }
0x6c: {  	[spmem:s2] =	stream.indirect.scatter.add.f32 [tilespmem:s12], [sflag:$0x1], $0x80, s14, s13, $0xb8;
	[tilespmem:$0x18400] =	vst v63  }
0x6d: {  	_ =	swait.ge [sflag:s11], $0x4000  }
0x6e: {  	[sflag:s11] =	ssyncset.done $0x0  }
0x6f: {  	[sflag:s11] =	ssyncadd.s32 $0xFFFFC000  }
0x70: {  	[spmem:s2] =	stream.indirect.scatter.add.f32 [tilespmem:s12], [sflag:$0x1], $0x80, s15, s13, $0xb8;
	[tilespmem:$0x18400] =	vst v63  }
0x71: {  	_ =	swait.ge [sflag:s11], $0x4000  }
0x72: {  	[sflag:s11] =	ssyncset.done $0x0  }
0x73: {  	[sflag:s11] =	ssyncadd.s32 $0xFFFFC000  }
0x74: {  	[spmem:s2] =	stream.indirect.scatter.add.f32 [tilespmem:s12], [sflag:$0x1], $0x80, s16, s13, $0xb8;
	[tilespmem:$0x18400] =	vst v63  }
0x75: {  	_ =	swait.ge [sflag:s11], $0x4000  }
0x76: {  	[sflag:s11] =	ssyncset.done $0x0  }
0x77: {  	[sflag:s11] =	ssyncadd.s32 $0xFFFFC000  }
0x78: {  	[spmem:s2] =	stream.indirect.scatter.add.f32 [tilespmem:s12], [sflag:$0x1], $0x80, s17, s13, $0xb8;
	[tilespmem:$0x18400] =	vst v63  }
0x79: {  	_ =	swait.ge [sflag:s11], $0x4000  }
0x7a: {  	[sflag:s11] =	ssyncset.done $0x0  }
0x7b: {  	[sflag:s11] =	ssyncadd.s32 $0xFFFFC000  }
0x7c: {  	[spmem:s2] =	stream.indirect.scatter.add.f32 [tilespmem:s12], [sflag:$0x1], $0x80, s18, s13, $0xb8;
	[tilespmem:$0x18400] =	vst v63  }
0x7d: {  	_ =	swait.ge [sflag:s11], $0x4000  }
0x7e: {  	[sflag:s11] =	ssyncset.done $0x0  }
0x7f: {  	[sflag:s11] =	ssyncadd.s32 $0xFFFFC000  }
0x80: {  	[spmem:s2] =	stream.indirect.scatter.add.f32 [tilespmem:s12], [sflag:$0x1], $0x80, s19, s13, $0xb8;
	[tilespmem:$0x18400] =	vst v63  }
0x81: {  	_ =	swait.ge [sflag:s11], $0x4000  }
0x82: {  	[sflag:s11] =	ssyncset.done $0x0  }
0x83: {  	[sflag:s11] =	ssyncadd.s32 $0xFFFFC000  }
0x84: {  	[spmem:s2] =	stream.indirect.scatter.add.f32 [tilespmem:s12], [sflag:$0x1], $0x80, s20, s13, $0xb8;
	[tilespmem:$0x18400] =	vst v63  }
0x85: {  	_ =	swait.ge [sflag:s11], $0x4000  }
0x86: {  	[sflag:s11] =	ssyncset.done $0x0  }
0x87: {  	[sflag:s11] =	ssyncadd.s32 $0xFFFFC000  }
0x88: {  	[spmem:s2] =	stream.indirect.scatter.add.f32 [tilespmem:s12], [sflag:$0x1], $0x80, s21, s13, $0xb8;
	[tilespmem:$0x18400] =	vst v63  }
0x89: {  	_ =	swait.ge [sflag:s11], $0x4000  }
0x8a: {  	[sflag:s11] =	ssyncset.done $0x0  }
0x8b: {  	[sflag:s11] =	ssyncadd.s32 $0xFFFFC000  }
0x8c: {  	[spmem:s2] =	stream.indirect.scatter.add.f32 [tilespmem:s12], [sflag:$0x1], $0x80, s22, s13, $0xb8;
	[tilespmem:$0x18400] =	vst v63  }
0x8d: {  	_ =	swait.ge [sflag:s11], $0x4000  }
0x8e: {  	[sflag:s11] =	ssyncset.done $0x0  }
0x8f: {  	[sflag:s11] =	ssyncadd.s32 $0xFFFFC000  }
0x90: {  	[spmem:s2] =	stream.indirect.scatter.add.f32 [tilespmem:s12], [sflag:$0x1], $0x80, s23, s13, $0xb8;
	[tilespmem:$0x18400] =	vst v63  }
0x91: {  	_ =	swait.ge [sflag:s11], $0x4000  }
0x92: {  	[sflag:s11] =	ssyncset.done $0x0  }
0x93: {  	[sflag:s11] =	ssyncadd.s32 $0xFFFFC000  }
0x94: {  	[spmem:s2] =	stream.indirect.scatter.add.f32 [tilespmem:s12], [sflag:$0x1], $0x80, s24, s13, $0xb8;
	[tilespmem:$0x18400] =	vst v63  }
0x95: {  	_ =	swait.ge [sflag:s11], $0x4000  }
0x96: {  	[sflag:s11] =	ssyncset.done $0x0  }
0x97: {  	[sflag:s11] =	ssyncadd.s32 $0xFFFFC000  }
0x98: {  	[spmem:s2] =	stream.indirect.scatter.add.f32 [tilespmem:s12], [sflag:$0x1], $0x80, s25, s13, $0xb8;
	[tilespmem:$0x18400] =	vst v63  }
0x99: {  	_ =	swait.ge [sflag:s11], $0x4000  }
0x9a: {  	[sflag:s11] =	ssyncset.done $0x0  }
0x9b: {  	[sflag:s11] =	ssyncadd.s32 $0xFFFFC000  }
0x9c: {  	[spmem:s2] =	stream.indirect.scatter.add.f32 [tilespmem:s12], [sflag:$0x1], $0x80, s26, s13, $0xb8;
	[tilespmem:$0x18400] =	vst v63  }
0x9d: {  	_ =	swait.ge [sflag:s11], $0x4000  }
.Ltmp0:
0x9e: {  	[sflag:s11] =	ssyncset.done $0x0;
	(pc) =	sbr.rel @p0 .LBB2_2-.Ltmp0, $4  }
0x9f: {  	[sflag:s11] =	ssyncadd.s32 $0xFFFFC000  }
0xa0: {  	[spmem:s2] =	stream.indirect.scatter.add.f32 [tilespmem:s12], [sflag:$0x1], $0x80, s28, s13, $0xb8;
	[tilespmem:$0x18400] =	vst v63  }
0xa1: {  	_ =	swait.ge [sflag:s11], $0x4000  }
0xa2: {  	s31 =	smov.u32 s1;
	[sflag:s11] =	ssyncset.done $0x0  }
0xa3: {  	s0 =	sadd.s32 s30, s9;
	[sflag:s11] =	ssyncadd.s32 $0xFFFFC000  }
0xa4: {  	[tilespmem:s3], [sflag:$0x1] =	stream.linear.gather [hbm4b:s0+s3], $0x800, $0x38;
	[tilespmem:$0x18400] =	vst v63  }
0xa5: {  	_ =	swait.ge [sflag:s11], $0x800  }
0xa6: {  	[sflag:s11] =	ssyncset.done $0x0  }
0xa7: {  	[sflag:s11] =	ssyncadd.s32 $0xFFFFF800  }
0xa8: {  	[spmem:s2] =	stream.indirect.scatter.add.f32 [tilespmem:s12], [sflag:$0x1], $0x80, s3, s13, $0xb8;
	[tilespmem:$0x18400] =	vst v63  }
0xa9: {  	_ =	swait.ge [sflag:s11], $0x4000  }
0xaa: {  	[sflag:s11] =	ssyncset.done $0x0  }
0xab: {  	[sflag:s11] =	ssyncadd.s32 $0xFFFFC000  }
0xac: {  	[spmem:s2] =	stream.indirect.scatter.add.f32 [tilespmem:s12], [sflag:$0x1], $0x80, s13, s13, $0xb8;
	[tilespmem:$0x18400] =	vst v63  }
0xad: {  	_ =	swait.ge [sflag:s11], $0x4000  }
0xae: {  	[sflag:s11] =	ssyncset.done $0x0  }
0xaf: {  	[sflag:s11] =	ssyncadd.s32 $0xFFFFC000  }
0xb0: {  	[spmem:s2] =	stream.indirect.scatter.add.f32 [tilespmem:s12], [sflag:$0x1], $0x80, s14, s13, $0xb8;
	[tilespmem:$0x18400] =	vst v63  }
0xb1: {  	_ =	swait.ge [sflag:s11], $0x4000  }
0xb2: {  	[sflag:s11] =	ssyncset.done $0x0  }
0xb3: {  	[sflag:s11] =	ssyncadd.s32 $0xFFFFC000  }
0xb4: {  	[spmem:s2] =	stream.indirect.scatter.add.f32 [tilespmem:s12], [sflag:$0x1], $0x80, s15, s13, $0xb8;
	[tilespmem:$0x18400] =	vst v63  }
0xb5: {  	_ =	swait.ge [sflag:s11], $0x4000  }
0xb6: {  	[sflag:s11] =	ssyncset.done $0x0  }
0xb7: {  	[sflag:s11] =	ssyncadd.s32 $0xFFFFC000  }
0xb8: {  	[spmem:s2] =	stream.indirect.scatter.add.f32 [tilespmem:s12], [sflag:$0x1], $0x80, s16, s13, $0xb8;
	[tilespmem:$0x18400] =	vst v63  }
0xb9: {  	_ =	swait.ge [sflag:s11], $0x4000  }
0xba: {  	[sflag:s11] =	ssyncset.done $0x0  }
0xbb: {  	[sflag:s11] =	ssyncadd.s32 $0xFFFFC000  }
0xbc: {  	[spmem:s2] =	stream.indirect.scatter.add.f32 [tilespmem:s12], [sflag:$0x1], $0x80, s17, s13, $0xb8;
	[tilespmem:$0x18400] =	vst v63  }
0xbd: {  	_ =	swait.ge [sflag:s11], $0x4000  }
0xbe: {  	[sflag:s11] =	ssyncset.done $0x0  }
0xbf: {  	[sflag:s11] =	ssyncadd.s32 $0xFFFFC000  }
0xc0: {  	[spmem:s2] =	stream.indirect.scatter.add.f32 [tilespmem:s12], [sflag:$0x1], $0x80, s18, s13, $0xb8;
	[tilespmem:$0x18400] =	vst v63  }
0xc1: {  	_ =	swait.ge [sflag:s11], $0x4000  }
0xc2: {  	[sflag:s11] =	ssyncset.done $0x0  }
0xc3: {  	[sflag:s11] =	ssyncadd.s32 $0xFFFFC000  }
0xc4: {  	[spmem:s2] =	stream.indirect.scatter.add.f32 [tilespmem:s12], [sflag:$0x1], $0x80, s19, s13, $0xb8;
	[tilespmem:$0x18400] =	vst v63  }
0xc5: {  	_ =	swait.ge [sflag:s11], $0x4000  }
0xc6: {  	[sflag:s11] =	ssyncset.done $0x0  }
0xc7: {  	[sflag:s11] =	ssyncadd.s32 $0xFFFFC000  }
0xc8: {  	[spmem:s2] =	stream.indirect.scatter.add.f32 [tilespmem:s12], [sflag:$0x1], $0x80, s20, s13, $0xb8;
	[tilespmem:$0x18400] =	vst v63  }
0xc9: {  	_ =	swait.ge [sflag:s11], $0x4000  }
0xca: {  	[sflag:s11] =	ssyncset.done $0x0  }
0xcb: {  	[sflag:s11] =	ssyncadd.s32 $0xFFFFC000  }
0xcc: {  	[spmem:s2] =	stream.indirect.scatter.add.f32 [tilespmem:s12], [sflag:$0x1], $0x80, s21, s13, $0xb8;
	[tilespmem:$0x18400] =	vst v63  }
0xcd: {  	_ =	swait.ge [sflag:s11], $0x4000  }
0xce: {  	[sflag:s11] =	ssyncset.done $0x0  }
0xcf: {  	[sflag:s11] =	ssyncadd.s32 $0xFFFFC000  }
0xd0: {  	[spmem:s2] =	stream.indirect.scatter.add.f32 [tilespmem:s12], [sflag:$0x1], $0x80, s22, s13, $0xb8;
	[tilespmem:$0x18400] =	vst v63  }
0xd1: {  	_ =	swait.ge [sflag:s11], $0x4000  }
0xd2: {  	[sflag:s11] =	ssyncset.done $0x0  }
0xd3: {  	[sflag:s11] =	ssyncadd.s32 $0xFFFFC000  }
0xd4: {  	[spmem:s2] =	stream.indirect.scatter.add.f32 [tilespmem:s12], [sflag:$0x1], $0x80, s23, s13, $0xb8;
	[tilespmem:$0x18400] =	vst v63  }
0xd5: {  	_ =	swait.ge [sflag:s11], $0x4000  }
0xd6: {  	[sflag:s11] =	ssyncset.done $0x0  }
0xd7: {  	[sflag:s11] =	ssyncadd.s32 $0xFFFFC000  }
0xd8: {  	[spmem:s2] =	stream.indirect.scatter.add.f32 [tilespmem:s12], [sflag:$0x1], $0x80, s24, s13, $0xb8;
	[tilespmem:$0x18400] =	vst v63  }
0xd9: {  	_ =	swait.ge [sflag:s11], $0x4000  }
0xda: {  	[sflag:s11] =	ssyncset.done $0x0  }
0xdb: {  	[sflag:s11] =	ssyncadd.s32 $0xFFFFC000  }
0xdc: {  	[spmem:s2] =	stream.indirect.scatter.add.f32 [tilespmem:s12], [sflag:$0x1], $0x80, s25, s13, $0xb8;
	[tilespmem:$0x18400] =	vst v63  }
0xdd: {  	_ =	swait.ge [sflag:s11], $0x4000  }
0xde: {  	[sflag:s11] =	ssyncset.done $0x0  }
0xdf: {  	[sflag:s11] =	ssyncadd.s32 $0xFFFFC000  }
0xe0: {  	[spmem:s2] =	stream.indirect.scatter.add.f32 [tilespmem:s12], [sflag:$0x1], $0x80, s26, s13, $0xb8;
	[tilespmem:$0x18400] =	vst v63  }
0xe1: {  	_ =	swait.ge [sflag:s11], $0x4000  }
0xe2: {  	[sflag:s11] =	ssyncset.done $0x0  }
0xe3: {  	[sflag:s11] =	ssyncadd.s32 $0xFFFFC000  }
0xe4: {  	[spmem:s2] =	stream.indirect.scatter.add.f32 [tilespmem:s12], [sflag:$0x1], $0x80, s28, s13, $0xb8;
	[tilespmem:$0x18400] =	vst v63  }
0xe5: {  	_ =	swait.ge [sflag:s11], $0x4000  }
0xe6: {  	s29 =	sadd.s32 $0x1, s29;
	[sflag:s11] =	ssyncset.done $0x0  }
0xe7: {  	p0 =	sne.s32 s29, s8;
	[sflag:s11] =	ssyncadd.s32 $0xFFFFC000  }
.Ltmp1:
0xe8: {  	[bflag:$0x0] =	sbarrier.arrive $0xFFFF;
	(pc) =	sbr.rel @p0 .LBB2_1-.Ltmp1, $4  }
0xe9: {  	[hbm:s7], [sflag:s6] =	dma.local [spmem:s10], $0x2780  }
0xea: {  	_ =	swait.ge [sflag:s11], $0x2780  }
0xeb: {  	[sflag:s11] =	ssyncset.done $0x0  }
0xec: {  	[sflag:s11] =	ssyncadd.s32 $0xFFFFD880  }
0xed: {  	_ =	sfence.sel $0x180000  }
0xee: {  	[bflag:$0x0] =	sbarrier.arrive $0xFFFF  }
0xef: {  	_ =	strace $0x90000047  }
0xf0: {  	s0 =	stileid.u32;
	[bflag:$0x2] =	sbarrier.arrive $0xFFFF  }
0xf1: {  	p0 =	sne.s32 s0, $0x0;
	s0 =	rddreg [dreg:$0x2]  }
0xf2: {  	s0 =	sadd.s32 @!p0 $0x100000, s0  }
0xf3: {  	[sflag:s0] =	ssyncadd.tile.s32 @!p0 $0x1;
	_ =	shalt  }
.Lfunc_end2:
_tile_overlayer_lowered:
.L_overlay_start_2:
0xf4: {  	(tag) =	ssettag $0x2  }
0xf5: {  	s0 =	rddreg [dreg:$0x0];
	s2 =	stileid.u32  }
0xf6: {  	s1 =	rddreg [dreg:$0x1];
	p0 =	sne.s32 s2, $0x0  }
0xf7: {  	s3 =	rddreg [dreg:$0x2];
	[bflag:$0x3] =	sbarrier.arrive $0xFFFF;
	s2 =	simm.s32 @!p0 $0x1C01  }
0xf8: {  	[timem:s3], [sflag:s2] =	dma.local @!p0 [hbm:s0], s1  }
0xf9: {  	s0 =	simm.s32 @!p0 $0x1  }
0xfa: {  	_ =	swait.ge @!p0 [sflag:s0], s1  }
0xfb: {  	s1 =	ssub.s32 @!p0 $0x0, s1;
	[sflag:s0] =	ssyncset.done @!p0 $0x0  }
0xfc: {  	[sflag:s0] =	ssyncadd.s32 @!p0 s1  }
0xfd: {  	[bflag:$0x3] =	sbarrier.arrive $0xFFFF  }
0xfe: {  	_ =	shalt  }

// kernel: kernel.15.cloned.1.call-start
scs
__scs_entry_jumppad:
0x0: {  	(pc) =	sbr.rel $0x88, $3  }
0x1: {  	(tag) =	ssettag $0x0;
	lr =	simm.s32 $0x1  }
0x2: {  	[smem:$0x3F88] =	sst lr;
	_ =	strace $0xD0000000  }
0x3: {  	_ = 	snop  }
0x4: {  	_ = 	snop  }
0x5: {  	_ = 	snop  }
0x6: {  	_ = 	snop  }
0x7: {  	_ = 	snop  }
__scs_overlays_trampoline_lowered:
0x8: {  	[smem:$0x3F97] =	sst s0  }
0x9: {  	[smem:$0x3F98] =	sst s1  }
0xa: {  	[smem:$0x3F99] =	sst s2  }
0xb: {  	[smem:$0x3F9A] =	sst s3  }
0xc: {  	[smem:$0x3F9B] =	sst s4  }
0xd: {  	[smem:$0x3F9C] =	sst s5  }
0xe: {  	[smem:$0x3F9D] =	sst s6  }
0xf: {  	[smem:$0x3F9E] =	sst s7  }
0x10: {  	[smem:$0x3F9F] =	sst s8  }
0x11: {  	[smem:$0x3FA0] =	sst s9;
	s0 =	simm.s32 @!p0 $0x0  }
0x12: {  	s1 =	sld [smem:$0x3F86];
	s0 =	simm.s32 @p0 $0x1  }
0x13: {  	[smem:$0x3FA1] =	sst s0;
	s0 =	simm.s32 @!p1 $0x0  }
0x14: {  	s2 =	sld [smem:$0x3F85];
	s0 =	simm.s32 @p1 $0x1  }
0x15: {  	[smem:$0x3FA2] =	sst s0;
	s0 =	simm.s32 @!p2 $0x0  }
0x16: {  	s3 =	sld [smem:$0x3FDB];
	s0 =	simm.s32 @p2 $0x1  }
0x17: {  	s4 =	simm.s32 $0x1BF5;
	[smem:$0x3FA4] =	sst s0  }
0x18: {  	s0 =	sld [smem:$0x3F87];
	_ =	swait.ge [sflag:s4], $0x0  }
0x19: {  	s7 =	sld [smem:$0x3F88]  }
0x1a: {  	s8 =	sadd.s32 $0xFFFFE003, lr  }
0x1b: {  	s9 =	sadd.s32 $0xFFFFFEF7, lr;
	s5 =	simm.s32 $0xFFFFFFFF;
	p2 =	slt.u32 s8, $0xFFFFF086  }
0x1c: {  	p1 =	slt.u32 s9, $0xF7A;
	s5 =	simm.s32 @!p2 $0x0  }
0x1d: {  	s5 =	simm.s32 @p1 $0x1;
	p0 =	seq.s32 s7, s2  }
0x1e: {  	s7 =	smul.u32 @!p0 $0xF7A, s2;
	p2 =	seq.s32 @!p0 s5, $0x0  }
0x1f: {  	s9 =	smul.u32 $0xF7A, s1;
	s8 =	simm.s32 @!p0 $0x1BF5;
	p2 =	por !p2, p0  }
0x20: {  	[sflag:s8] =	ssyncset.s32 @!p0 $0xFFFFF086;
	s6 =	sadd.s32 @!p0 s3, s7;
	s7 =	simm.s32 @!p0 $0x108  }
0x21: {  	s3 =	sadd.s32 s3, s9;
	s6 =	sadd.s32 @!p0 $0x88, s6;
	s7 =	simm.s32 @p2 $0x1082  }
0x22: {  	[simem:s7], [sflag:s8] =	dma.local @!p0 [hbm:s6], $0xF7A  }
0x23: {  	s9 =	sor.u32 $0xD0000000, s2;
	s6 =	simm.s32 $0x108;
	_ =	swait.ge @!p0 [sflag:s8], $0x0  }
0x24: {  	s3 =	sadd.s32 $0x88, s3;
	s6 =	simm.s32 @!p1 $0x1082;
	[sflag:s4] =	ssyncset.s32 $0xFFFFF086  }
0x25: {  	[simem:s6], [sflag:s4] =	dma.local [hbm:s3], $0xF7A  }
0x26: {  	[smem:$0x3F88] =	sst s1;
	(tag) =	ssettag s2;
	_ =	strace s9  }
0x27: {  	s1 =	sld [smem:$0x3F98]  }
0x28: {  	s2 =	sld [smem:$0x3F99]  }
0x29: {  	s4 =	sld [smem:$0x3F9B]  }
0x2a: {  	p0 =	seq.s32 s5, $0x0;
	s5 =	sld [smem:$0x3F9C]  }
0x2b: {  	s6 =	sld [smem:$0x3F9D]  }
0x2c: {  	s7 =	sld [smem:$0x3F9E]  }
0x2d: {  	s3 =	simm.s32 $0x108;
	s8 =	sld [smem:$0x3F9F]  }
0x2e: {  	s3 =	simm.s32 @!p0 $0x1082;
	s9 =	sld [smem:$0x3FA0]  }
0x2f: {  	lr =	sadd.s32 s0, s3;
	s0 =	sld [smem:$0x3F97]  }
0x30: {  	s3 =	sld [smem:$0x3F9A]  }
0x31: {  	[smem:$0x3FA3] =	sst s10  }
0x32: {  	s10 =	sld [smem:$0x3FA1];
	_ =	sdelay $0x3  }
0x33: {  	p0 =	seq.s32 s10, $0x1;
	s10 =	sld [smem:$0x3FA3];
	_ =	sdelay $0x3  }
0x34: {  	[smem:$0x3FA3] =	sst s10  }
0x35: {  	s10 =	sld [smem:$0x3FA2];
	_ =	sdelay $0x3  }
0x36: {  	p1 =	seq.s32 s10, $0x1;
	s10 =	sld [smem:$0x3FA3];
	_ =	sdelay $0x3  }
0x37: {  	[smem:$0x3FA3] =	sst s10  }
0x38: {  	s10 =	sld [smem:$0x3FA4]  }
0x39: {  	_ = 	snop;
	(pc) =	sbr.ind lr, $3  }
0x3a: {  	_ = 	snop  }
0x3b: {  	_ = 	snop  }
0x3c: {  	p2 =	seq.s32 s10, $0x1;
	s10 =	sld [smem:$0x3FA3]  }
0x3d: {  	_ =	shalt  }
0x3e: {  	_ =	shalt  }
0x3f: {  	_ =	shalt  }
0x40: {  	_ =	shalt  }
0x41: {  	_ =	shalt  }
0x42: {  	_ =	shalt  }
0x43: {  	_ =	shalt  }
0x44: {  	_ =	shalt  }
0x45: {  	_ =	shalt  }
0x46: {  	_ =	shalt  }
0x47: {  	_ =	shalt  }
0x48: {  	_ =	shalt  }
0x49: {  	_ =	shalt  }
0x4a: {  	_ =	shalt  }
0x4b: {  	_ =	shalt  }
0x4c: {  	_ =	shalt  }
0x4d: {  	_ =	shalt  }
0x4e: {  	_ =	shalt  }
0x4f: {  	_ =	shalt  }
0x50: {  	_ =	shalt  }
0x51: {  	_ =	shalt  }
0x52: {  	_ =	shalt  }
0x53: {  	_ =	shalt  }
0x54: {  	_ =	shalt  }
0x55: {  	_ =	shalt  }
0x56: {  	_ =	shalt  }
0x57: {  	_ =	shalt  }
0x58: {  	_ =	shalt  }
0x59: {  	_ =	shalt  }
0x5a: {  	_ =	shalt  }
0x5b: {  	_ =	shalt  }
0x5c: {  	_ =	shalt  }
0x5d: {  	_ =	shalt  }
0x5e: {  	_ =	shalt  }
0x5f: {  	_ =	shalt  }
0x60: {  	_ =	shalt  }
0x61: {  	_ =	shalt  }
0x62: {  	_ =	shalt  }
0x63: {  	_ =	shalt  }
0x64: {  	_ =	shalt  }
0x65: {  	_ =	shalt  }
0x66: {  	_ =	shalt  }
0x67: {  	_ =	shalt  }
0x68: {  	_ =	shalt  }
0x69: {  	_ =	shalt  }
0x6a: {  	_ =	shalt  }
0x6b: {  	_ =	shalt  }
0x6c: {  	_ =	shalt  }
0x6d: {  	_ =	shalt  }
0x6e: {  	_ =	shalt  }
0x6f: {  	_ =	shalt  }
0x70: {  	_ =	shalt  }
0x71: {  	_ =	shalt  }
0x72: {  	_ =	shalt  }
0x73: {  	_ =	shalt  }
0x74: {  	_ =	shalt  }
0x75: {  	_ =	shalt  }
0x76: {  	_ =	shalt  }
0x77: {  	_ =	shalt  }
0x78: {  	_ =	shalt  }
0x79: {  	_ =	shalt  }
0x7a: {  	_ =	shalt  }
0x7b: {  	_ =	shalt  }
0x7c: {  	_ =	shalt  }
0x7d: {  	_ =	shalt  }
0x7e: {  	_ =	shalt  }
0x7f: {  	_ =	shalt  }
0x80: {  	_ =	shalt  }
0x81: {  	_ =	shalt  }
0x82: {  	_ =	shalt  }
0x83: {  	_ =	shalt  }
0x84: {  	_ =	shalt  }
0x85: {  	_ =	shalt  }
0x86: {  	_ =	shalt  }
0x87: {  	_ =	shalt  }
.Lfunc_end0:
.L_simem_size_0:
called_computation.1_lowered:
.L_overlay_start_0:
0x88: {  	s2 =	sld [smem:$0x3FD9]  }
0x89: {  	s3 =	sld [smem:$0x3FFE];
	_ =	sdelay $0x1  }
0x8a: {  	s1 =	srdreg.scid  }
0x8b: {  	s0 =	sand.u32 $0x1, s1  }
0x8c: {  	s16 =	sshll.u32 s0, $0xA;
	s2 =	sadd.s32 s3, s2  }
0x8d: {  	s2 =	sadd.s32 s2, s16  }
0x8e: {  	[smem:$0x3FAF] =	sst s2  }
0x8f: {  	_ = 	snop  }
0x90: {  	(tm) =	ssettm $0x1  }
0x91: {  	s17 =	sld [smem:$0x3FFB];
	_ =	sdelay $0x3  }
0x92: {  	_ =	strace s17  }
0x93: {  	s2 =	sld [smem:$0x3FFC];
	_ =	sdelay $0x3  }
0x94: {  	_ =	strace s2  }
0x95: {  	s2 =	sld [smem:$0x3FFD];
	_ =	sdelay $0x3  }
0x96: {  	_ =	strace s2  }
0x97: {  	_ =	strace $0x8FFFFFFF  }
0x98: {  	s18 =	sld [smem:$0x3FDB];
	_ =	sdelay $0x1  }
0x99: {  	s19 =	simm.s32 $_scs_section_size  }
0x9a: {  	s4 =	simm.s32 $_size__tile_overlayer_lowered;
	s5 =	simm.s32 $_tile_overlayer_lowered  }
0x9b: {  	s22 =	simm.s32 $0x1BFF;
	s21 =	sshll.u32 s5, $0x1;
	s2 =	sadd.s32 s19, s18  }
0x9c: {  	s6 =	simm.s32 $0x0;
	s20 =	sshll.u32 s4, $0x1;
	s4 =	sadd.s32 s21, s2  }
0x9d: {  	[timem:s6], [sflag:s22] =	dma.local [hbm:s4], s20  }
0x9e: {  	_ =	swait.ge [sflag:s22], s20  }
0x9f: {  	s3 =	ssub.s32 $0x0, s20;
	[sflag:s22] =	ssyncset.done $0x0  }
0xa0: {  	[sflag:s22] =	ssyncadd.s32 s3;
	_ =	sdelay $0x1  }
0xa1: {  	s23 =	simm.s32 $0x1B8B  }
0xa2: {  	_ =	swait.ge [sflag:s23], $0x1  }
0xa3: {  	[sflag:s23] =	ssyncset.done $0x0  }
0xa4: {  	s25 =	simm.s32 $0x1B8E;
	s24 =	sld [smem:$0x3FFE];
	[sflag:s23] =	ssyncadd.s32 $0xFFFFFFFF  }
0xa5: {  	s26 =	simm.s32 $execute0_lowered;
	[smem:$0x3FD2] =	sst s25  }
0xa6: {  	s4 =	sshll.u32 s26, $0x1;
	_ =	strace $0x80000049;
	[dreg:$0x1] =	wrdreg $0xFFFFFFFF  }
0xa7: {  	s28 =	simm.s32 $_size_execute0_lowered;
	s2 =	sadd.s32 s2, s4;
	[dreg:$0x0] =	wrdreg $0x0  }
0xa8: {  	s4 =	sshll.u32 s28, $0x1;
	[dreg:$0x2] =	wrdreg s2  }
0xa9: {  	[dreg:$0x3] =	wrdreg s4  }
0xaa: {  	[dreg:$0x4] =	wrdreg $0xC0  }
0xab: {  	_ =	task [dreg:s6], $0x5FFFF  }
0xac: {  	[dreg:$0x1] =	wrdreg $0xFFFFFFFF  }
0xad: {  	[dreg:$0x0] =	wrdreg $0x60  }
0xae: {  	[dreg:$0x2] =	wrdreg s24  }
0xaf: {  	[dreg:$0x3] =	wrdreg $0x90000  }
0xb0: {  	[dreg:$0x4] =	wrdreg $0x9  }
0xb1: {  	_ =	task.clear_ibuf [dreg:s6], $0x5FFFF;
	_ =	strace $0x90000049  }
0xb2: {  	s29 =	simm.s32 $0x9;
	_ =	strace $0x8000004B  }
0xb3: {  	_ =	swait.ge [sflag:s29], $0x1  }
0xb4: {  	[sflag:s29] =	ssyncadd.s32 $0xFFFFFFFF  }
0xb5: {  	_ =	strace $0x9000004B  }
0xb6: {  	_ =	sfence  }
0xb7: {  	s30 =	sld [smem:$0x0];
	_ =	sdelay $0x2  }
0xb8: {  	s31 =	sshll.u32 s1, $0xD;
	s1 =	sshrl.u32 s1, $0x2  }
0xb9: {  	s3 =	sand.u32 $0x4000, s31;
	s1 =	sadd.s32 s1, s30  }
0xba: {  	s0 =	sor.u32 s3, s0;
	s1 =	sshll.u32 s1, $0x11  }
0xbb: {  	s0 =	sor.u32 s1, s0  }
0xbc: {  	s0 =	sadd.s32 $0x8F2B, s0  }
0xbd: {  	[sflag:s0] =	ssyncadd.remote.s32 $0x1  }
0xbe: {  	_ =	sfence.sel $0xFFFF  }
0xbf: {  	[dreg:$0x0] =	wrdreg $0xFFFFFFFF;
	(pc) =	sbr.abs _section_cstart, $3  }
0xc0: {  	[dreg:$0x1] =	wrdreg $0xFFFFFFFF  }
0xc1: {  	_ =	task.clear_ibuf [dreg:s6], $0x2FFFF;
	_ =	strace $0x9FFFFFFF  }
0xc2: {  	(tm) =	ssettm $0x7FFFFFFF  }
0xc3: {  	_ =	shalt  }
tec
execute0_lowered:
.L_overlay_start_1:
0x0: {  	(tag) =	ssettag $0x1  }
0x1: {  	s0 =	srdreg.scid  }
0x2: {  	s9 =	stileid.u32;
	s1 =	rddreg [dreg:$0x0]  }
0x3: {  	s2 =	rddreg [dreg:$0x1];
	s3 =	simm.s32 $0x0;
	s12 =	simm.s32 $0x880  }
0x4: {  	s14 =	simm.s32 $0x100;
	s15 =	simm.s32 $0x180;
	s16 =	simm.s32 $0x900  }
0x5: {  	s17 =	simm.s32 $0x980;
	[smem:$0x7FF] =	sst s3;
	s8 =	sadd.s32 $0xDA00, s1  }
0x6: {  	s18 =	simm.s32 $0x200;
	_ =	strace $0x8000004A;
	[dreg:$0x13] =	wrdreg s8  }
0x7: {  	s19 =	simm.s32 $0x280;
	s20 =	simm.s32 $0xA00;
	[dreg:$0x5] =	wrdreg s12  }
0x8: {  	s21 =	simm.s32 $0xA80;
	s22 =	simm.s32 $0x300;
	[dreg:$0x6] =	wrdreg s14  }
0x9: {  	s23 =	simm.s32 $0x380;
	s28 =	simm.s32 $0x680;
	[dreg:$0x7] =	wrdreg s15  }
0xa: {  	s29 =	simm.s32 $0xE00;
	s30 =	simm.s32 $0xE80;
	[dreg:$0x8] =	wrdreg s16  }
0xb: {  	s31 =	simm.s32 $0x700;
	s4 =	smul.u32 $0x5000, s9;
	[dreg:$0x9] =	wrdreg s17  }
0xc: {  	s0 =	sand.u32 $0x1, s0;
	s7 =	smul.u32 $0x13C00, s9;
	[dreg:$0xa] =	wrdreg s18  }
0xd: {  	s26 =	smul.u32 $0x4F000, s9;
	s13 =	sshll.u32 s9, $0x6;
	[dreg:$0xb] =	wrdreg s19  }
0xe: {  	s9 =	simm.s32 $0x0;
	s5 =	smul.u32 $0x2800, s0;
	[dreg:$0xc] =	wrdreg s20  }
0xf: {  	s24 =	smul.u32 $0x13C000, s0;
	s0 =	ssub.s32 $0x2, s0;
	[dreg:$0xd] =	wrdreg s21  }
0x10: {  	s12 =	simm.s32 $0x80;
	s14 =	simm.s32 $0x5000;
	[dreg:$0xe] =	wrdreg s22  }
0x11: {  	s15 =	simm.s32 $0x1;
	[dreg:$0xf] =	wrdreg s23;
	s16 =	simm.s32 $0x2  }
0x12: {  	s17 =	simm.s32 $0x3;
	s18 =	simm.s32 $0x4;
	s19 =	simm.s32 $0x480  }
0x13: {  	s20 =	simm.s32 $0xC00;
	s21 =	simm.s32 $0xC80;
	s22 =	simm.s32 $0x500  }
0x14: {  	s23 =	simm.s32 $0x580;
	s25 =	sshrl.u32 s0, $0x1;
	s8 =	sshrl.u32 s26, $0x2  }
0x15: {  	s26 =	simm.s32 $0x400;
	s4 =	sadd.s32 s5, s4;
	s5 =	sadd.s32 s7, s24  }
0x16: {  	s0 =	ssub.s32 s0, s25;
	s11 =	sadd.s32 s8, s2;
	s24 =	simm.s32 $0xB00  }
0x17: {  	s25 =	simm.s32 $0xB80;
	[dreg:$0x12] =	wrdreg s26;
	s26 =	simm.s32 $0x600  }
0x18: {  	s6 =	sshrl.u32 s4, $0x3;
	s4 =	sadd.s32 $0x10200, s1;
	s5 =	sshrl.u32 s5, $0x3  }
0x19: {  	s0 =	smax.u32 s0, $0x1;
	s8 =	sshrl.u32 s11, $0x3;
	[dreg:$0x10] =	wrdreg s24  }
0x1a: {  	s11 =	simm.s32 $0x800;
	[dreg:$0x11] =	wrdreg s25;
	s24 =	simm.s32 $0xD00  }
0x1b: {  	s25 =	simm.s32 $0xD80;
	s6 =	sadd.s32 s6, s1;
	[dreg:$0x16] =	wrdreg s0  }
0x1c: {  	s1 =	sadd.s32 s5, s1;
	[dreg:$0x17] =	wrdreg s8;
	s7 =	sadd.s32 $0x3A00, s6  }
0x1d: {  	s0 =	simm.s32 $0xF00;
	s10 =	sadd.s32 $0x5FA00, s6;
	[dreg:$0x3] =	wrdreg s7  }
0x1e: {  	s5 =	simm.s32 $0xF80;
	s1 =	sadd.s32 $0x69A00, s1;
	[dreg:$0x4] =	wrdreg s10  }
0x1f: {  	s7 =	sor.u32 $0x1C05, s13;
	[dreg:$0x15] =	wrdreg s1;
	s10 =	simm.s32 $0x5  }
0x20: {  	s13 =	simm.s32 $0x1000;
	s1 =	simm.s32 $0x780;
	[dreg:$0x14] =	wrdreg s7  }
.LBB2_1:
0x21: {  	[dreg:$0x18] =	wrdreg s9  }
0x22: {  	s6 =	rddreg [dreg:$0x13]  }
0x23: {  	[spmem:s8], [sflag:s7] =	dma.local [hbm:s6], $0x2780  }
0x24: {  	_ =	swait.ge [sflag:s10], $0x2780  }
0x25: {  	[sflag:s10] =	ssyncset.done $0x0  }
0x26: {  	[sflag:s10] =	ssyncadd.s32 $0xFFFFD880  }
0x27: {  	[bflag:$0x0] =	sbarrier.arrive $0xFFFF  }
0x28: {  	s9 =	rddreg [dreg:$0x4]  }
0x29: {  	s6 =	sadd.s32 $0x0, s9  }
0x2a: {  	[tilespmem:s3], [sflag:$0x5] =	stream.linear.gather [hbm4b:s6+s3], $0x800, $0x38;
	[tilespmem:$0x1CC00] =	vst v63  }
0x2b: {  	_ =	swait.ge [sflag:s10], $0x800  }
0x2c: {  	s7 =	rddreg [dreg:$0x3];
	[sflag:s10] =	ssyncset.done $0x0  }
0x2d: {  	[sflag:s10] =	ssyncadd.s32 $0xFFFFF800;
	s6 =	sadd.s32 $0x0, s7  }
0x2e: {  	[tilespmem:s11], [sflag:$0x5] =	stream.linear.gather [hbm4b:s6+s3], $0x800, $0x38;
	[tilespmem:$0x1CC00] =	vst v63  }
0x2f: {  	_ =	swait.ge [sflag:s10], $0x800  }
0x30: {  	[sflag:s10] =	ssyncset.done $0x0  }
0x31: {  	[sflag:s10] =	ssyncadd.s32 $0xFFFFF800  }
0x32: {  	[tilespmem:s13], [sflag:$0x1] =	stream.indirect.gather [hbm4b:s4+s12], $0x80, s3, s12, $0xb8;
	[tilespmem:$0x1CC00] =	vst v63  }
0x33: {  	_ = 	snop  }
0x34: {  	[tilespmem:s14], [sflag:$0x2] =	stream.indirect.gather [hbm4b:s4+s12], $0x80, s12, s12, $0xb8;
	[tilespmem:$0x1CC00] =	vst v63  }
0x35: {  	_ =	swait.ge [sflag:s15], $0x4000  }
0x36: {  	[sflag:s15] =	ssyncset.done $0x0  }
0x37: {  	[sflag:s15] =	ssyncadd.s32 $0xFFFFC000  }
0x38: {  	[spmem:s2] =	stream.indirect.scatter.add.f32 [tilespmem:s13], [sflag:$0x3], $0x80, s11, s12, $0xb8;
	[tilespmem:$0x1CC00] =	vst v63  }
0x39: {  	_ =	swait.ge [sflag:s16], $0x4000  }
0x3a: {  	[sflag:s16] =	ssyncset.done $0x0  }
0x3b: {  	s8 =	rddreg [dreg:$0x5];
	[sflag:s16] =	ssyncadd.s32 $0xFFFFC000  }
0x3c: {  	[spmem:s2] =	stream.indirect.scatter.add.f32 [tilespmem:s14], [sflag:$0x4], $0x80, s8, s12, $0xb8;
	[tilespmem:$0x1CC00] =	vst v63  }
0x3d: {  	_ =	swait.ge [sflag:s17], $0x4000  }
0x3e: {  	[sflag:s17] =	ssyncset.done $0x0  }
0x3f: {  	s9 =	rddreg [dreg:$0x6];
	[sflag:s17] =	ssyncadd.s32 $0xFFFFC000  }
0x40: {  	[tilespmem:s13], [sflag:$0x1] =	stream.indirect.gather [hbm4b:s4+s12], $0x80, s9, s12, $0xb8;
	[tilespmem:$0x1CC00] =	vst v63  }
0x41: {  	_ =	swait.ge [sflag:s18], $0x4000  }
0x42: {  	[sflag:s18] =	ssyncset.done $0x0  }
0x43: {  	s7 =	rddreg [dreg:$0x7];
	[sflag:s18] =	ssyncadd.s32 $0xFFFFC000  }
0x44: {  	[tilespmem:s14], [sflag:$0x2] =	stream.indirect.gather [hbm4b:s4+s12], $0x80, s7, s12, $0xb8;
	[tilespmem:$0x1CC00] =	vst v63  }
0x45: {  	_ =	swait.ge [sflag:s15], $0x4000  }
0x46: {  	[sflag:s15] =	ssyncset.done $0x0  }
0x47: {  	s8 =	rddreg [dreg:$0x8];
	[sflag:s15] =	ssyncadd.s32 $0xFFFFC000  }
0x48: {  	[spmem:s2] =	stream.indirect.scatter.add.f32 [tilespmem:s13], [sflag:$0x3], $0x80, s8, s12, $0xb8;
	[tilespmem:$0x1CC00] =	vst v63  }
0x49: {  	_ =	swait.ge [sflag:s16], $0x4000  }
0x4a: {  	[sflag:s16] =	ssyncset.done $0x0  }
0x4b: {  	s9 =	rddreg [dreg:$0x9];
	[sflag:s16] =	ssyncadd.s32 $0xFFFFC000  }
0x4c: {  	[spmem:s2] =	stream.indirect.scatter.add.f32 [tilespmem:s14], [sflag:$0x4], $0x80, s9, s12, $0xb8;
	[tilespmem:$0x1CC00] =	vst v63  }
0x4d: {  	_ =	swait.ge [sflag:s17], $0x4000  }
0x4e: {  	[sflag:s17] =	ssyncset.done $0x0  }
0x4f: {  	s7 =	rddreg [dreg:$0xa];
	[sflag:s17] =	ssyncadd.s32 $0xFFFFC000  }
0x50: {  	[tilespmem:s13], [sflag:$0x1] =	stream.indirect.gather [hbm4b:s4+s12], $0x80, s7, s12, $0xb8;
	[tilespmem:$0x1CC00] =	vst v63  }
0x51: {  	_ =	swait.ge [sflag:s18], $0x4000  }
0x52: {  	[sflag:s18] =	ssyncset.done $0x0  }
0x53: {  	s8 =	rddreg [dreg:$0xb];
	[sflag:s18] =	ssyncadd.s32 $0xFFFFC000  }
0x54: {  	[tilespmem:s14], [sflag:$0x2] =	stream.indirect.gather [hbm4b:s4+s12], $0x80, s8, s12, $0xb8;
	[tilespmem:$0x1CC00] =	vst v63  }
0x55: {  	_ =	swait.ge [sflag:s15], $0x4000  }
0x56: {  	[sflag:s15] =	ssyncset.done $0x0  }
0x57: {  	s9 =	rddreg [dreg:$0xc];
	[sflag:s15] =	ssyncadd.s32 $0xFFFFC000  }
0x58: {  	[spmem:s2] =	stream.indirect.scatter.add.f32 [tilespmem:s13], [sflag:$0x3], $0x80, s9, s12, $0xb8;
	[tilespmem:$0x1CC00] =	vst v63  }
0x59: {  	_ =	swait.ge [sflag:s16], $0x4000  }
0x5a: {  	[sflag:s16] =	ssyncset.done $0x0  }
0x5b: {  	s7 =	rddreg [dreg:$0xd];
	[sflag:s16] =	ssyncadd.s32 $0xFFFFC000  }
0x5c: {  	[spmem:s2] =	stream.indirect.scatter.add.f32 [tilespmem:s14], [sflag:$0x4], $0x80, s7, s12, $0xb8;
	[tilespmem:$0x1CC00] =	vst v63  }
0x5d: {  	_ =	swait.ge [sflag:s17], $0x4000  }
0x5e: {  	[sflag:s17] =	ssyncset.done $0x0  }
0x5f: {  	s8 =	rddreg [dreg:$0xe];
	[sflag:s17] =	ssyncadd.s32 $0xFFFFC000  }
0x60: {  	[tilespmem:s13], [sflag:$0x1] =	stream.indirect.gather [hbm4b:s4+s12], $0x80, s8, s12, $0xb8;
	[tilespmem:$0x1CC00] =	vst v63  }
0x61: {  	_ =	swait.ge [sflag:s18], $0x4000  }
0x62: {  	[sflag:s18] =	ssyncset.done $0x0  }
0x63: {  	s9 =	rddreg [dreg:$0xf];
	[sflag:s18] =	ssyncadd.s32 $0xFFFFC000  }
0x64: {  	[tilespmem:s14], [sflag:$0x2] =	stream.indirect.gather [hbm4b:s4+s12], $0x80, s9, s12, $0xb8;
	[tilespmem:$0x1CC00] =	vst v63  }
0x65: {  	_ =	swait.ge [sflag:s15], $0x4000  }
0x66: {  	[sflag:s15] =	ssyncset.done $0x0  }
0x67: {  	s7 =	rddreg [dreg:$0x10];
	[sflag:s15] =	ssyncadd.s32 $0xFFFFC000  }
0x68: {  	[spmem:s2] =	stream.indirect.scatter.add.f32 [tilespmem:s13], [sflag:$0x3], $0x80, s7, s12, $0xb8;
	[tilespmem:$0x1CC00] =	vst v63  }
0x69: {  	_ =	swait.ge [sflag:s16], $0x4000  }
0x6a: {  	[sflag:s16] =	ssyncset.done $0x0  }
0x6b: {  	s8 =	rddreg [dreg:$0x11];
	[sflag:s16] =	ssyncadd.s32 $0xFFFFC000  }
0x6c: {  	[spmem:s2] =	stream.indirect.scatter.add.f32 [tilespmem:s14], [sflag:$0x4], $0x80, s8, s12, $0xb8;
	[tilespmem:$0x1CC00] =	vst v63  }
0x6d: {  	_ =	swait.ge [sflag:s17], $0x4000  }
0x6e: {  	[sflag:s17] =	ssyncset.done $0x0  }
0x6f: {  	s9 =	rddreg [dreg:$0x12];
	[sflag:s17] =	ssyncadd.s32 $0xFFFFC000  }
0x70: {  	[tilespmem:s13], [sflag:$0x1] =	stream.indirect.gather [hbm4b:s4+s12], $0x80, s9, s12, $0xb8;
	[tilespmem:$0x1CC00] =	vst v63  }
0x71: {  	_ =	swait.ge [sflag:s18], $0x4000  }
0x72: {  	[sflag:s18] =	ssyncset.done $0x0  }
0x73: {  	[sflag:s18] =	ssyncadd.s32 $0xFFFFC000  }
0x74: {  	[tilespmem:s14], [sflag:$0x2] =	stream.indirect.gather [hbm4b:s4+s12], $0x80, s19, s12, $0xb8;
	[tilespmem:$0x1CC00] =	vst v63  }
0x75: {  	_ =	swait.ge [sflag:s15], $0x4000  }
0x76: {  	[sflag:s15] =	ssyncset.done $0x0  }
0x77: {  	[sflag:s15] =	ssyncadd.s32 $0xFFFFC000  }
0x78: {  	[spmem:s2] =	stream.indirect.scatter.add.f32 [tilespmem:s13], [sflag:$0x3], $0x80, s20, s12, $0xb8;
	[tilespmem:$0x1CC00] =	vst v63  }
0x79: {  	_ =	swait.ge [sflag:s16], $0x4000  }
0x7a: {  	[sflag:s16] =	ssyncset.done $0x0  }
0x7b: {  	[sflag:s16] =	ssyncadd.s32 $0xFFFFC000  }
0x7c: {  	[spmem:s2] =	stream.indirect.scatter.add.f32 [tilespmem:s14], [sflag:$0x4], $0x80, s21, s12, $0xb8;
	[tilespmem:$0x1CC00] =	vst v63  }
0x7d: {  	_ =	swait.ge [sflag:s17], $0x4000  }
0x7e: {  	[sflag:s17] =	ssyncset.done $0x0  }
0x7f: {  	[sflag:s17] =	ssyncadd.s32 $0xFFFFC000  }
0x80: {  	[tilespmem:s13], [sflag:$0x1] =	stream.indirect.gather [hbm4b:s4+s12], $0x80, s22, s12, $0xb8;
	[tilespmem:$0x1CC00] =	vst v63  }
0x81: {  	_ =	swait.ge [sflag:s18], $0x4000  }
0x82: {  	[sflag:s18] =	ssyncset.done $0x0  }
0x83: {  	[sflag:s18] =	ssyncadd.s32 $0xFFFFC000  }
0x84: {  	[tilespmem:s14], [sflag:$0x2] =	stream.indirect.gather [hbm4b:s4+s12], $0x80, s23, s12, $0xb8;
	[tilespmem:$0x1CC00] =	vst v63  }
0x85: {  	_ =	swait.ge [sflag:s15], $0x4000  }
0x86: {  	[sflag:s15] =	ssyncset.done $0x0  }
0x87: {  	[sflag:s15] =	ssyncadd.s32 $0xFFFFC000  }
0x88: {  	[spmem:s2] =	stream.indirect.scatter.add.f32 [tilespmem:s13], [sflag:$0x3], $0x80, s24, s12, $0xb8;
	[tilespmem:$0x1CC00] =	vst v63  }
0x89: {  	_ =	swait.ge [sflag:s16], $0x4000  }
0x8a: {  	[sflag:s16] =	ssyncset.done $0x0  }
0x8b: {  	[sflag:s16] =	ssyncadd.s32 $0xFFFFC000  }
0x8c: {  	[spmem:s2] =	stream.indirect.scatter.add.f32 [tilespmem:s14], [sflag:$0x4], $0x80, s25, s12, $0xb8;
	[tilespmem:$0x1CC00] =	vst v63  }
0x8d: {  	_ =	swait.ge [sflag:s17], $0x4000  }
0x8e: {  	[sflag:s17] =	ssyncset.done $0x0  }
0x8f: {  	[sflag:s17] =	ssyncadd.s32 $0xFFFFC000  }
0x90: {  	[tilespmem:s13], [sflag:$0x1] =	stream.indirect.gather [hbm4b:s4+s12], $0x80, s26, s12, $0xb8;
	[tilespmem:$0x1CC00] =	vst v63  }
0x91: {  	_ =	swait.ge [sflag:s18], $0x4000  }
0x92: {  	[sflag:s18] =	ssyncset.done $0x0  }
0x93: {  	[sflag:s18] =	ssyncadd.s32 $0xFFFFC000  }
0x94: {  	[tilespmem:s14], [sflag:$0x2] =	stream.indirect.gather [hbm4b:s4+s12], $0x80, s28, s12, $0xb8;
	[tilespmem:$0x1CC00] =	vst v63  }
0x95: {  	_ =	swait.ge [sflag:s15], $0x4000  }
0x96: {  	[sflag:s15] =	ssyncset.done $0x0  }
0x97: {  	[sflag:s15] =	ssyncadd.s32 $0xFFFFC000  }
0x98: {  	[spmem:s2] =	stream.indirect.scatter.add.f32 [tilespmem:s13], [sflag:$0x3], $0x80, s29, s12, $0xb8;
	[tilespmem:$0x1CC00] =	vst v63  }
0x99: {  	_ =	swait.ge [sflag:s16], $0x4000  }
0x9a: {  	[sflag:s16] =	ssyncset.done $0x0  }
0x9b: {  	[sflag:s16] =	ssyncadd.s32 $0xFFFFC000  }
0x9c: {  	[spmem:s2] =	stream.indirect.scatter.add.f32 [tilespmem:s14], [sflag:$0x4], $0x80, s30, s12, $0xb8;
	[tilespmem:$0x1CC00] =	vst v63  }
0x9d: {  	_ =	swait.ge [sflag:s17], $0x4000  }
0x9e: {  	[sflag:s17] =	ssyncset.done $0x0  }
0x9f: {  	[sflag:s17] =	ssyncadd.s32 $0xFFFFC000  }
0xa0: {  	[tilespmem:s13], [sflag:$0x1] =	stream.indirect.gather [hbm4b:s4+s12], $0x80, s31, s12, $0xb8;
	[tilespmem:$0x1CC00] =	vst v63  }
0xa1: {  	_ =	swait.ge [sflag:s18], $0x4000  }
0xa2: {  	[sflag:s18] =	ssyncset.done $0x0  }
0xa3: {  	[sflag:s18] =	ssyncadd.s32 $0xFFFFC000  }
0xa4: {  	[tilespmem:s14], [sflag:$0x2] =	stream.indirect.gather [hbm4b:s4+s12], $0x80, s1, s12, $0xb8;
	[tilespmem:$0x1CC00] =	vst v63  }
0xa5: {  	_ =	swait.ge [sflag:s15], $0x4000  }
0xa6: {  	[sflag:s15] =	ssyncset.done $0x0  }
0xa7: {  	[sflag:s15] =	ssyncadd.s32 $0xFFFFC000  }
0xa8: {  	[spmem:s2] =	stream.indirect.scatter.add.f32 [tilespmem:s13], [sflag:$0x3], $0x80, s0, s12, $0xb8;
	[tilespmem:$0x1CC00] =	vst v63  }
0xa9: {  	_ =	swait.ge [sflag:s16], $0x4000  }
0xaa: {  	[sflag:s16] =	ssyncset.done $0x0  }
0xab: {  	[sflag:s16] =	ssyncadd.s32 $0xFFFFC000  }
0xac: {  	[spmem:s2] =	stream.indirect.scatter.add.f32 [tilespmem:s14], [sflag:$0x4], $0x80, s5, s12, $0xb8;
	[tilespmem:$0x1CC00] =	vst v63  }
0xad: {  	_ =	swait.ge [sflag:s17], $0x4000  }
0xae: {  	[sflag:s17] =	ssyncset.done $0x0  }
0xaf: {  	[sflag:s17] =	ssyncadd.s32 $0xFFFFC000  }
0xb0: {  	s6 =	simm.s32 $0x200;
	_ =	swait.ge [sflag:s18], $0x4000  }
0xb1: {  	s8 =	simm.s32 $0x100;
	s9 =	rddreg [dreg:$0x4];
	[sflag:s18] =	ssyncset.done $0x0  }
.LBB2_2:
0xb2: {  	[sflag:s18] =	ssyncadd.s32 $0xFFFFC000;
	s9 =	sadd.s32 s8, s9  }
0xb3: {  	[tilespmem:s3], [sflag:$0x5] =	stream.linear.gather [hbm4b:s9+s3], $0x800, $0x38;
	[tilespmem:$0x1CC00] =	vst v63  }
0xb4: {  	_ =	swait.ge [sflag:s10], $0x800  }
0xb5: {  	s9 =	rddreg [dreg:$0x3];
	[sflag:s10] =	ssyncset.done $0x0  }
0xb6: {  	[sflag:s10] =	ssyncadd.s32 $0xFFFFF800;
	s9 =	sadd.s32 s8, s9  }
0xb7: {  	[tilespmem:s11], [sflag:$0x5] =	stream.linear.gather [hbm4b:s9+s3], $0x800, $0x38;
	[tilespmem:$0x1CC00] =	vst v63  }
0xb8: {  	_ =	swait.ge [sflag:s10], $0x800  }
0xb9: {  	[sflag:s10] =	ssyncset.done $0x0  }
0xba: {  	[sflag:s10] =	ssyncadd.s32 $0xFFFFF800  }
0xbb: {  	[tilespmem:s13], [sflag:$0x1] =	stream.indirect.gather [hbm4b:s4+s12], $0x80, s3, s12, $0xb8;
	[tilespmem:$0x1CC00] =	vst v63  }
0xbc: {  	_ = 	snop  }
0xbd: {  	[tilespmem:s14], [sflag:$0x2] =	stream.indirect.gather [hbm4b:s4+s12], $0x80, s12, s12, $0xb8;
	[tilespmem:$0x1CC00] =	vst v63  }
0xbe: {  	_ =	swait.ge [sflag:s15], $0x4000  }
0xbf: {  	[sflag:s15] =	ssyncset.done $0x0  }
0xc0: {  	[sflag:s15] =	ssyncadd.s32 $0xFFFFC000  }
0xc1: {  	[spmem:s2] =	stream.indirect.scatter.add.f32 [tilespmem:s13], [sflag:$0x3], $0x80, s11, s12, $0xb8;
	[tilespmem:$0x1CC00] =	vst v63  }
0xc2: {  	_ =	swait.ge [sflag:s16], $0x4000  }
0xc3: {  	[sflag:s16] =	ssyncset.done $0x0  }
0xc4: {  	s9 =	rddreg [dreg:$0x5];
	[sflag:s16] =	ssyncadd.s32 $0xFFFFC000  }
0xc5: {  	[spmem:s2] =	stream.indirect.scatter.add.f32 [tilespmem:s14], [sflag:$0x4], $0x80, s9, s12, $0xb8;
	[tilespmem:$0x1CC00] =	vst v63  }
0xc6: {  	_ =	swait.ge [sflag:s17], $0x4000  }
0xc7: {  	[sflag:s17] =	ssyncset.done $0x0  }
0xc8: {  	s9 =	rddreg [dreg:$0x6];
	[sflag:s17] =	ssyncadd.s32 $0xFFFFC000  }
0xc9: {  	[tilespmem:s13], [sflag:$0x1] =	stream.indirect.gather [hbm4b:s4+s12], $0x80, s9, s12, $0xb8;
	[tilespmem:$0x1CC00] =	vst v63  }
0xca: {  	_ =	swait.ge [sflag:s18], $0x4000  }
0xcb: {  	[sflag:s18] =	ssyncset.done $0x0  }
0xcc: {  	s9 =	rddreg [dreg:$0x7];
	[sflag:s18] =	ssyncadd.s32 $0xFFFFC000  }
0xcd: {  	[tilespmem:s14], [sflag:$0x2] =	stream.indirect.gather [hbm4b:s4+s12], $0x80, s9, s12, $0xb8;
	[tilespmem:$0x1CC00] =	vst v63  }
0xce: {  	_ =	swait.ge [sflag:s15], $0x4000  }
0xcf: {  	[sflag:s15] =	ssyncset.done $0x0  }
0xd0: {  	s9 =	rddreg [dreg:$0x8];
	[sflag:s15] =	ssyncadd.s32 $0xFFFFC000  }
0xd1: {  	[spmem:s2] =	stream.indirect.scatter.add.f32 [tilespmem:s13], [sflag:$0x3], $0x80, s9, s12, $0xb8;
	[tilespmem:$0x1CC00] =	vst v63  }
0xd2: {  	_ =	swait.ge [sflag:s16], $0x4000  }
0xd3: {  	[sflag:s16] =	ssyncset.done $0x0  }
0xd4: {  	s9 =	rddreg [dreg:$0x9];
	[sflag:s16] =	ssyncadd.s32 $0xFFFFC000  }
0xd5: {  	[spmem:s2] =	stream.indirect.scatter.add.f32 [tilespmem:s14], [sflag:$0x4], $0x80, s9, s12, $0xb8;
	[tilespmem:$0x1CC00] =	vst v63  }
0xd6: {  	_ =	swait.ge [sflag:s17], $0x4000  }
0xd7: {  	[sflag:s17] =	ssyncset.done $0x0  }
0xd8: {  	s9 =	rddreg [dreg:$0xa];
	[sflag:s17] =	ssyncadd.s32 $0xFFFFC000  }
0xd9: {  	[tilespmem:s13], [sflag:$0x1] =	stream.indirect.gather [hbm4b:s4+s12], $0x80, s9, s12, $0xb8;
	[tilespmem:$0x1CC00] =	vst v63  }
0xda: {  	_ =	swait.ge [sflag:s18], $0x4000  }
0xdb: {  	[sflag:s18] =	ssyncset.done $0x0  }
0xdc: {  	s9 =	rddreg [dreg:$0xb];
	[sflag:s18] =	ssyncadd.s32 $0xFFFFC000  }
0xdd: {  	[tilespmem:s14], [sflag:$0x2] =	stream.indirect.gather [hbm4b:s4+s12], $0x80, s9, s12, $0xb8;
	[tilespmem:$0x1CC00] =	vst v63  }
0xde: {  	_ =	swait.ge [sflag:s15], $0x4000  }
0xdf: {  	[sflag:s15] =	ssyncset.done $0x0  }
0xe0: {  	s9 =	rddreg [dreg:$0xc];
	[sflag:s15] =	ssyncadd.s32 $0xFFFFC000  }
0xe1: {  	[spmem:s2] =	stream.indirect.scatter.add.f32 [tilespmem:s13], [sflag:$0x3], $0x80, s9, s12, $0xb8;
	[tilespmem:$0x1CC00] =	vst v63  }
0xe2: {  	_ =	swait.ge [sflag:s16], $0x4000  }
0xe3: {  	[sflag:s16] =	ssyncset.done $0x0  }
0xe4: {  	s9 =	rddreg [dreg:$0xd];
	[sflag:s16] =	ssyncadd.s32 $0xFFFFC000  }
0xe5: {  	[spmem:s2] =	stream.indirect.scatter.add.f32 [tilespmem:s14], [sflag:$0x4], $0x80, s9, s12, $0xb8;
	[tilespmem:$0x1CC00] =	vst v63  }
0xe6: {  	_ =	swait.ge [sflag:s17], $0x4000  }
0xe7: {  	[sflag:s17] =	ssyncset.done $0x0  }
0xe8: {  	s9 =	rddreg [dreg:$0xe];
	[sflag:s17] =	ssyncadd.s32 $0xFFFFC000  }
0xe9: {  	[tilespmem:s13], [sflag:$0x1] =	stream.indirect.gather [hbm4b:s4+s12], $0x80, s9, s12, $0xb8;
	[tilespmem:$0x1CC00] =	vst v63  }
0xea: {  	_ =	swait.ge [sflag:s18], $0x4000  }
0xeb: {  	[sflag:s18] =	ssyncset.done $0x0  }
0xec: {  	s9 =	rddreg [dreg:$0xf];
	[sflag:s18] =	ssyncadd.s32 $0xFFFFC000  }
0xed: {  	[tilespmem:s14], [sflag:$0x2] =	stream.indirect.gather [hbm4b:s4+s12], $0x80, s9, s12, $0xb8;
	[tilespmem:$0x1CC00] =	vst v63  }
0xee: {  	_ =	swait.ge [sflag:s15], $0x4000  }
0xef: {  	[sflag:s15] =	ssyncset.done $0x0  }
0xf0: {  	s9 =	rddreg [dreg:$0x10];
	[sflag:s15] =	ssyncadd.s32 $0xFFFFC000  }
0xf1: {  	[spmem:s2] =	stream.indirect.scatter.add.f32 [tilespmem:s13], [sflag:$0x3], $0x80, s9, s12, $0xb8;
	[tilespmem:$0x1CC00] =	vst v63  }
0xf2: {  	_ =	swait.ge [sflag:s16], $0x4000  }
0xf3: {  	[sflag:s16] =	ssyncset.done $0x0  }
0xf4: {  	s9 =	rddreg [dreg:$0x11];
	[sflag:s16] =	ssyncadd.s32 $0xFFFFC000  }
0xf5: {  	[spmem:s2] =	stream.indirect.scatter.add.f32 [tilespmem:s14], [sflag:$0x4], $0x80, s9, s12, $0xb8;
	[tilespmem:$0x1CC00] =	vst v63  }
0xf6: {  	_ =	swait.ge [sflag:s17], $0x4000  }
0xf7: {  	[sflag:s17] =	ssyncset.done $0x0  }
0xf8: {  	s9 =	rddreg [dreg:$0x12];
	[sflag:s17] =	ssyncadd.s32 $0xFFFFC000  }
0xf9: {  	[tilespmem:s13], [sflag:$0x1] =	stream.indirect.gather [hbm4b:s4+s12], $0x80, s9, s12, $0xb8;
	[tilespmem:$0x1CC00] =	vst v63  }
0xfa: {  	_ =	swait.ge [sflag:s18], $0x4000  }
0xfb: {  	[sflag:s18] =	ssyncset.done $0x0  }
0xfc: {  	[sflag:s18] =	ssyncadd.s32 $0xFFFFC000  }
0xfd: {  	[tilespmem:s14], [sflag:$0x2] =	stream.indirect.gather [hbm4b:s4+s12], $0x80, s19, s12, $0xb8;
	[tilespmem:$0x1CC00] =	vst v63  }
0xfe: {  	_ =	swait.ge [sflag:s15], $0x4000  }
0xff: {  	[sflag:s15] =	ssyncset.done $0x0  }
0x100: {  	[sflag:s15] =	ssyncadd.s32 $0xFFFFC000  }
0x101: {  	[spmem:s2] =	stream.indirect.scatter.add.f32 [tilespmem:s13], [sflag:$0x3], $0x80, s20, s12, $0xb8;
	[tilespmem:$0x1CC00] =	vst v63  }
0x102: {  	_ =	swait.ge [sflag:s16], $0x4000  }
0x103: {  	[sflag:s16] =	ssyncset.done $0x0  }
0x104: {  	[sflag:s16] =	ssyncadd.s32 $0xFFFFC000  }
0x105: {  	[spmem:s2] =	stream.indirect.scatter.add.f32 [tilespmem:s14], [sflag:$0x4], $0x80, s21, s12, $0xb8;
	[tilespmem:$0x1CC00] =	vst v63  }
0x106: {  	_ =	swait.ge [sflag:s17], $0x4000  }
0x107: {  	[sflag:s17] =	ssyncset.done $0x0  }
0x108: {  	[sflag:s17] =	ssyncadd.s32 $0xFFFFC000  }
0x109: {  	[tilespmem:s13], [sflag:$0x1] =	stream.indirect.gather [hbm4b:s4+s12], $0x80, s22, s12, $0xb8;
	[tilespmem:$0x1CC00] =	vst v63  }
0x10a: {  	_ =	swait.ge [sflag:s18], $0x4000  }
0x10b: {  	[sflag:s18] =	ssyncset.done $0x0  }
0x10c: {  	[sflag:s18] =	ssyncadd.s32 $0xFFFFC000  }
0x10d: {  	[tilespmem:s14], [sflag:$0x2] =	stream.indirect.gather [hbm4b:s4+s12], $0x80, s23, s12, $0xb8;
	[tilespmem:$0x1CC00] =	vst v63  }
0x10e: {  	_ =	swait.ge [sflag:s15], $0x4000  }
0x10f: {  	[sflag:s15] =	ssyncset.done $0x0  }
0x110: {  	[sflag:s15] =	ssyncadd.s32 $0xFFFFC000  }
0x111: {  	[spmem:s2] =	stream.indirect.scatter.add.f32 [tilespmem:s13], [sflag:$0x3], $0x80, s24, s12, $0xb8;
	[tilespmem:$0x1CC00] =	vst v63  }
0x112: {  	_ =	swait.ge [sflag:s16], $0x4000  }
0x113: {  	[sflag:s16] =	ssyncset.done $0x0  }
0x114: {  	[sflag:s16] =	ssyncadd.s32 $0xFFFFC000  }
0x115: {  	[spmem:s2] =	stream.indirect.scatter.add.f32 [tilespmem:s14], [sflag:$0x4], $0x80, s25, s12, $0xb8;
	[tilespmem:$0x1CC00] =	vst v63  }
0x116: {  	_ =	swait.ge [sflag:s17], $0x4000  }
0x117: {  	[sflag:s17] =	ssyncset.done $0x0  }
0x118: {  	[sflag:s17] =	ssyncadd.s32 $0xFFFFC000  }
0x119: {  	[tilespmem:s13], [sflag:$0x1] =	stream.indirect.gather [hbm4b:s4+s12], $0x80, s26, s12, $0xb8;
	[tilespmem:$0x1CC00] =	vst v63  }
0x11a: {  	_ =	swait.ge [sflag:s18], $0x4000  }
0x11b: {  	[sflag:s18] =	ssyncset.done $0x0  }
0x11c: {  	[sflag:s18] =	ssyncadd.s32 $0xFFFFC000  }
0x11d: {  	[tilespmem:s14], [sflag:$0x2] =	stream.indirect.gather [hbm4b:s4+s12], $0x80, s28, s12, $0xb8;
	[tilespmem:$0x1CC00] =	vst v63  }
0x11e: {  	_ =	swait.ge [sflag:s15], $0x4000  }
0x11f: {  	[sflag:s15] =	ssyncset.done $0x0  }
0x120: {  	[sflag:s15] =	ssyncadd.s32 $0xFFFFC000  }
0x121: {  	[spmem:s2] =	stream.indirect.scatter.add.f32 [tilespmem:s13], [sflag:$0x3], $0x80, s29, s12, $0xb8;
	[tilespmem:$0x1CC00] =	vst v63  }
0x122: {  	_ =	swait.ge [sflag:s16], $0x4000  }
0x123: {  	[sflag:s16] =	ssyncset.done $0x0  }
0x124: {  	[sflag:s16] =	ssyncadd.s32 $0xFFFFC000  }
0x125: {  	[spmem:s2] =	stream.indirect.scatter.add.f32 [tilespmem:s14], [sflag:$0x4], $0x80, s30, s12, $0xb8;
	[tilespmem:$0x1CC00] =	vst v63  }
0x126: {  	_ =	swait.ge [sflag:s17], $0x4000  }
0x127: {  	[sflag:s17] =	ssyncset.done $0x0  }
0x128: {  	[sflag:s17] =	ssyncadd.s32 $0xFFFFC000  }
0x129: {  	[tilespmem:s13], [sflag:$0x1] =	stream.indirect.gather [hbm4b:s4+s12], $0x80, s31, s12, $0xb8;
	[tilespmem:$0x1CC00] =	vst v63  }
0x12a: {  	_ =	swait.ge [sflag:s18], $0x4000  }
0x12b: {  	[sflag:s18] =	ssyncset.done $0x0  }
0x12c: {  	[sflag:s18] =	ssyncadd.s32 $0xFFFFC000  }
0x12d: {  	[tilespmem:s14], [sflag:$0x2] =	stream.indirect.gather [hbm4b:s4+s12], $0x80, s1, s12, $0xb8;
	[tilespmem:$0x1CC00] =	vst v63  }
0x12e: {  	_ =	swait.ge [sflag:s15], $0x4000  }
0x12f: {  	[sflag:s15] =	ssyncset.done $0x0  }
0x130: {  	[sflag:s15] =	ssyncadd.s32 $0xFFFFC000  }
0x131: {  	[spmem:s2] =	stream.indirect.scatter.add.f32 [tilespmem:s13], [sflag:$0x3], $0x80, s0, s12, $0xb8;
	[tilespmem:$0x1CC00] =	vst v63  }
0x132: {  	_ =	swait.ge [sflag:s16], $0x4000  }
0x133: {  	[sflag:s16] =	ssyncset.done $0x0  }
0x134: {  	p0 =	sne.s32 s6, $0x400;
	[sflag:s16] =	ssyncadd.s32 $0xFFFFC000  }
0x135: {  	[spmem:s2] =	stream.indirect.scatter.add.f32 [tilespmem:s14], [sflag:$0x4], $0x80, s5, s12, $0xb8;
	[tilespmem:$0x1CC00] =	vst v63  }
.Ltmp0:
0x136: {  	_ =	swait.ge [sflag:s17], $0x4000;
	(pc) =	sbr.rel @p0 .LBB2_2-.Ltmp0, $4  }
0x137: {  	[sflag:s17] =	ssyncset.done $0x0  }
0x138: {  	[sflag:s17] =	ssyncadd.s32 $0xFFFFC000  }
0x139: {  	s7 =	smov.u32 s6;
	s6 =	sadd.s32 $0x100, s6;
	_ =	swait.ge [sflag:s18], $0x4000  }
0x13a: {  	s8 =	smov.u32 s7;
	s9 =	rddreg [dreg:$0x4];
	[sflag:s18] =	ssyncset.done $0x0  }
0x13b: {  	[sflag:s18] =	ssyncadd.s32 $0xFFFFC000;
	s6 =	sadd.s32 s8, s9  }
0x13c: {  	[tilespmem:s3], [sflag:$0x5] =	stream.linear.gather [hbm4b:s6+s3], $0x800, $0x38;
	[tilespmem:$0x1CC00] =	vst v63  }
0x13d: {  	_ =	swait.ge [sflag:s10], $0x800  }
0x13e: {  	s9 =	rddreg [dreg:$0x3];
	[sflag:s10] =	ssyncset.done $0x0  }
0x13f: {  	s6 =	sadd.s32 s8, s9;
	[sflag:s10] =	ssyncadd.s32 $0xFFFFF800  }
0x140: {  	[tilespmem:s11], [sflag:$0x5] =	stream.linear.gather [hbm4b:s6+s3], $0x800, $0x38;
	[tilespmem:$0x1CC00] =	vst v63  }
0x141: {  	_ =	swait.ge [sflag:s10], $0x800  }
0x142: {  	[sflag:s10] =	ssyncset.done $0x0  }
0x143: {  	[sflag:s10] =	ssyncadd.s32 $0xFFFFF800  }
0x144: {  	[tilespmem:s13], [sflag:$0x1] =	stream.indirect.gather [hbm4b:s4+s12], $0x80, s3, s12, $0xb8;
	[tilespmem:$0x1CC00] =	vst v63  }
0x145: {  	_ = 	snop  }
0x146: {  	[tilespmem:s14], [sflag:$0x2] =	stream.indirect.gather [hbm4b:s4+s12], $0x80, s12, s12, $0xb8;
	[tilespmem:$0x1CC00] =	vst v63  }
0x147: {  	_ =	swait.ge [sflag:s15], $0x4000  }
0x148: {  	[sflag:s15] =	ssyncset.done $0x0  }
0x149: {  	[sflag:s15] =	ssyncadd.s32 $0xFFFFC000  }
0x14a: {  	[spmem:s2] =	stream.indirect.scatter.add.f32 [tilespmem:s13], [sflag:$0x3], $0x80, s11, s12, $0xb8;
	[tilespmem:$0x1CC00] =	vst v63  }
0x14b: {  	_ =	swait.ge [sflag:s16], $0x4000  }
0x14c: {  	[sflag:s16] =	ssyncset.done $0x0  }
0x14d: {  	s7 =	rddreg [dreg:$0x5];
	[sflag:s16] =	ssyncadd.s32 $0xFFFFC000  }
0x14e: {  	[spmem:s2] =	stream.indirect.scatter.add.f32 [tilespmem:s14], [sflag:$0x4], $0x80, s7, s12, $0xb8;
	[tilespmem:$0x1CC00] =	vst v63  }
0x14f: {  	_ =	swait.ge [sflag:s17], $0x4000  }
0x150: {  	[sflag:s17] =	ssyncset.done $0x0  }
0x151: {  	s8 =	rddreg [dreg:$0x6];
	[sflag:s17] =	ssyncadd.s32 $0xFFFFC000  }
0x152: {  	[tilespmem:s13], [sflag:$0x1] =	stream.indirect.gather [hbm4b:s4+s12], $0x80, s8, s12, $0xb8;
	[tilespmem:$0x1CC00] =	vst v63  }
0x153: {  	_ =	swait.ge [sflag:s18], $0x4000  }
0x154: {  	[sflag:s18] =	ssyncset.done $0x0  }
0x155: {  	s9 =	rddreg [dreg:$0x7];
	[sflag:s18] =	ssyncadd.s32 $0xFFFFC000  }
0x156: {  	[tilespmem:s14], [sflag:$0x2] =	stream.indirect.gather [hbm4b:s4+s12], $0x80, s9, s12, $0xb8;
	[tilespmem:$0x1CC00] =	vst v63  }
0x157: {  	_ =	swait.ge [sflag:s15], $0x4000  }
0x158: {  	[sflag:s15] =	ssyncset.done $0x0  }
0x159: {  	s7 =	rddreg [dreg:$0x8];
	[sflag:s15] =	ssyncadd.s32 $0xFFFFC000  }
0x15a: {  	[spmem:s2] =	stream.indirect.scatter.add.f32 [tilespmem:s13], [sflag:$0x3], $0x80, s7, s12, $0xb8;
	[tilespmem:$0x1CC00] =	vst v63  }
0x15b: {  	_ =	swait.ge [sflag:s16], $0x4000  }
0x15c: {  	[sflag:s16] =	ssyncset.done $0x0  }
0x15d: {  	s8 =	rddreg [dreg:$0x9];
	[sflag:s16] =	ssyncadd.s32 $0xFFFFC000  }
0x15e: {  	[spmem:s2] =	stream.indirect.scatter.add.f32 [tilespmem:s14], [sflag:$0x4], $0x80, s8, s12, $0xb8;
	[tilespmem:$0x1CC00] =	vst v63  }
0x15f: {  	_ =	swait.ge [sflag:s17], $0x4000  }
0x160: {  	[sflag:s17] =	ssyncset.done $0x0  }
0x161: {  	s9 =	rddreg [dreg:$0xa];
	[sflag:s17] =	ssyncadd.s32 $0xFFFFC000  }
0x162: {  	[tilespmem:s13], [sflag:$0x1] =	stream.indirect.gather [hbm4b:s4+s12], $0x80, s9, s12, $0xb8;
	[tilespmem:$0x1CC00] =	vst v63  }
0x163: {  	_ =	swait.ge [sflag:s18], $0x4000  }
0x164: {  	[sflag:s18] =	ssyncset.done $0x0  }
0x165: {  	s7 =	rddreg [dreg:$0xb];
	[sflag:s18] =	ssyncadd.s32 $0xFFFFC000  }
0x166: {  	[tilespmem:s14], [sflag:$0x2] =	stream.indirect.gather [hbm4b:s4+s12], $0x80, s7, s12, $0xb8;
	[tilespmem:$0x1CC00] =	vst v63  }
0x167: {  	_ =	swait.ge [sflag:s15], $0x4000  }
0x168: {  	[sflag:s15] =	ssyncset.done $0x0  }
0x169: {  	s8 =	rddreg [dreg:$0xc];
	[sflag:s15] =	ssyncadd.s32 $0xFFFFC000  }
0x16a: {  	[spmem:s2] =	stream.indirect.scatter.add.f32 [tilespmem:s13], [sflag:$0x3], $0x80, s8, s12, $0xb8;
	[tilespmem:$0x1CC00] =	vst v63  }
0x16b: {  	_ =	swait.ge [sflag:s16], $0x4000  }
0x16c: {  	[sflag:s16] =	ssyncset.done $0x0  }
0x16d: {  	s9 =	rddreg [dreg:$0xd];
	[sflag:s16] =	ssyncadd.s32 $0xFFFFC000  }
0x16e: {  	[spmem:s2] =	stream.indirect.scatter.add.f32 [tilespmem:s14], [sflag:$0x4], $0x80, s9, s12, $0xb8;
	[tilespmem:$0x1CC00] =	vst v63  }
0x16f: {  	_ =	swait.ge [sflag:s17], $0x4000  }
0x170: {  	[sflag:s17] =	ssyncset.done $0x0  }
0x171: {  	s7 =	rddreg [dreg:$0xe];
	[sflag:s17] =	ssyncadd.s32 $0xFFFFC000  }
0x172: {  	[tilespmem:s13], [sflag:$0x1] =	stream.indirect.gather [hbm4b:s4+s12], $0x80, s7, s12, $0xb8;
	[tilespmem:$0x1CC00] =	vst v63  }
0x173: {  	_ =	swait.ge [sflag:s18], $0x4000  }
0x174: {  	[sflag:s18] =	ssyncset.done $0x0  }
0x175: {  	s8 =	rddreg [dreg:$0xf];
	[sflag:s18] =	ssyncadd.s32 $0xFFFFC000  }
0x176: {  	[tilespmem:s14], [sflag:$0x2] =	stream.indirect.gather [hbm4b:s4+s12], $0x80, s8, s12, $0xb8;
	[tilespmem:$0x1CC00] =	vst v63  }
0x177: {  	_ =	swait.ge [sflag:s15], $0x4000  }
0x178: {  	[sflag:s15] =	ssyncset.done $0x0  }
0x179: {  	s9 =	rddreg [dreg:$0x10];
	[sflag:s15] =	ssyncadd.s32 $0xFFFFC000  }
0x17a: {  	[spmem:s2] =	stream.indirect.scatter.add.f32 [tilespmem:s13], [sflag:$0x3], $0x80, s9, s12, $0xb8;
	[tilespmem:$0x1CC00] =	vst v63  }
0x17b: {  	_ =	swait.ge [sflag:s16], $0x4000  }
0x17c: {  	[sflag:s16] =	ssyncset.done $0x0  }
0x17d: {  	s7 =	rddreg [dreg:$0x11];
	[sflag:s16] =	ssyncadd.s32 $0xFFFFC000  }
0x17e: {  	[spmem:s2] =	stream.indirect.scatter.add.f32 [tilespmem:s14], [sflag:$0x4], $0x80, s7, s12, $0xb8;
	[tilespmem:$0x1CC00] =	vst v63  }
0x17f: {  	_ =	swait.ge [sflag:s17], $0x4000  }
0x180: {  	[sflag:s17] =	ssyncset.done $0x0  }
0x181: {  	s8 =	rddreg [dreg:$0x12];
	[sflag:s17] =	ssyncadd.s32 $0xFFFFC000  }
0x182: {  	[tilespmem:s13], [sflag:$0x1] =	stream.indirect.gather [hbm4b:s4+s12], $0x80, s8, s12, $0xb8;
	[tilespmem:$0x1CC00] =	vst v63  }
0x183: {  	_ =	swait.ge [sflag:s18], $0x4000  }
0x184: {  	[sflag:s18] =	ssyncset.done $0x0  }
0x185: {  	[sflag:s18] =	ssyncadd.s32 $0xFFFFC000  }
0x186: {  	[tilespmem:s14], [sflag:$0x2] =	stream.indirect.gather [hbm4b:s4+s12], $0x80, s19, s12, $0xb8;
	[tilespmem:$0x1CC00] =	vst v63  }
0x187: {  	_ =	swait.ge [sflag:s15], $0x4000  }
0x188: {  	[sflag:s15] =	ssyncset.done $0x0  }
0x189: {  	[sflag:s15] =	ssyncadd.s32 $0xFFFFC000  }
0x18a: {  	[spmem:s2] =	stream.indirect.scatter.add.f32 [tilespmem:s13], [sflag:$0x3], $0x80, s20, s12, $0xb8;
	[tilespmem:$0x1CC00] =	vst v63  }
0x18b: {  	_ =	swait.ge [sflag:s16], $0x4000  }
0x18c: {  	[sflag:s16] =	ssyncset.done $0x0  }
0x18d: {  	[sflag:s16] =	ssyncadd.s32 $0xFFFFC000  }
0x18e: {  	[spmem:s2] =	stream.indirect.scatter.add.f32 [tilespmem:s14], [sflag:$0x4], $0x80, s21, s12, $0xb8;
	[tilespmem:$0x1CC00] =	vst v63  }
0x18f: {  	_ =	swait.ge [sflag:s17], $0x4000  }
0x190: {  	[sflag:s17] =	ssyncset.done $0x0  }
0x191: {  	[sflag:s17] =	ssyncadd.s32 $0xFFFFC000  }
0x192: {  	[tilespmem:s13], [sflag:$0x1] =	stream.indirect.gather [hbm4b:s4+s12], $0x80, s22, s12, $0xb8;
	[tilespmem:$0x1CC00] =	vst v63  }
0x193: {  	_ =	swait.ge [sflag:s18], $0x4000  }
0x194: {  	[sflag:s18] =	ssyncset.done $0x0  }
0x195: {  	[sflag:s18] =	ssyncadd.s32 $0xFFFFC000  }
0x196: {  	[tilespmem:s14], [sflag:$0x2] =	stream.indirect.gather [hbm4b:s4+s12], $0x80, s23, s12, $0xb8;
	[tilespmem:$0x1CC00] =	vst v63  }
0x197: {  	_ =	swait.ge [sflag:s15], $0x4000  }
0x198: {  	[sflag:s15] =	ssyncset.done $0x0  }
0x199: {  	[sflag:s15] =	ssyncadd.s32 $0xFFFFC000  }
0x19a: {  	[spmem:s2] =	stream.indirect.scatter.add.f32 [tilespmem:s13], [sflag:$0x3], $0x80, s24, s12, $0xb8;
	[tilespmem:$0x1CC00] =	vst v63  }
0x19b: {  	_ =	swait.ge [sflag:s16], $0x4000  }
0x19c: {  	[sflag:s16] =	ssyncset.done $0x0  }
0x19d: {  	[sflag:s16] =	ssyncadd.s32 $0xFFFFC000  }
0x19e: {  	[spmem:s2] =	stream.indirect.scatter.add.f32 [tilespmem:s14], [sflag:$0x4], $0x80, s25, s12, $0xb8;
	[tilespmem:$0x1CC00] =	vst v63  }
0x19f: {  	_ =	swait.ge [sflag:s17], $0x4000  }
0x1a0: {  	[sflag:s17] =	ssyncset.done $0x0  }
0x1a1: {  	[sflag:s17] =	ssyncadd.s32 $0xFFFFC000  }
0x1a2: {  	[tilespmem:s13], [sflag:$0x1] =	stream.indirect.gather [hbm4b:s4+s12], $0x80, s26, s12, $0xb8;
	[tilespmem:$0x1CC00] =	vst v63  }
0x1a3: {  	_ =	swait.ge [sflag:s18], $0x4000  }
0x1a4: {  	[sflag:s18] =	ssyncset.done $0x0  }
0x1a5: {  	[sflag:s18] =	ssyncadd.s32 $0xFFFFC000  }
0x1a6: {  	[tilespmem:s14], [sflag:$0x2] =	stream.indirect.gather [hbm4b:s4+s12], $0x80, s28, s12, $0xb8;
	[tilespmem:$0x1CC00] =	vst v63  }
0x1a7: {  	_ =	swait.ge [sflag:s15], $0x4000  }
0x1a8: {  	[sflag:s15] =	ssyncset.done $0x0  }
0x1a9: {  	[sflag:s15] =	ssyncadd.s32 $0xFFFFC000  }
0x1aa: {  	[spmem:s2] =	stream.indirect.scatter.add.f32 [tilespmem:s13], [sflag:$0x3], $0x80, s29, s12, $0xb8;
	[tilespmem:$0x1CC00] =	vst v63  }
0x1ab: {  	_ =	swait.ge [sflag:s16], $0x4000  }
0x1ac: {  	[sflag:s16] =	ssyncset.done $0x0  }
0x1ad: {  	[sflag:s16] =	ssyncadd.s32 $0xFFFFC000  }
0x1ae: {  	[spmem:s2] =	stream.indirect.scatter.add.f32 [tilespmem:s14], [sflag:$0x4], $0x80, s30, s12, $0xb8;
	[tilespmem:$0x1CC00] =	vst v63  }
0x1af: {  	_ =	swait.ge [sflag:s17], $0x4000  }
0x1b0: {  	[sflag:s17] =	ssyncset.done $0x0  }
0x1b1: {  	[sflag:s17] =	ssyncadd.s32 $0xFFFFC000  }
0x1b2: {  	[tilespmem:s13], [sflag:$0x1] =	stream.indirect.gather [hbm4b:s4+s12], $0x80, s31, s12, $0xb8;
	[tilespmem:$0x1CC00] =	vst v63  }
0x1b3: {  	_ =	swait.ge [sflag:s18], $0x4000  }
0x1b4: {  	[sflag:s18] =	ssyncset.done $0x0  }
0x1b5: {  	[sflag:s18] =	ssyncadd.s32 $0xFFFFC000  }
0x1b6: {  	[tilespmem:s14], [sflag:$0x2] =	stream.indirect.gather [hbm4b:s4+s12], $0x80, s1, s12, $0xb8;
	[tilespmem:$0x1CC00] =	vst v63  }
0x1b7: {  	_ =	swait.ge [sflag:s15], $0x4000  }
0x1b8: {  	[sflag:s15] =	ssyncset.done $0x0  }
0x1b9: {  	[sflag:s15] =	ssyncadd.s32 $0xFFFFC000  }
0x1ba: {  	[spmem:s2] =	stream.indirect.scatter.add.f32 [tilespmem:s13], [sflag:$0x3], $0x80, s0, s12, $0xb8;
	[tilespmem:$0x1CC00] =	vst v63  }
0x1bb: {  	_ =	swait.ge [sflag:s16], $0x4000  }
0x1bc: {  	[sflag:s16] =	ssyncset.done $0x0  }
0x1bd: {  	[sflag:s16] =	ssyncadd.s32 $0xFFFFC000  }
0x1be: {  	[spmem:s2] =	stream.indirect.scatter.add.f32 [tilespmem:s14], [sflag:$0x4], $0x80, s5, s12, $0xb8;
	[tilespmem:$0x1CC00] =	vst v63  }
0x1bf: {  	_ =	swait.ge [sflag:s17], $0x4000  }
0x1c0: {  	[sflag:s17] =	ssyncset.done $0x0  }
0x1c1: {  	[sflag:s17] =	ssyncadd.s32 $0xFFFFC000  }
0x1c2: {  	_ =	swait.ge [sflag:s18], $0x4000  }
0x1c3: {  	[sflag:s18] =	ssyncset.done $0x0  }
0x1c4: {  	[sflag:s18] =	ssyncadd.s32 $0xFFFFC000  }
0x1c5: {  	[bflag:$0x0] =	sbarrier.arrive $0xFFFF  }
0x1c6: {  	s7 =	rddreg [dreg:$0x14]  }
0x1c7: {  	s9 =	rddreg [dreg:$0x15]  }
0x1c8: {  	s8 =	rddreg [dreg:$0x17]  }
0x1c9: {  	[hbm:s9], [sflag:s7] =	dma.local [spmem:s8], $0x2780  }
0x1ca: {  	_ =	swait.ge [sflag:s10], $0x2780  }
0x1cb: {  	s6 =	rddreg [dreg:$0x18]  }
0x1cc: {  	s9 =	sadd.s32 $0x1, s6;
	s6 =	rddreg [dreg:$0x16]  }
0x1cd: {  	p0 =	sne.s32 s9, s6  }
.Ltmp1:
0x1ce: {  	_ = 	snop;
	(pc) =	sbr.rel @p0 .LBB2_1-.Ltmp1, $3  }
0x1cf: {  	_ =	sdelay $0x1  }
0x1d0: {  	[sflag:s10] =	ssyncset.done $0x0  }
0x1d1: {  	[sflag:s10] =	ssyncadd.s32 $0xFFFFD880  }
0x1d2: {  	_ =	sfence.sel $0x180000  }
0x1d3: {  	[bflag:$0x0] =	sbarrier.arrive $0xFFFF  }
0x1d4: {  	_ =	strace $0x9000004A  }
0x1d5: {  	s0 =	stileid.u32;
	[bflag:$0x2] =	sbarrier.arrive $0xFFFF  }
0x1d6: {  	p0 =	sne.s32 s0, $0x0;
	s0 =	rddreg [dreg:$0x2]  }
0x1d7: {  	s0 =	sadd.s32 @!p0 $0x100000, s0  }
0x1d8: {  	[sflag:s0] =	ssyncadd.tile.s32 @!p0 $0x1;
	_ =	shalt  }
.Lfunc_end2:
_tile_overlayer_lowered:
.L_overlay_start_2:
0x1d9: {  	(tag) =	ssettag $0x2  }
0x1da: {  	s0 =	rddreg [dreg:$0x0];
	s2 =	stileid.u32  }
0x1db: {  	s1 =	rddreg [dreg:$0x1];
	p0 =	sne.s32 s2, $0x0  }
0x1dc: {  	s3 =	rddreg [dreg:$0x2];
	[bflag:$0x3] =	sbarrier.arrive $0xFFFF;
	s2 =	simm.s32 @!p0 $0x1C05  }
0x1dd: {  	[timem:s3], [sflag:s2] =	dma.local @!p0 [hbm:s0], s1  }
0x1de: {  	s0 =	simm.s32 @!p0 $0x5  }
0x1df: {  	_ =	swait.ge @!p0 [sflag:s0], s1  }
0x1e0: {  	s1 =	ssub.s32 @!p0 $0x0, s1;
	[sflag:s0] =	ssyncset.done @!p0 $0x0  }
0x1e1: {  	[sflag:s0] =	ssyncadd.s32 @!p0 s1  }
0x1e2: {  	[bflag:$0x3] =	sbarrier.arrive $0xFFFF  }
0x1e3: {  	_ =	shalt  }

// kernel: kernel.18.cloned.1.call-start
scs
__scs_entry_jumppad:
0x0: {  	(pc) =	sbr.rel $0x88, $3  }
0x1: {  	(tag) =	ssettag $0x0;
	lr =	simm.s32 $0x1  }
0x2: {  	[smem:$0x3F88] =	sst lr;
	_ =	strace $0xD0000000  }
0x3: {  	_ = 	snop  }
0x4: {  	_ = 	snop  }
0x5: {  	_ = 	snop  }
0x6: {  	_ = 	snop  }
0x7: {  	_ = 	snop  }
__scs_overlays_trampoline_lowered:
0x8: {  	[smem:$0x3F97] =	sst s0  }
0x9: {  	[smem:$0x3F98] =	sst s1  }
0xa: {  	[smem:$0x3F99] =	sst s2  }
0xb: {  	[smem:$0x3F9A] =	sst s3  }
0xc: {  	[smem:$0x3F9B] =	sst s4  }
0xd: {  	[smem:$0x3F9C] =	sst s5  }
0xe: {  	[smem:$0x3F9D] =	sst s6  }
0xf: {  	[smem:$0x3F9E] =	sst s7  }
0x10: {  	[smem:$0x3F9F] =	sst s8  }
0x11: {  	[smem:$0x3FA0] =	sst s9;
	s0 =	simm.s32 @!p0 $0x0  }
0x12: {  	s1 =	sld [smem:$0x3F86];
	s0 =	simm.s32 @p0 $0x1  }
0x13: {  	[smem:$0x3FA1] =	sst s0;
	s0 =	simm.s32 @!p1 $0x0  }
0x14: {  	s2 =	sld [smem:$0x3F85];
	s0 =	simm.s32 @p1 $0x1  }
0x15: {  	[smem:$0x3FA2] =	sst s0;
	s0 =	simm.s32 @!p2 $0x0  }
0x16: {  	s3 =	sld [smem:$0x3FDB];
	s0 =	simm.s32 @p2 $0x1  }
0x17: {  	s4 =	simm.s32 $0x1BF5;
	[smem:$0x3FA4] =	sst s0  }
0x18: {  	s0 =	sld [smem:$0x3F87];
	_ =	swait.ge [sflag:s4], $0x0  }
0x19: {  	s7 =	sld [smem:$0x3F88]  }
0x1a: {  	s8 =	sadd.s32 $0xFFFFE003, lr  }
0x1b: {  	s9 =	sadd.s32 $0xFFFFFEF7, lr;
	s5 =	simm.s32 $0xFFFFFFFF;
	p2 =	slt.u32 s8, $0xFFFFF086  }
0x1c: {  	p1 =	slt.u32 s9, $0xF7A;
	s5 =	simm.s32 @!p2 $0x0  }
0x1d: {  	s5 =	simm.s32 @p1 $0x1;
	p0 =	seq.s32 s7, s2  }
0x1e: {  	s7 =	smul.u32 @!p0 $0xF7A, s2;
	p2 =	seq.s32 @!p0 s5, $0x0  }
0x1f: {  	s9 =	smul.u32 $0xF7A, s1;
	s8 =	simm.s32 @!p0 $0x1BF5;
	p2 =	por !p2, p0  }
0x20: {  	[sflag:s8] =	ssyncset.s32 @!p0 $0xFFFFF086;
	s6 =	sadd.s32 @!p0 s3, s7;
	s7 =	simm.s32 @!p0 $0x108  }
0x21: {  	s3 =	sadd.s32 s3, s9;
	s6 =	sadd.s32 @!p0 $0x88, s6;
	s7 =	simm.s32 @p2 $0x1082  }
0x22: {  	[simem:s7], [sflag:s8] =	dma.local @!p0 [hbm:s6], $0xF7A  }
0x23: {  	s9 =	sor.u32 $0xD0000000, s2;
	s6 =	simm.s32 $0x108;
	_ =	swait.ge @!p0 [sflag:s8], $0x0  }
0x24: {  	s3 =	sadd.s32 $0x88, s3;
	s6 =	simm.s32 @!p1 $0x1082;
	[sflag:s4] =	ssyncset.s32 $0xFFFFF086  }
0x25: {  	[simem:s6], [sflag:s4] =	dma.local [hbm:s3], $0xF7A  }
0x26: {  	[smem:$0x3F88] =	sst s1;
	(tag) =	ssettag s2;
	_ =	strace s9  }
0x27: {  	s1 =	sld [smem:$0x3F98]  }
0x28: {  	s2 =	sld [smem:$0x3F99]  }
0x29: {  	s4 =	sld [smem:$0x3F9B]  }
0x2a: {  	p0 =	seq.s32 s5, $0x0;
	s5 =	sld [smem:$0x3F9C]  }
0x2b: {  	s6 =	sld [smem:$0x3F9D]  }
0x2c: {  	s7 =	sld [smem:$0x3F9E]  }
0x2d: {  	s3 =	simm.s32 $0x108;
	s8 =	sld [smem:$0x3F9F]  }
0x2e: {  	s3 =	simm.s32 @!p0 $0x1082;
	s9 =	sld [smem:$0x3FA0]  }
0x2f: {  	lr =	sadd.s32 s0, s3;
	s0 =	sld [smem:$0x3F97]  }
0x30: {  	s3 =	sld [smem:$0x3F9A]  }
0x31: {  	[smem:$0x3FA3] =	sst s10  }
0x32: {  	s10 =	sld [smem:$0x3FA1];
	_ =	sdelay $0x3  }
0x33: {  	p0 =	seq.s32 s10, $0x1;
	s10 =	sld [smem:$0x3FA3];
	_ =	sdelay $0x3  }
0x34: {  	[smem:$0x3FA3] =	sst s10  }
0x35: {  	s10 =	sld [smem:$0x3FA2];
	_ =	sdelay $0x3  }
0x36: {  	p1 =	seq.s32 s10, $0x1;
	s10 =	sld [smem:$0x3FA3];
	_ =	sdelay $0x3  }
0x37: {  	[smem:$0x3FA3] =	sst s10  }
0x38: {  	s10 =	sld [smem:$0x3FA4]  }
0x39: {  	_ = 	snop;
	(pc) =	sbr.ind lr, $3  }
0x3a: {  	_ = 	snop  }
0x3b: {  	_ = 	snop  }
0x3c: {  	p2 =	seq.s32 s10, $0x1;
	s10 =	sld [smem:$0x3FA3]  }
0x3d: {  	_ =	shalt  }
0x3e: {  	_ =	shalt  }
0x3f: {  	_ =	shalt  }
0x40: {  	_ =	shalt  }
0x41: {  	_ =	shalt  }
0x42: {  	_ =	shalt  }
0x43: {  	_ =	shalt  }
0x44: {  	_ =	shalt  }
0x45: {  	_ =	shalt  }
0x46: {  	_ =	shalt  }
0x47: {  	_ =	shalt  }
0x48: {  	_ =	shalt  }
0x49: {  	_ =	shalt  }
0x4a: {  	_ =	shalt  }
0x4b: {  	_ =	shalt  }
0x4c: {  	_ =	shalt  }
0x4d: {  	_ =	shalt  }
0x4e: {  	_ =	shalt  }
0x4f: {  	_ =	shalt  }
0x50: {  	_ =	shalt  }
0x51: {  	_ =	shalt  }
0x52: {  	_ =	shalt  }
0x53: {  	_ =	shalt  }
0x54: {  	_ =	shalt  }
0x55: {  	_ =	shalt  }
0x56: {  	_ =	shalt  }
0x57: {  	_ =	shalt  }
0x58: {  	_ =	shalt  }
0x59: {  	_ =	shalt  }
0x5a: {  	_ =	shalt  }
0x5b: {  	_ =	shalt  }
0x5c: {  	_ =	shalt  }
0x5d: {  	_ =	shalt  }
0x5e: {  	_ =	shalt  }
0x5f: {  	_ =	shalt  }
0x60: {  	_ =	shalt  }
0x61: {  	_ =	shalt  }
0x62: {  	_ =	shalt  }
0x63: {  	_ =	shalt  }
0x64: {  	_ =	shalt  }
0x65: {  	_ =	shalt  }
0x66: {  	_ =	shalt  }
0x67: {  	_ =	shalt  }
0x68: {  	_ =	shalt  }
0x69: {  	_ =	shalt  }
0x6a: {  	_ =	shalt  }
0x6b: {  	_ =	shalt  }
0x6c: {  	_ =	shalt  }
0x6d: {  	_ =	shalt  }
0x6e: {  	_ =	shalt  }
0x6f: {  	_ =	shalt  }
0x70: {  	_ =	shalt  }
0x71: {  	_ =	shalt  }
0x72: {  	_ =	shalt  }
0x73: {  	_ =	shalt  }
0x74: {  	_ =	shalt  }
0x75: {  	_ =	shalt  }
0x76: {  	_ =	shalt  }
0x77: {  	_ =	shalt  }
0x78: {  	_ =	shalt  }
0x79: {  	_ =	shalt  }
0x7a: {  	_ =	shalt  }
0x7b: {  	_ =	shalt  }
0x7c: {  	_ =	shalt  }
0x7d: {  	_ =	shalt  }
0x7e: {  	_ =	shalt  }
0x7f: {  	_ =	shalt  }
0x80: {  	_ =	shalt  }
0x81: {  	_ =	shalt  }
0x82: {  	_ =	shalt  }
0x83: {  	_ =	shalt  }
0x84: {  	_ =	shalt  }
0x85: {  	_ =	shalt  }
0x86: {  	_ =	shalt  }
0x87: {  	_ =	shalt  }
.Lfunc_end0:
.L_simem_size_0:
called_computation.2_lowered:
.L_overlay_start_0:
0x88: {  	s2 =	sld [smem:$0x3FD9]  }
0x89: {  	s3 =	sld [smem:$0x3FFE];
	_ =	sdelay $0x1  }
0x8a: {  	s1 =	srdreg.scid  }
0x8b: {  	s0 =	sand.u32 $0x1, s1  }
0x8c: {  	s16 =	sshll.u32 s0, $0xA;
	s2 =	sadd.s32 s3, s2  }
0x8d: {  	s2 =	sadd.s32 s2, s16  }
0x8e: {  	[smem:$0x3FAF] =	sst s2  }
0x8f: {  	_ = 	snop  }
0x90: {  	(tm) =	ssettm $0x1  }
0x91: {  	s17 =	sld [smem:$0x3FFB];
	_ =	sdelay $0x3  }
0x92: {  	_ =	strace s17  }
0x93: {  	s2 =	sld [smem:$0x3FFC];
	_ =	sdelay $0x3  }
0x94: {  	_ =	strace s2  }
0x95: {  	s2 =	sld [smem:$0x3FFD];
	_ =	sdelay $0x3  }
0x96: {  	_ =	strace s2  }
0x97: {  	_ =	strace $0x8FFFFFFF  }
0x98: {  	s18 =	sld [smem:$0x3FDB];
	_ =	sdelay $0x1  }
0x99: {  	s19 =	simm.s32 $_scs_section_size  }
0x9a: {  	s4 =	simm.s32 $_size__tile_overlayer_lowered;
	s5 =	simm.s32 $_tile_overlayer_lowered  }
0x9b: {  	s22 =	simm.s32 $0x1BFF;
	s21 =	sshll.u32 s5, $0x1;
	s2 =	sadd.s32 s19, s18  }
0x9c: {  	s6 =	simm.s32 $0x0;
	s20 =	sshll.u32 s4, $0x1;
	s4 =	sadd.s32 s21, s2  }
0x9d: {  	[timem:s6], [sflag:s22] =	dma.local [hbm:s4], s20  }
0x9e: {  	_ =	swait.ge [sflag:s22], s20  }
0x9f: {  	s3 =	ssub.s32 $0x0, s20;
	[sflag:s22] =	ssyncset.done $0x0  }
0xa0: {  	[sflag:s22] =	ssyncadd.s32 s3;
	_ =	sdelay $0x1  }
0xa1: {  	s23 =	simm.s32 $0x1B8B  }
0xa2: {  	_ =	swait.ge [sflag:s23], $0x1  }
0xa3: {  	[sflag:s23] =	ssyncset.done $0x0  }
0xa4: {  	s25 =	simm.s32 $0x1B8E;
	s24 =	sld [smem:$0x3FFE];
	[sflag:s23] =	ssyncadd.s32 $0xFFFFFFFF  }
0xa5: {  	s26 =	simm.s32 $execute0_lowered;
	[smem:$0x3FD2] =	sst s25  }
0xa6: {  	s4 =	sshll.u32 s26, $0x1;
	_ =	strace $0x8000004C;
	[dreg:$0x1] =	wrdreg $0xFFFFFFFF  }
0xa7: {  	s28 =	simm.s32 $_size_execute0_lowered;
	s2 =	sadd.s32 s2, s4;
	[dreg:$0x0] =	wrdreg $0x0  }
0xa8: {  	s4 =	sshll.u32 s28, $0x1;
	[dreg:$0x2] =	wrdreg s2  }
0xa9: {  	[dreg:$0x3] =	wrdreg s4  }
0xaa: {  	[dreg:$0x4] =	wrdreg $0xC0  }
0xab: {  	_ =	task [dreg:s6], $0x5FFFF  }
0xac: {  	[dreg:$0x1] =	wrdreg $0xFFFFFFFF  }
0xad: {  	[dreg:$0x0] =	wrdreg $0x60  }
0xae: {  	[dreg:$0x2] =	wrdreg s24  }
0xaf: {  	[dreg:$0x3] =	wrdreg $0xA0000  }
0xb0: {  	[dreg:$0x4] =	wrdreg $0x9  }
0xb1: {  	_ =	task.clear_ibuf [dreg:s6], $0x5FFFF;
	_ =	strace $0x9000004C  }
0xb2: {  	s29 =	simm.s32 $0x9;
	_ =	strace $0x8000004E  }
0xb3: {  	_ =	swait.ge [sflag:s29], $0x1  }
0xb4: {  	[sflag:s29] =	ssyncadd.s32 $0xFFFFFFFF  }
0xb5: {  	_ =	strace $0x9000004E  }
0xb6: {  	_ =	sfence  }
0xb7: {  	s30 =	sld [smem:$0x0];
	_ =	sdelay $0x2  }
0xb8: {  	s31 =	sshll.u32 s1, $0xD;
	s1 =	sshrl.u32 s1, $0x2  }
0xb9: {  	s3 =	sand.u32 $0x4000, s31;
	s1 =	sadd.s32 s1, s30  }
0xba: {  	s0 =	sor.u32 s3, s0;
	s1 =	sshll.u32 s1, $0x11  }
0xbb: {  	s0 =	sor.u32 s1, s0  }
0xbc: {  	s0 =	sadd.s32 $0x8F2B, s0  }
0xbd: {  	[sflag:s0] =	ssyncadd.remote.s32 $0x1  }
0xbe: {  	_ =	sfence.sel $0xFFFF  }
0xbf: {  	[dreg:$0x0] =	wrdreg $0xFFFFFFFF;
	(pc) =	sbr.abs _section_cstart, $3  }
0xc0: {  	[dreg:$0x1] =	wrdreg $0xFFFFFFFF  }
0xc1: {  	_ =	task.clear_ibuf [dreg:s6], $0x2FFFF;
	_ =	strace $0x9FFFFFFF  }
0xc2: {  	(tm) =	ssettm $0x7FFFFFFF  }
0xc3: {  	_ =	shalt  }
tec
execute0_lowered:
.L_overlay_start_1:
0x0: {  	(tag) =	ssettag $0x1  }
0x1: {  	s8 =	rddreg [dreg:$0x0]  }
0x2: {  	s1 =	rddreg [dreg:$0x1]  }
0x3: {  	s2 =	srdreg.scid;
	s0 =	rddreg [dreg:$0x2]  }
0x4: {  	s3 =	simm.s32 $0x0;
	s17 =	simm.s32 $0x2000;
	s18 =	simm.s32 $0x6000  }
0x5: {  	s19 =	simm.s32 $0x1;
	s20 =	simm.s32 $0x2;
	s21 =	simm.s32 $0x3  }
0x6: {  	s22 =	simm.s32 $0x4;
	s23 =	simm.s32 $0x1F00;
	s24 =	simm.s32 $0x1F80  }
0x7: {  	s9 =	sand.u32 $0x1, s2;
	s2 =	stileid.u32;
	[smem:$0x7FF] =	sst s3  }
0x8: {  	s4 =	sadd.s32 $0x10200, s8;
	s5 =	sadd.s32 $0xB8A00, s8;
	s10 =	smul.u32 $0x13C000, s9  }
0x9: {  	s6 =	sadd.s32 $0x3A00, s8;
	s7 =	sadd.s32 $0xDA00, s8;
	s11 =	smul.u32 $0x13C00, s2  }
0xa: {  	_ =	strace $0x8000004D;
	s28 =	ssub.s32 $0x2, s9;
	s12 =	smul.u32 $0x4F000, s2  }
0xb: {  	s14 =	smul.u32 $0x50000, s9;
	s31 =	sshll.u32 s2, $0x6;
	s29 =	sshrl.u32 s28, $0x1  }
0xc: {  	s9 =	sor.u32 $0x1C05, s31;
	s10 =	sadd.s32 s11, s10;
	s30 =	sshrl.u32 s12, $0x2  }
0xd: {  	s15 =	ssub.s32 s28, s29;
	s10 =	sshrl.u32 s10, $0x3;
	s16 =	sadd.s32 s30, s1  }
0xe: {  	s12 =	smax.u32 s15, $0x1;
	s13 =	sadd.s32 s10, s8;
	s8 =	smul.u32 $0x5000, s2  }
0xf: {  	s15 =	simm.s32 $0x1000;
	s11 =	sadd.s32 $0x5E400, s13;
	s13 =	sshrl.u32 s16, $0x3  }
0x10: {  	s16 =	simm.s32 $0x80;
	s10 =	sadd.s32 s14, s8;
	s14 =	simm.s32 $0x5  }
.LBB2_1:
0x11: {  	[spmem:s13], [sflag:s9] =	dma.local [hbm:s7], $0x2780  }
0x12: {  	_ =	swait.ge [sflag:s14], $0x2780  }
0x13: {  	[sflag:s14] =	ssyncset.done $0x0  }
0x14: {  	[sflag:s14] =	ssyncadd.s32 $0xFFFFD880  }
0x15: {  	s25 =	simm.s32 $0x0;
	[bflag:$0x0] =	sbarrier.arrive $0xFFFF  }
.LBB2_2:
0x16: {  	s26 =	sshll.u32 s25, $0xC  }
0x17: {  	s28 =	sadd.s32 s10, s26  }
0x18: {  	s28 =	sshrl.u32 s28, $0x3  }
0x19: {  	s29 =	simm.s32 $0x0;
	s28 =	sadd.s32 s5, s28  }
0x1a: {  	[tilespmem:s29], [sflag:$0x5] =	stream.linear.gather [hbm4b:s28+s29], $0x1000, $0x38;
	[tilespmem:$0x1DC00] =	vst v63  }
0x1b: {  	s26 =	sadd.s32 s8, s26;
	_ =	swait.ge [sflag:s14], $0x1000  }
0x1c: {  	s26 =	sshrl.u32 s26, $0x3;
	[sflag:s14] =	ssyncset.done $0x0  }
0x1d: {  	s26 =	sadd.s32 s6, s26;
	[sflag:s14] =	ssyncadd.s32 $0xFFFFF000  }
0x1e: {  	[tilespmem:s15], [sflag:$0x5] =	stream.linear.gather [hbm4b:s26+s29], $0x1000, $0x38;
	[tilespmem:$0x1DC00] =	vst v63  }
0x1f: {  	_ =	swait.ge [sflag:s14], $0x1000  }
0x20: {  	[sflag:s14] =	ssyncset.done $0x0  }
0x21: {  	[sflag:s14] =	ssyncadd.s32 $0xFFFFF000  }
0x22: {  	[tilespmem:s17], [sflag:$0x1] =	stream.indirect.gather [hbm4b:s4+s16], $0x80, s29, s16, $0xb8;
	[tilespmem:$0x1DC00] =	vst v63  }
0x23: {  	_ = 	snop  }
0x24: {  	[tilespmem:s18], [sflag:$0x2] =	stream.indirect.gather [hbm4b:s4+s16], $0x80, s16, s16, $0xb8;
	[tilespmem:$0x1DC00] =	vst v63  }
0x25: {  	_ =	swait.ge [sflag:s19], $0x4000  }
0x26: {  	[sflag:s19] =	ssyncset.done $0x0  }
0x27: {  	s29 =	simm.s32 $0x1000;
	[sflag:s19] =	ssyncadd.s32 $0xFFFFC000  }
0x28: {  	[spmem:s1] =	stream.indirect.scatter.add.f32 [tilespmem:s17], [sflag:$0x3], $0x80, s29, s16, $0xb8;
	[tilespmem:$0x1DC00] =	vst v63  }
0x29: {  	_ =	swait.ge [sflag:s20], $0x4000  }
0x2a: {  	[sflag:s20] =	ssyncset.done $0x0  }
0x2b: {  	s30 =	simm.s32 $0x1080;
	[sflag:s20] =	ssyncadd.s32 $0xFFFFC000  }
0x2c: {  	[spmem:s1] =	stream.indirect.scatter.add.f32 [tilespmem:s18], [sflag:$0x4], $0x80, s30, s16, $0xb8;
	[tilespmem:$0x1DC00] =	vst v63  }
0x2d: {  	_ =	swait.ge [sflag:s21], $0x4000  }
0x2e: {  	[sflag:s21] =	ssyncset.done $0x0  }
0x2f: {  	s31 =	simm.s32 $0x100;
	[sflag:s21] =	ssyncadd.s32 $0xFFFFC000  }
0x30: {  	[tilespmem:s17], [sflag:$0x1] =	stream.indirect.gather [hbm4b:s4+s16], $0x80, s31, s16, $0xb8;
	[tilespmem:$0x1DC00] =	vst v63  }
0x31: {  	_ =	swait.ge [sflag:s22], $0x4000  }
0x32: {  	[sflag:s22] =	ssyncset.done $0x0  }
0x33: {  	s28 =	simm.s32 $0x180;
	s26 =	simm.s32 $0x400;
	[sflag:s22] =	ssyncadd.s32 $0xFFFFC000  }
.LBB2_3:
0x34: {  	[tilespmem:s18], [sflag:$0x2] =	stream.indirect.gather [hbm4b:s4+s16], $0x80, s28, s16, $0xb8;
	[tilespmem:$0x1DC00] =	vst v63  }
0x35: {  	s28 =	smov.u32 s26  }
0x36: {  	p0 =	sne.s32 s26, $0x3800;
	s26 =	sadd.s32 $0x400, s26;
	_ =	swait.ge [sflag:s19], $0x4000  }
0x37: {  	s28 =	sshra.s32 s28, $0x2;
	[sflag:s19] =	ssyncset.done $0x0  }
0x38: {  	s29 =	sadd.s32 $0x1000, s28;
	[sflag:s19] =	ssyncadd.s32 $0xFFFFC000  }
0x39: {  	[spmem:s1] =	stream.indirect.scatter.add.f32 [tilespmem:s17], [sflag:$0x3], $0x80, s29, s16, $0xb8;
	[tilespmem:$0x1DC00] =	vst v63  }
0x3a: {  	_ =	swait.ge [sflag:s20], $0x4000  }
0x3b: {  	[sflag:s20] =	ssyncset.done $0x0  }
0x3c: {  	s29 =	sadd.s32 $0x1080, s28;
	[sflag:s20] =	ssyncadd.s32 $0xFFFFC000  }
0x3d: {  	[spmem:s1] =	stream.indirect.scatter.add.f32 [tilespmem:s18], [sflag:$0x4], $0x80, s29, s16, $0xb8;
	[tilespmem:$0x1DC00] =	vst v63  }
0x3e: {  	_ =	swait.ge [sflag:s21], $0x4000  }
0x3f: {  	[sflag:s21] =	ssyncset.done $0x0  }
.Ltmp0:
0x40: {  	s29 =	sadd.s32 $0x100, s28;
	[sflag:s21] =	ssyncadd.s32 $0xFFFFC000;
	(pc) =	sbr.rel @p0 .LBB2_3-.Ltmp0, $4  }
0x41: {  	[tilespmem:s17], [sflag:$0x1] =	stream.indirect.gather [hbm4b:s4+s16], $0x80, s29, s16, $0xb8;
	[tilespmem:$0x1DC00] =	vst v63  }
0x42: {  	_ =	swait.ge [sflag:s22], $0x4000  }
0x43: {  	[sflag:s22] =	ssyncset.done $0x0  }
0x44: {  	s28 =	sadd.s32 $0x180, s28;
	[sflag:s22] =	ssyncadd.s32 $0xFFFFC000  }
0x45: {  	[tilespmem:s18], [sflag:$0x2] =	stream.indirect.gather [hbm4b:s4+s16], $0x80, s28, s16, $0xb8;
	[tilespmem:$0x1DC00] =	vst v63  }
0x46: {  	_ =	swait.ge [sflag:s19], $0x4000  }
0x47: {  	[sflag:s19] =	ssyncset.done $0x0  }
0x48: {  	[sflag:s19] =	ssyncadd.s32 $0xFFFFC000  }
0x49: {  	[spmem:s1] =	stream.indirect.scatter.add.f32 [tilespmem:s17], [sflag:$0x3], $0x80, s23, s16, $0xb8;
	[tilespmem:$0x1DC00] =	vst v63  }
0x4a: {  	_ =	swait.ge [sflag:s20], $0x4000  }
0x4b: {  	[sflag:s20] =	ssyncset.done $0x0  }
0x4c: {  	s25 =	sadd.s32 $0x1, s25;
	[sflag:s20] =	ssyncadd.s32 $0xFFFFC000  }
0x4d: {  	[spmem:s1] =	stream.indirect.scatter.add.f32 [tilespmem:s18], [sflag:$0x4], $0x80, s24, s16, $0xb8;
	[tilespmem:$0x1DC00] =	vst v63  }
0x4e: {  	p0 =	sne.s32 s25, $0x5;
	_ =	swait.ge [sflag:s21], $0x4000  }
.Ltmp1:
0x4f: {  	[sflag:s21] =	ssyncset.done $0x0;
	(pc) =	sbr.rel @p0 .LBB2_2-.Ltmp1, $4  }
0x50: {  	[sflag:s21] =	ssyncadd.s32 $0xFFFFC000  }
0x51: {  	_ =	swait.ge [sflag:s22], $0x4000  }
0x52: {  	[sflag:s22] =	ssyncset.done $0x0  }
0x53: {  	[sflag:s22] =	ssyncadd.s32 $0xFFFFC000  }
0x54: {  	s3 =	sadd.s32 $0x1, s3  }
0x55: {  	p0 =	sne.s32 s3, s12  }
.Ltmp2:
0x56: {  	[bflag:$0x0] =	sbarrier.arrive $0xFFFF;
	(pc) =	sbr.rel @p0 .LBB2_1-.Ltmp2, $4  }
0x57: {  	[hbm:s11], [sflag:s9] =	dma.local [spmem:s13], $0x2780  }
0x58: {  	_ =	swait.ge [sflag:s14], $0x2780  }
0x59: {  	[sflag:s14] =	ssyncset.done $0x0  }
0x5a: {  	[sflag:s14] =	ssyncadd.s32 $0xFFFFD880  }
0x5b: {  	_ =	sfence.sel $0x180000  }
0x5c: {  	[bflag:$0x0] =	sbarrier.arrive $0xFFFF  }
0x5d: {  	p0 =	sne.s32 s2, $0x0;
	_ =	strace $0x9000004D  }
0x5e: {  	s0 =	sadd.s32 @!p0 $0x100000, s0;
	[bflag:$0x2] =	sbarrier.arrive $0xFFFF  }
0x5f: {  	[sflag:s0] =	ssyncadd.tile.s32 @!p0 $0x1;
	_ =	shalt  }
.Lfunc_end2:
_tile_overlayer_lowered:
.L_overlay_start_2:
0x60: {  	(tag) =	ssettag $0x2  }
0x61: {  	s0 =	rddreg [dreg:$0x0];
	s2 =	stileid.u32  }
0x62: {  	s1 =	rddreg [dreg:$0x1];
	p0 =	sne.s32 s2, $0x0  }
0x63: {  	s3 =	rddreg [dreg:$0x2];
	[bflag:$0x3] =	sbarrier.arrive $0xFFFF;
	s2 =	simm.s32 @!p0 $0x1C05  }
0x64: {  	[timem:s3], [sflag:s2] =	dma.local @!p0 [hbm:s0], s1  }
0x65: {  	s0 =	simm.s32 @!p0 $0x5  }
0x66: {  	_ =	swait.ge @!p0 [sflag:s0], s1  }
0x67: {  	s1 =	ssub.s32 @!p0 $0x0, s1;
	[sflag:s0] =	ssyncset.done @!p0 $0x0  }
0x68: {  	[sflag:s0] =	ssyncadd.s32 @!p0 s1  }
0x69: {  	[bflag:$0x3] =	sbarrier.arrive $0xFFFF  }
0x6a: {  	_ =	shalt  }

// kernel: kernel.21.cloned.1.call-start
scs
__scs_entry_jumppad:
0x0: {  	(pc) =	sbr.rel $0x88, $3  }
0x1: {  	(tag) =	ssettag $0x0;
	lr =	simm.s32 $0x1  }
0x2: {  	[smem:$0x3F88] =	sst lr;
	_ =	strace $0xD0000000  }
0x3: {  	_ = 	snop  }
0x4: {  	_ = 	snop  }
0x5: {  	_ = 	snop  }
0x6: {  	_ = 	snop  }
0x7: {  	_ = 	snop  }
__scs_overlays_trampoline_lowered:
0x8: {  	[smem:$0x3F97] =	sst s0  }
0x9: {  	[smem:$0x3F98] =	sst s1  }
0xa: {  	[smem:$0x3F99] =	sst s2  }
0xb: {  	[smem:$0x3F9A] =	sst s3  }
0xc: {  	[smem:$0x3F9B] =	sst s4  }
0xd: {  	[smem:$0x3F9C] =	sst s5  }
0xe: {  	[smem:$0x3F9D] =	sst s6  }
0xf: {  	[smem:$0x3F9E] =	sst s7  }
0x10: {  	[smem:$0x3F9F] =	sst s8  }
0x11: {  	[smem:$0x3FA0] =	sst s9;
	s0 =	simm.s32 @!p0 $0x0  }
0x12: {  	s1 =	sld [smem:$0x3F86];
	s0 =	simm.s32 @p0 $0x1  }
0x13: {  	[smem:$0x3FA1] =	sst s0;
	s0 =	simm.s32 @!p1 $0x0  }
0x14: {  	s2 =	sld [smem:$0x3F85];
	s0 =	simm.s32 @p1 $0x1  }
0x15: {  	[smem:$0x3FA2] =	sst s0;
	s0 =	simm.s32 @!p2 $0x0  }
0x16: {  	s3 =	sld [smem:$0x3FDB];
	s0 =	simm.s32 @p2 $0x1  }
0x17: {  	s4 =	simm.s32 $0x1BF5;
	[smem:$0x3FA4] =	sst s0  }
0x18: {  	s0 =	sld [smem:$0x3F87];
	_ =	swait.ge [sflag:s4], $0x0  }
0x19: {  	s7 =	sld [smem:$0x3F88]  }
0x1a: {  	s8 =	sadd.s32 $0xFFFFE003, lr  }
0x1b: {  	s9 =	sadd.s32 $0xFFFFFEF7, lr;
	s5 =	simm.s32 $0xFFFFFFFF;
	p2 =	slt.u32 s8, $0xFFFFF086  }
0x1c: {  	p1 =	slt.u32 s9, $0xF7A;
	s5 =	simm.s32 @!p2 $0x0  }
0x1d: {  	s5 =	simm.s32 @p1 $0x1;
	p0 =	seq.s32 s7, s2  }
0x1e: {  	s7 =	smul.u32 @!p0 $0xF7A, s2;
	p2 =	seq.s32 @!p0 s5, $0x0  }
0x1f: {  	s9 =	smul.u32 $0xF7A, s1;
	s8 =	simm.s32 @!p0 $0x1BF5;
	p2 =	por !p2, p0  }
0x20: {  	[sflag:s8] =	ssyncset.s32 @!p0 $0xFFFFF086;
	s6 =	sadd.s32 @!p0 s3, s7;
	s7 =	simm.s32 @!p0 $0x108  }
0x21: {  	s3 =	sadd.s32 s3, s9;
	s6 =	sadd.s32 @!p0 $0x88, s6;
	s7 =	simm.s32 @p2 $0x1082  }
0x22: {  	[simem:s7], [sflag:s8] =	dma.local @!p0 [hbm:s6], $0xF7A  }
0x23: {  	s9 =	sor.u32 $0xD0000000, s2;
	s6 =	simm.s32 $0x108;
	_ =	swait.ge @!p0 [sflag:s8], $0x0  }
0x24: {  	s3 =	sadd.s32 $0x88, s3;
	s6 =	simm.s32 @!p1 $0x1082;
	[sflag:s4] =	ssyncset.s32 $0xFFFFF086  }
0x25: {  	[simem:s6], [sflag:s4] =	dma.local [hbm:s3], $0xF7A  }
0x26: {  	[smem:$0x3F88] =	sst s1;
	(tag) =	ssettag s2;
	_ =	strace s9  }
0x27: {  	s1 =	sld [smem:$0x3F98]  }
0x28: {  	s2 =	sld [smem:$0x3F99]  }
0x29: {  	s4 =	sld [smem:$0x3F9B]  }
0x2a: {  	p0 =	seq.s32 s5, $0x0;
	s5 =	sld [smem:$0x3F9C]  }
0x2b: {  	s6 =	sld [smem:$0x3F9D]  }
0x2c: {  	s7 =	sld [smem:$0x3F9E]  }
0x2d: {  	s3 =	simm.s32 $0x108;
	s8 =	sld [smem:$0x3F9F]  }
0x2e: {  	s3 =	simm.s32 @!p0 $0x1082;
	s9 =	sld [smem:$0x3FA0]  }
0x2f: {  	lr =	sadd.s32 s0, s3;
	s0 =	sld [smem:$0x3F97]  }
0x30: {  	s3 =	sld [smem:$0x3F9A]  }
0x31: {  	[smem:$0x3FA3] =	sst s10  }
0x32: {  	s10 =	sld [smem:$0x3FA1];
	_ =	sdelay $0x3  }
0x33: {  	p0 =	seq.s32 s10, $0x1;
	s10 =	sld [smem:$0x3FA3];
	_ =	sdelay $0x3  }
0x34: {  	[smem:$0x3FA3] =	sst s10  }
0x35: {  	s10 =	sld [smem:$0x3FA2];
	_ =	sdelay $0x3  }
0x36: {  	p1 =	seq.s32 s10, $0x1;
	s10 =	sld [smem:$0x3FA3];
	_ =	sdelay $0x3  }
0x37: {  	[smem:$0x3FA3] =	sst s10  }
0x38: {  	s10 =	sld [smem:$0x3FA4]  }
0x39: {  	_ = 	snop;
	(pc) =	sbr.ind lr, $3  }
0x3a: {  	_ = 	snop  }
0x3b: {  	_ = 	snop  }
0x3c: {  	p2 =	seq.s32 s10, $0x1;
	s10 =	sld [smem:$0x3FA3]  }
0x3d: {  	_ =	shalt  }
0x3e: {  	_ =	shalt  }
0x3f: {  	_ =	shalt  }
0x40: {  	_ =	shalt  }
0x41: {  	_ =	shalt  }
0x42: {  	_ =	shalt  }
0x43: {  	_ =	shalt  }
0x44: {  	_ =	shalt  }
0x45: {  	_ =	shalt  }
0x46: {  	_ =	shalt  }
0x47: {  	_ =	shalt  }
0x48: {  	_ =	shalt  }
0x49: {  	_ =	shalt  }
0x4a: {  	_ =	shalt  }
0x4b: {  	_ =	shalt  }
0x4c: {  	_ =	shalt  }
0x4d: {  	_ =	shalt  }
0x4e: {  	_ =	shalt  }
0x4f: {  	_ =	shalt  }
0x50: {  	_ =	shalt  }
0x51: {  	_ =	shalt  }
0x52: {  	_ =	shalt  }
0x53: {  	_ =	shalt  }
0x54: {  	_ =	shalt  }
0x55: {  	_ =	shalt  }
0x56: {  	_ =	shalt  }
0x57: {  	_ =	shalt  }
0x58: {  	_ =	shalt  }
0x59: {  	_ =	shalt  }
0x5a: {  	_ =	shalt  }
0x5b: {  	_ =	shalt  }
0x5c: {  	_ =	shalt  }
0x5d: {  	_ =	shalt  }
0x5e: {  	_ =	shalt  }
0x5f: {  	_ =	shalt  }
0x60: {  	_ =	shalt  }
0x61: {  	_ =	shalt  }
0x62: {  	_ =	shalt  }
0x63: {  	_ =	shalt  }
0x64: {  	_ =	shalt  }
0x65: {  	_ =	shalt  }
0x66: {  	_ =	shalt  }
0x67: {  	_ =	shalt  }
0x68: {  	_ =	shalt  }
0x69: {  	_ =	shalt  }
0x6a: {  	_ =	shalt  }
0x6b: {  	_ =	shalt  }
0x6c: {  	_ =	shalt  }
0x6d: {  	_ =	shalt  }
0x6e: {  	_ =	shalt  }
0x6f: {  	_ =	shalt  }
0x70: {  	_ =	shalt  }
0x71: {  	_ =	shalt  }
0x72: {  	_ =	shalt  }
0x73: {  	_ =	shalt  }
0x74: {  	_ =	shalt  }
0x75: {  	_ =	shalt  }
0x76: {  	_ =	shalt  }
0x77: {  	_ =	shalt  }
0x78: {  	_ =	shalt  }
0x79: {  	_ =	shalt  }
0x7a: {  	_ =	shalt  }
0x7b: {  	_ =	shalt  }
0x7c: {  	_ =	shalt  }
0x7d: {  	_ =	shalt  }
0x7e: {  	_ =	shalt  }
0x7f: {  	_ =	shalt  }
0x80: {  	_ =	shalt  }
0x81: {  	_ =	shalt  }
0x82: {  	_ =	shalt  }
0x83: {  	_ =	shalt  }
0x84: {  	_ =	shalt  }
0x85: {  	_ =	shalt  }
0x86: {  	_ =	shalt  }
0x87: {  	_ =	shalt  }
.Lfunc_end0:
.L_simem_size_0:
called_computation.3_lowered:
.L_overlay_start_0:
0x88: {  	s2 =	sld [smem:$0x3FD9]  }
0x89: {  	s3 =	sld [smem:$0x3FFE];
	_ =	sdelay $0x1  }
0x8a: {  	s1 =	srdreg.scid  }
0x8b: {  	s0 =	sand.u32 $0x1, s1  }
0x8c: {  	s16 =	sshll.u32 s0, $0xA;
	s2 =	sadd.s32 s3, s2  }
0x8d: {  	s2 =	sadd.s32 s2, s16  }
0x8e: {  	[smem:$0x3FAF] =	sst s2  }
0x8f: {  	_ = 	snop  }
0x90: {  	(tm) =	ssettm $0x1  }
0x91: {  	s17 =	sld [smem:$0x3FFB];
	_ =	sdelay $0x3  }
0x92: {  	_ =	strace s17  }
0x93: {  	s2 =	sld [smem:$0x3FFC];
	_ =	sdelay $0x3  }
0x94: {  	_ =	strace s2  }
0x95: {  	s2 =	sld [smem:$0x3FFD];
	_ =	sdelay $0x3  }
0x96: {  	_ =	strace s2  }
0x97: {  	_ =	strace $0x8FFFFFFF  }
0x98: {  	s18 =	sld [smem:$0x3FDB];
	_ =	sdelay $0x1  }
0x99: {  	s19 =	simm.s32 $_scs_section_size  }
0x9a: {  	s4 =	simm.s32 $_size__tile_overlayer_lowered;
	s5 =	simm.s32 $_tile_overlayer_lowered  }
0x9b: {  	s22 =	simm.s32 $0x1BFF;
	s21 =	sshll.u32 s5, $0x1;
	s2 =	sadd.s32 s19, s18  }
0x9c: {  	s6 =	simm.s32 $0x0;
	s20 =	sshll.u32 s4, $0x1;
	s4 =	sadd.s32 s21, s2  }
0x9d: {  	[timem:s6], [sflag:s22] =	dma.local [hbm:s4], s20  }
0x9e: {  	_ =	swait.ge [sflag:s22], s20  }
0x9f: {  	s3 =	ssub.s32 $0x0, s20;
	[sflag:s22] =	ssyncset.done $0x0  }
0xa0: {  	[sflag:s22] =	ssyncadd.s32 s3;
	_ =	sdelay $0x1  }
0xa1: {  	s23 =	simm.s32 $0x1B8B  }
0xa2: {  	_ =	swait.ge [sflag:s23], $0x1  }
0xa3: {  	[sflag:s23] =	ssyncset.done $0x0  }
0xa4: {  	s25 =	simm.s32 $0x1B8E;
	s24 =	sld [smem:$0x3FFE];
	[sflag:s23] =	ssyncadd.s32 $0xFFFFFFFF  }
0xa5: {  	s26 =	simm.s32 $execute0_lowered;
	[smem:$0x3FD2] =	sst s25  }
0xa6: {  	s4 =	sshll.u32 s26, $0x1;
	_ =	strace $0x8000004F;
	[dreg:$0x1] =	wrdreg $0xFFFFFFFF  }
0xa7: {  	s28 =	simm.s32 $_size_execute0_lowered;
	s2 =	sadd.s32 s2, s4;
	[dreg:$0x0] =	wrdreg $0x0  }
0xa8: {  	s4 =	sshll.u32 s28, $0x1;
	[dreg:$0x2] =	wrdreg s2  }
0xa9: {  	[dreg:$0x3] =	wrdreg s4  }
0xaa: {  	[dreg:$0x4] =	wrdreg $0xC0  }
0xab: {  	_ =	task [dreg:s6], $0x5FFFF  }
0xac: {  	[dreg:$0x1] =	wrdreg $0xFFFFFFFF  }
0xad: {  	[dreg:$0x0] =	wrdreg $0x60  }
0xae: {  	[dreg:$0x2] =	wrdreg s24  }
0xaf: {  	[dreg:$0x3] =	wrdreg $0xA0000  }
0xb0: {  	[dreg:$0x4] =	wrdreg $0x9  }
0xb1: {  	_ =	task.clear_ibuf [dreg:s6], $0x5FFFF;
	_ =	strace $0x9000004F  }
0xb2: {  	s29 =	simm.s32 $0x9;
	_ =	strace $0x80000051  }
0xb3: {  	_ =	swait.ge [sflag:s29], $0x1  }
0xb4: {  	[sflag:s29] =	ssyncadd.s32 $0xFFFFFFFF  }
0xb5: {  	_ =	strace $0x90000051  }
0xb6: {  	_ =	sfence  }
0xb7: {  	s30 =	sld [smem:$0x0];
	_ =	sdelay $0x2  }
0xb8: {  	s31 =	sshll.u32 s1, $0xD;
	s1 =	sshrl.u32 s1, $0x2  }
0xb9: {  	s3 =	sand.u32 $0x4000, s31;
	s1 =	sadd.s32 s1, s30  }
0xba: {  	s0 =	sor.u32 s3, s0;
	s1 =	sshll.u32 s1, $0x11  }
0xbb: {  	s0 =	sor.u32 s1, s0  }
0xbc: {  	s0 =	sadd.s32 $0x8F2B, s0  }
0xbd: {  	[sflag:s0] =	ssyncadd.remote.s32 $0x1  }
0xbe: {  	_ =	sfence.sel $0xFFFF  }
0xbf: {  	[dreg:$0x0] =	wrdreg $0xFFFFFFFF;
	(pc) =	sbr.abs _section_cstart, $3  }
0xc0: {  	[dreg:$0x1] =	wrdreg $0xFFFFFFFF  }
0xc1: {  	_ =	task.clear_ibuf [dreg:s6], $0x2FFFF;
	_ =	strace $0x9FFFFFFF  }
0xc2: {  	(tm) =	ssettm $0x7FFFFFFF  }
0xc3: {  	_ =	shalt  }
tec
execute0_lowered:
.L_overlay_start_1:
0x0: {  	(tag) =	ssettag $0x1  }
0x1: {  	s8 =	rddreg [dreg:$0x0]  }
0x2: {  	s1 =	rddreg [dreg:$0x1]  }
0x3: {  	s2 =	srdreg.scid;
	s0 =	rddreg [dreg:$0x2]  }
0x4: {  	s3 =	simm.s32 $0x0;
	s17 =	simm.s32 $0x2000;
	s18 =	simm.s32 $0x6000  }
0x5: {  	s19 =	simm.s32 $0x1;
	s20 =	simm.s32 $0x2;
	s21 =	simm.s32 $0x3  }
0x6: {  	s22 =	simm.s32 $0x4;
	s23 =	simm.s32 $0x1F00;
	s24 =	simm.s32 $0x1F80  }
0x7: {  	s9 =	sand.u32 $0x1, s2;
	s2 =	stileid.u32;
	[smem:$0x7FF] =	sst s3  }
0x8: {  	s4 =	sadd.s32 $0x10200, s8;
	s5 =	sadd.s32 $0xB8A00, s8;
	s10 =	smul.u32 $0x13C000, s9  }
0x9: {  	s6 =	sadd.s32 $0x3A00, s8;
	s7 =	sadd.s32 $0xDA00, s8;
	s11 =	smul.u32 $0x13C00, s2  }
0xa: {  	_ =	strace $0x80000050;
	s28 =	ssub.s32 $0x2, s9;
	s12 =	smul.u32 $0x4F000, s2  }
0xb: {  	s14 =	smul.u32 $0x50000, s9;
	s31 =	sshll.u32 s2, $0x6;
	s29 =	sshrl.u32 s28, $0x1  }
0xc: {  	s9 =	sor.u32 $0x1C05, s31;
	s10 =	sadd.s32 s11, s10;
	s30 =	sshrl.u32 s12, $0x2  }
0xd: {  	s15 =	ssub.s32 s28, s29;
	s10 =	sshrl.u32 s10, $0x3;
	s16 =	sadd.s32 s30, s1  }
0xe: {  	s12 =	smax.u32 s15, $0x1;
	s13 =	sadd.s32 s10, s8;
	s8 =	smul.u32 $0x5000, s2  }
0xf: {  	s15 =	simm.s32 $0x1000;
	s11 =	sadd.s32 $0x5E400, s13;
	s13 =	sshrl.u32 s16, $0x3  }
0x10: {  	s16 =	simm.s32 $0x80;
	s10 =	sadd.s32 s14, s8;
	s14 =	simm.s32 $0x5  }
.LBB2_1:
0x11: {  	[spmem:s13], [sflag:s9] =	dma.local [hbm:s7], $0x2780  }
0x12: {  	_ =	swait.ge [sflag:s14], $0x2780  }
0x13: {  	[sflag:s14] =	ssyncset.done $0x0  }
0x14: {  	[sflag:s14] =	ssyncadd.s32 $0xFFFFD880  }
0x15: {  	s25 =	simm.s32 $0x0;
	[bflag:$0x0] =	sbarrier.arrive $0xFFFF  }
.LBB2_2:
0x16: {  	s26 =	sshll.u32 s25, $0xC  }
0x17: {  	s28 =	sadd.s32 s10, s26  }
0x18: {  	s28 =	sshrl.u32 s28, $0x3  }
0x19: {  	s29 =	simm.s32 $0x0;
	s28 =	sadd.s32 s5, s28  }
0x1a: {  	[tilespmem:s29], [sflag:$0x5] =	stream.linear.gather [hbm4b:s28+s29], $0x1000, $0x38;
	[tilespmem:$0x1DC00] =	vst v63  }
0x1b: {  	s26 =	sadd.s32 s8, s26;
	_ =	swait.ge [sflag:s14], $0x1000  }
0x1c: {  	s26 =	sshrl.u32 s26, $0x3;
	[sflag:s14] =	ssyncset.done $0x0  }
0x1d: {  	s26 =	sadd.s32 s6, s26;
	[sflag:s14] =	ssyncadd.s32 $0xFFFFF000  }
0x1e: {  	[tilespmem:s15], [sflag:$0x5] =	stream.linear.gather [hbm4b:s26+s29], $0x1000, $0x38;
	[tilespmem:$0x1DC00] =	vst v63  }
0x1f: {  	_ =	swait.ge [sflag:s14], $0x1000  }
0x20: {  	[sflag:s14] =	ssyncset.done $0x0  }
0x21: {  	[sflag:s14] =	ssyncadd.s32 $0xFFFFF000  }
0x22: {  	[tilespmem:s17], [sflag:$0x1] =	stream.indirect.gather [hbm4b:s4+s16], $0x80, s29, s16, $0xb8;
	[tilespmem:$0x1DC00] =	vst v63  }
0x23: {  	_ = 	snop  }
0x24: {  	[tilespmem:s18], [sflag:$0x2] =	stream.indirect.gather [hbm4b:s4+s16], $0x80, s16, s16, $0xb8;
	[tilespmem:$0x1DC00] =	vst v63  }
0x25: {  	_ =	swait.ge [sflag:s19], $0x4000  }
0x26: {  	[sflag:s19] =	ssyncset.done $0x0  }
0x27: {  	s29 =	simm.s32 $0x1000;
	[sflag:s19] =	ssyncadd.s32 $0xFFFFC000  }
0x28: {  	[spmem:s1] =	stream.indirect.scatter.add.f32 [tilespmem:s17], [sflag:$0x3], $0x80, s29, s16, $0xb8;
	[tilespmem:$0x1DC00] =	vst v63  }
0x29: {  	_ =	swait.ge [sflag:s20], $0x4000  }
0x2a: {  	[sflag:s20] =	ssyncset.done $0x0  }
0x2b: {  	s30 =	simm.s32 $0x1080;
	[sflag:s20] =	ssyncadd.s32 $0xFFFFC000  }
0x2c: {  	[spmem:s1] =	stream.indirect.scatter.add.f32 [tilespmem:s18], [sflag:$0x4], $0x80, s30, s16, $0xb8;
	[tilespmem:$0x1DC00] =	vst v63  }
0x2d: {  	_ =	swait.ge [sflag:s21], $0x4000  }
0x2e: {  	[sflag:s21] =	ssyncset.done $0x0  }
0x2f: {  	s31 =	simm.s32 $0x100;
	[sflag:s21] =	ssyncadd.s32 $0xFFFFC000  }
0x30: {  	[tilespmem:s17], [sflag:$0x1] =	stream.indirect.gather [hbm4b:s4+s16], $0x80, s31, s16, $0xb8;
	[tilespmem:$0x1DC00] =	vst v63  }
0x31: {  	_ =	swait.ge [sflag:s22], $0x4000  }
0x32: {  	[sflag:s22] =	ssyncset.done $0x0  }
0x33: {  	s28 =	simm.s32 $0x180;
	s26 =	simm.s32 $0x400;
	[sflag:s22] =	ssyncadd.s32 $0xFFFFC000  }
.LBB2_3:
0x34: {  	[tilespmem:s18], [sflag:$0x2] =	stream.indirect.gather [hbm4b:s4+s16], $0x80, s28, s16, $0xb8;
	[tilespmem:$0x1DC00] =	vst v63  }
0x35: {  	s28 =	smov.u32 s26  }
0x36: {  	p0 =	sne.s32 s26, $0x3800;
	s26 =	sadd.s32 $0x400, s26;
	_ =	swait.ge [sflag:s19], $0x4000  }
0x37: {  	s28 =	sshra.s32 s28, $0x2;
	[sflag:s19] =	ssyncset.done $0x0  }
0x38: {  	s29 =	sadd.s32 $0x1000, s28;
	[sflag:s19] =	ssyncadd.s32 $0xFFFFC000  }
0x39: {  	[spmem:s1] =	stream.indirect.scatter.add.f32 [tilespmem:s17], [sflag:$0x3], $0x80, s29, s16, $0xb8;
	[tilespmem:$0x1DC00] =	vst v63  }
0x3a: {  	_ =	swait.ge [sflag:s20], $0x4000  }
0x3b: {  	[sflag:s20] =	ssyncset.done $0x0  }
0x3c: {  	s29 =	sadd.s32 $0x1080, s28;
	[sflag:s20] =	ssyncadd.s32 $0xFFFFC000  }
0x3d: {  	[spmem:s1] =	stream.indirect.scatter.add.f32 [tilespmem:s18], [sflag:$0x4], $0x80, s29, s16, $0xb8;
	[tilespmem:$0x1DC00] =	vst v63  }
0x3e: {  	_ =	swait.ge [sflag:s21], $0x4000  }
0x3f: {  	[sflag:s21] =	ssyncset.done $0x0  }
.Ltmp0:
0x40: {  	s29 =	sadd.s32 $0x100, s28;
	[sflag:s21] =	ssyncadd.s32 $0xFFFFC000;
	(pc) =	sbr.rel @p0 .LBB2_3-.Ltmp0, $4  }
0x41: {  	[tilespmem:s17], [sflag:$0x1] =	stream.indirect.gather [hbm4b:s4+s16], $0x80, s29, s16, $0xb8;
	[tilespmem:$0x1DC00] =	vst v63  }
0x42: {  	_ =	swait.ge [sflag:s22], $0x4000  }
0x43: {  	[sflag:s22] =	ssyncset.done $0x0  }
0x44: {  	s28 =	sadd.s32 $0x180, s28;
	[sflag:s22] =	ssyncadd.s32 $0xFFFFC000  }
0x45: {  	[tilespmem:s18], [sflag:$0x2] =	stream.indirect.gather [hbm4b:s4+s16], $0x80, s28, s16, $0xb8;
	[tilespmem:$0x1DC00] =	vst v63  }
0x46: {  	_ =	swait.ge [sflag:s19], $0x4000  }
0x47: {  	[sflag:s19] =	ssyncset.done $0x0  }
0x48: {  	[sflag:s19] =	ssyncadd.s32 $0xFFFFC000  }
0x49: {  	[spmem:s1] =	stream.indirect.scatter.add.f32 [tilespmem:s17], [sflag:$0x3], $0x80, s23, s16, $0xb8;
	[tilespmem:$0x1DC00] =	vst v63  }
0x4a: {  	_ =	swait.ge [sflag:s20], $0x4000  }
0x4b: {  	[sflag:s20] =	ssyncset.done $0x0  }
0x4c: {  	s25 =	sadd.s32 $0x1, s25;
	[sflag:s20] =	ssyncadd.s32 $0xFFFFC000  }
0x4d: {  	[spmem:s1] =	stream.indirect.scatter.add.f32 [tilespmem:s18], [sflag:$0x4], $0x80, s24, s16, $0xb8;
	[tilespmem:$0x1DC00] =	vst v63  }
0x4e: {  	p0 =	sne.s32 s25, $0x5;
	_ =	swait.ge [sflag:s21], $0x4000  }
.Ltmp1:
0x4f: {  	[sflag:s21] =	ssyncset.done $0x0;
	(pc) =	sbr.rel @p0 .LBB2_2-.Ltmp1, $4  }
0x50: {  	[sflag:s21] =	ssyncadd.s32 $0xFFFFC000  }
0x51: {  	_ =	swait.ge [sflag:s22], $0x4000  }
0x52: {  	[sflag:s22] =	ssyncset.done $0x0  }
0x53: {  	[sflag:s22] =	ssyncadd.s32 $0xFFFFC000  }
0x54: {  	s3 =	sadd.s32 $0x1, s3  }
0x55: {  	p0 =	sne.s32 s3, s12  }
.Ltmp2:
0x56: {  	[bflag:$0x0] =	sbarrier.arrive $0xFFFF;
	(pc) =	sbr.rel @p0 .LBB2_1-.Ltmp2, $4  }
0x57: {  	[hbm:s11], [sflag:s9] =	dma.local [spmem:s13], $0x2780  }
0x58: {  	_ =	swait.ge [sflag:s14], $0x2780  }
0x59: {  	[sflag:s14] =	ssyncset.done $0x0  }
0x5a: {  	[sflag:s14] =	ssyncadd.s32 $0xFFFFD880  }
0x5b: {  	_ =	sfence.sel $0x180000  }
0x5c: {  	[bflag:$0x0] =	sbarrier.arrive $0xFFFF  }
0x5d: {  	p0 =	sne.s32 s2, $0x0;
	_ =	strace $0x90000050  }
0x5e: {  	s0 =	sadd.s32 @!p0 $0x100000, s0;
	[bflag:$0x2] =	sbarrier.arrive $0xFFFF  }
0x5f: {  	[sflag:s0] =	ssyncadd.tile.s32 @!p0 $0x1;
	_ =	shalt  }
.Lfunc_end2:
_tile_overlayer_lowered:
.L_overlay_start_2:
0x60: {  	(tag) =	ssettag $0x2  }
0x61: {  	s0 =	rddreg [dreg:$0x0];
	s2 =	stileid.u32  }
0x62: {  	s1 =	rddreg [dreg:$0x1];
	p0 =	sne.s32 s2, $0x0  }
0x63: {  	s3 =	rddreg [dreg:$0x2];
	[bflag:$0x3] =	sbarrier.arrive $0xFFFF;
	s2 =	simm.s32 @!p0 $0x1C05  }
0x64: {  	[timem:s3], [sflag:s2] =	dma.local @!p0 [hbm:s0], s1  }
0x65: {  	s0 =	simm.s32 @!p0 $0x5  }
0x66: {  	_ =	swait.ge @!p0 [sflag:s0], s1  }
0x67: {  	s1 =	ssub.s32 @!p0 $0x0, s1;
	[sflag:s0] =	ssyncset.done @!p0 $0x0  }
0x68: {  	[sflag:s0] =	ssyncadd.s32 @!p0 s1  }
0x69: {  	[bflag:$0x3] =	sbarrier.arrive $0xFFFF  }
0x6a: {  	_ =	shalt  }

</sc_bundles>
